<compile_context>
chip_gen: v7x
topology: tpu7x:2x2x1
jax: 0.10.2.dev20260603
libtpu: 0.0.44.dev20260713+nightly
codegen_flags: <defaults>
</compile_context>

<pallas_src>
import functools
import jax
import jax.numpy as jnp
from jax import lax
from jax.experimental import pallas as pl
from jax.experimental.pallas import tpu as pltpu
from jax.experimental.pallas import tpu_sc as plsc

N = 10000
E = 320000
IN_DIM = 128
HID = 64
OUT = 32

ROW_BLK = 2000

NPAD = 10240
EPAD = 327680
NTILES = 32
EPT = EPAD // NTILES
CHUNK = 128
NCHUNK = EPT // CHUNK
NACC = 10112
ROWS_PT = NACC // 16
GW = 128



def _stage1_body(x_ref, w1_ref, as_ref, ad_ref, xp_ref, a_out_ref):
    xp = jnp.dot(x_ref[...], w1_ref[...], preferred_element_type=jnp.float32)
    a_s = xp @ as_ref[...].T
    a_d = xp @ ad_ref[...].T
    pad = jnp.zeros((xp.shape[0], GW - HID), jnp.float32)
    xp_ref[...] = jnp.concatenate([xp, pad], axis=1)
    a_out_ref[...] = jnp.concatenate([a_s, a_d], axis=1)


def _stage1(features, W1, att_s, att_d):
    grid = (N // ROW_BLK,)
    xp, a = pl.pallas_call(
        _stage1_body,
        grid=grid,
        in_specs=[
            pl.BlockSpec((ROW_BLK, IN_DIM), lambda i: (i, 0)),
            pl.BlockSpec((IN_DIM, HID), lambda i: (0, 0)),
            pl.BlockSpec((1, HID), lambda i: (0, 0)),
            pl.BlockSpec((1, HID), lambda i: (0, 0)),
        ],
        out_specs=[
            pl.BlockSpec((ROW_BLK, GW), lambda i: (i, 0)),
            pl.BlockSpec((ROW_BLK, 2), lambda i: (i, 0)),
        ],
        out_shape=[
            jax.ShapeDtypeStruct((N, GW), jnp.float32),
            jax.ShapeDtypeStruct((N, 2), jnp.float32),
        ],
    )(features, W1, att_s.reshape(1, HID), att_d.reshape(1, HID))
    return xp, a[:, 0], a[:, 1]


def _stage2_body(accp_ref, w2_ref, h2_ref, xp3_ref, den_ref):
    p = accp_ref[0] + accp_ref[1]
    den = p[:, HID:HID + 1] + 1e-16
    out1 = p[:, :HID] / den
    h1 = jnp.where(out1 > 0, out1, jnp.exp(out1) - 1.0)
    w2 = w2_ref[...]
    h2 = jnp.dot(h1, w2, preferred_element_type=jnp.float32)
    h2_ref[...] = h2
    xp3 = jnp.dot(h2, w2.T, preferred_element_type=jnp.float32)
    xp3_ref[...] = jnp.concatenate(
        [xp3, jnp.zeros((xp3.shape[0], GW - HID), jnp.float32)], axis=1)
    den_ref[...] = den


def _stage2(acc1p, W2):
    grid = (N // ROW_BLK,)
    h2, xp3, den = pl.pallas_call(
        _stage2_body,
        grid=grid,
        in_specs=[
            pl.BlockSpec((2, ROW_BLK, GW), lambda i: (0, i, 0)),
            pl.BlockSpec((HID, OUT), lambda i: (0, 0)),
        ],
        out_specs=[
            pl.BlockSpec((ROW_BLK, OUT), lambda i: (i, 0)),
            pl.BlockSpec((ROW_BLK, GW), lambda i: (i, 0)),
            pl.BlockSpec((ROW_BLK, 1), lambda i: (i, 0)),
        ],
        out_shape=[
            jax.ShapeDtypeStruct((N, OUT), jnp.float32),
            jax.ShapeDtypeStruct((N, GW), jnp.float32),
            jax.ShapeDtypeStruct((N, 1), jnp.float32),
        ],
    )(acc1p, W2)
    return h2, xp3, den


def _stage3_body(accp_ref, den_ref, w1_ref, h4_ref):
    p = accp_ref[0] + accp_ref[1]
    out3 = p[:, :HID] / den_ref[...]
    h3 = jnp.where(out3 > 0, out3, jnp.exp(out3) - 1.0)
    h4_ref[...] = jnp.dot(h3, w1_ref[...].T, preferred_element_type=jnp.float32)


def _stage3(acc3p, den, W1):
    grid = (N // ROW_BLK,)
    h4 = pl.pallas_call(
        _stage3_body,
        grid=grid,
        in_specs=[
            pl.BlockSpec((2, ROW_BLK, GW), lambda i: (0, i, 0)),
            pl.BlockSpec((ROW_BLK, 1), lambda i: (i, 0)),
            pl.BlockSpec((IN_DIM, HID), lambda i: (0, 0)),
        ],
        out_specs=pl.BlockSpec((ROW_BLK, IN_DIM), lambda i: (i, 0)),
        out_shape=jax.ShapeDtypeStruct((N, IN_DIM), jnp.float32),
    )(acc3p, den, W1)
    return h4



_SC_MESH = plsc.VectorSubcoreMesh(core_axis_name="c", subcore_axis_name="s")


def _zero_rows(rows):
    def zloop(i, _):
        z = jnp.zeros((16,), jnp.float32)
        for c in range(GW // 16):
            rows[i, pl.ds(c * 16, 16)] = z
        return 0
    lax.fori_loop(0, CHUNK, zloop, 0)


def _zero_acc(zsrc, acc, sid):
    r0 = sid * ROWS_PT
    for off in range(0, ROWS_PT, CHUNK):
        sz = min(CHUNK, ROWS_PT - off)
        pltpu.sync_copy(zsrc.at[pl.ds(0, sz)], acc.at[pl.ds(r0 + off, sz)])


def _copy_out(acc, out_hbm, cid, sid):
    r0 = sid * ROWS_PT
    pltpu.sync_copy(acc.at[pl.ds(r0, ROWS_PT)], out_hbm.at[cid, pl.ds(r0, ROWS_PT)])


def _conv1_edge_body(ed, asF, adF, xpF,
                     w_out, accp_out,
                     asv, adv, srcv, dstv, wv, rows, acc, sem):
    cid = lax.axis_index("c")
    sid = lax.axis_index("s")
    tid = cid * 16 + sid
    ebase = tid * EPT

    _zero_rows(rows)
    _zero_acc(rows, acc, sid)
    pltpu.sync_copy(asF.at[:], asv)
    pltpu.sync_copy(adF.at[:], adv)
    plsc.subcore_barrier()

    def chunk(k, _):
        eb = ebase + k * CHUNK
        pltpu.sync_copy(ed.at[pl.ds(eb, CHUNK)], srcv)
        pltpu.sync_copy(ed.at[pl.ds(EPAD + eb, CHUNK)], dstv)

        cp = pltpu.async_copy(xpF.at[srcv], rows, sem)

        def logit(i, _):
            s16 = srcv[pl.ds(i * 16, 16)]
            d16 = dstv[pl.ds(i * 16, 16)]
            av = plsc.load_gather(asv, [s16])
            bv = plsc.load_gather(adv, [d16])
            x = av + bv
            sig = 1.0 / (1.0 + jnp.exp(-x))
            w16 = jnp.exp(sig)
            e16 = jax.lax.iota(jnp.int32, 16) + (eb + i * 16)
            wv[pl.ds(i * 16, 16)] = jnp.where(e16 < E, w16, 0.0)
            return 0
        lax.fori_loop(0, CHUNK // 16, logit, 0, unroll=4)
        pltpu.sync_copy(wv, w_out.at[pl.ds(eb, CHUNK)])
        cp.wait()

        def scale(e, _):
            ws = plsc.load_gather(wv, [jnp.broadcast_to(e, (16,))])
            for c in range(HID // 16):
                rows[e, pl.ds(c * 16, 16)] = rows[e, pl.ds(c * 16, 16)] * ws
            rows[e, pl.ds(HID, 16)] = ws
            return 0
        lax.fori_loop(0, CHUNK, scale, 0, unroll=8)

        pltpu.sync_copy(rows, acc.at[dstv], add=True)
        return 0

    lax.fori_loop(0, NCHUNK, chunk, 0)
    plsc.subcore_barrier()
    _copy_out(acc, accp_out, cid, sid)


def _conv1_edges(ed, a_s, a_d, xp1):
    kfn = pl.kernel(
        _conv1_edge_body,
        out_type=[
            jax.ShapeDtypeStruct((EPAD,), jnp.float32),
            jax.ShapeDtypeStruct((2, NACC, GW), jnp.float32),
        ],
        mesh=_SC_MESH,
        compiler_params=pltpu.CompilerParams(needs_layout_passes=False),
        scratch_types=[
            pltpu.VMEM((N,), jnp.float32),
            pltpu.VMEM((N,), jnp.float32),
            pltpu.VMEM((CHUNK,), jnp.int32),
            pltpu.VMEM((CHUNK,), jnp.int32),
            pltpu.VMEM((CHUNK,), jnp.float32),
            pltpu.VMEM((CHUNK, GW), jnp.float32),
            pltpu.VMEM_SHARED((NACC, GW), jnp.float32),
            pltpu.SemaphoreType.DMA,
        ],
    )
    return kfn(ed, a_s, a_d, xp1)


def _conv3_edge_body(ed, wF, xpF,
                     accp_out,
                     srcv, dstv, wv, rows, acc, sem):
    cid = lax.axis_index("c")
    sid = lax.axis_index("s")
    tid = cid * 16 + sid
    ebase = tid * EPT

    _zero_rows(rows)
    _zero_acc(rows, acc, sid)
    plsc.subcore_barrier()

    def chunk(k, _):
        eb = ebase + k * CHUNK
        pltpu.sync_copy(ed.at[pl.ds(eb, CHUNK)], srcv)
        cp = pltpu.async_copy(xpF.at[srcv], rows, sem)
        pltpu.sync_copy(ed.at[pl.ds(EPAD + eb, CHUNK)], dstv)
        pltpu.sync_copy(wF.at[pl.ds(eb, CHUNK)], wv)
        cp.wait()

        def scale(e, _):
            ws = plsc.load_gather(wv, [jnp.broadcast_to(e, (16,))])
            for c in range(HID // 16):
                rows[e, pl.ds(c * 16, 16)] = rows[e, pl.ds(c * 16, 16)] * ws
            return 0
        lax.fori_loop(0, CHUNK, scale, 0, unroll=8)

        pltpu.sync_copy(rows, acc.at[dstv], add=True)
        return 0

    lax.fori_loop(0, NCHUNK, chunk, 0)
    plsc.subcore_barrier()
    _copy_out(acc, accp_out, cid, sid)


def _conv3_edges(ed, w, xp3):
    kfn = pl.kernel(
        _conv3_edge_body,
        out_type=jax.ShapeDtypeStruct((2, NACC, GW), jnp.float32),
        mesh=_SC_MESH,
        compiler_params=pltpu.CompilerParams(needs_layout_passes=False),
        scratch_types=[
            pltpu.VMEM((CHUNK,), jnp.int32),
            pltpu.VMEM((CHUNK,), jnp.int32),
            pltpu.VMEM((CHUNK,), jnp.float32),
            pltpu.VMEM((CHUNK, GW), jnp.float32),
            pltpu.VMEM_SHARED((NACC, GW), jnp.float32),
            pltpu.SemaphoreType.DMA,
        ],
    )
    return kfn(ed, w, xp3)



@jax.jit
def kernel(features, edge_index, W1, W2, att1_src, att1_dst):
    src = edge_index[0]
    dst = edge_index[1]
    srcF = jnp.pad(src, (0, EPAD - E))
    dstF = jnp.pad(dst, (0, EPAD - E))
    ed = jnp.concatenate([srcF, dstF])

    xp1, a_s, a_d = _stage1(features, W1, att1_src, att1_dst)

    w, acc1p = _conv1_edges(ed, a_s, a_d, xp1)
    h2, xp3, den = _stage2(acc1p[:, :N, :], W2)
    acc3p = _conv3_edges(ed, w, xp3)
    h4 = _stage3(acc3p[:, :N, :], den, W1)
    return (h2, h4)

# --- scband reference (transcript-rebuilt; emitter-appended) ---
"""Pipeline reference for scband-gate-46626164965827 (READ-ONLY COPY).

The authoritative reference and input builder live on the scoring server;
editing this copy changes nothing except your own understanding.
"""

import jax, jax.numpy as jnp
import numpy as np

N = 10000
E = 320000
IN_DIM = 128
HID = 64
OUT = 32


def _xavier_normal(key, shape, gain=1.414):
    fan_in, fan_out = shape[0], shape[1]
    std = gain * np.sqrt(2.0 / (fan_in + fan_out))
    return jax.random.normal(key, shape, dtype=jnp.float32) * std


def setup_inputs(seed: int = 0) -> dict:
    key = jax.random.key(seed)
    k1, k2, k3, k4, k5, k6 = jax.random.split(key, 6)
    features = jax.random.normal(k1, (N, IN_DIM), dtype=jnp.float32)
    edge_index = jax.random.randint(k2, (2, E), 0, N, dtype=jnp.int32)
    W1 = _xavier_normal(k3, (IN_DIM, HID))        # conv1.lin_src
    W2 = _xavier_normal(k4, (HID, OUT))           # conv2.lin_src
    att1_src = _xavier_normal(k5, (1, HID))[0]    # conv1.att_src, heads=1
    att1_dst = _xavier_normal(k6, (1, HID))[0]    # conv1.att_dst
    return {"features": features, "edge_index": edge_index, "W1": W1, "W2": W2, "att1_src": att1_src, "att1_dst": att1_dst}


def _gat_attn_conv(x, W, src, dst, att_s=None, att_d=None, tied=None):
    # heads=1, concat=False, aggr='add'
    xp = x @ W  # [N, C]
    if tied is None:
        a_s = (xp * att_s).sum(-1)  # [N]
        a_d = (xp * att_d).sum(-1)  # [N]
    else:
        a_s, a_d = tied
    e = jax.nn.sigmoid(a_s[src] + a_d[dst])  # [E]
    # PyG softmax over destination segments
    m = jax.ops.segment_max(e, dst, num_segments=N)
    ex = jnp.exp(e - m[dst])
    den = jax.ops.segment_sum(ex, dst, num_segments=N)
    alpha = ex / (den[dst] + 1e-16)
    out = jax.ops.segment_sum(xp[src] * alpha[:, None], dst, num_segments=N)
    return out, (a_s, a_d)


def reference(features, edge_index, W1, W2, att1_src, att1_dst):
    src = edge_index[0]
    dst = edge_index[1]
    # conv1: attention GAT layer, stores alphas
    h1_pre, alphas1 = _gat_attn_conv(features, W1, src, dst, att1_src, att1_dst)
    h1 = jax.nn.elu(h1_pre)
    # conv2: attention=False -> just projection (heads=1 mean is identity)
    h2 = h1 @ W2
    # conv3: tied weights W2.T, tied attention from conv1
    h3_pre, _ = _gat_attn_conv(h2, W2.T, src, dst, tied=alphas1)
    h3 = jax.nn.elu(h3_pre)
    # conv4: attention=False, tied weights W1.T
    h4 = h3 @ W1.T
    return (h2, h4)

if __name__ == "__main__":
    import jax
    _d = setup_inputs()
    print(jax.jit(kernel)(*tuple(_d.values())))

</pallas_src>

<mosaic_0001>
#map = affine_map<(d0, d1) -> (0)>
#map1 = affine_map<(d0, d1) -> (0, 0)>
#map2 = affine_map<(d0, d1) -> (0, 0, 0)>
module attributes {stable_mosaic.version = 14 : i64} {
  func.func @_conv3_edge_body(%arg0: i32, %arg1: i32, %arg2: memref<655360xi32, #tpu.memory_space<hbm>>, %arg3: memref<327680xf32, #tpu.memory_space<hbm>>, %arg4: memref<10000x128xf32, #tpu.memory_space<hbm>>, %arg5: memref<2x10112x128xf32, #tpu.memory_space<hbm>>, %arg6: memref<128xi32, #tpu.memory_space<vmem>>, %arg7: memref<128xi32, #tpu.memory_space<vmem>>, %arg8: memref<128xf32, #tpu.memory_space<vmem>>, %arg9: memref<128x128xf32, #tpu.memory_space<vmem>>, %arg10: memref<10112x128xf32, #tpu.memory_space<vmem_shared>>, %arg11: memref<!tpu.dma_semaphore, #tpu.memory_space<semaphore_mem>>) attributes {dimension_semantics = [#tpu.dimension_semantics<core_parallel>, #tpu.dimension_semantics<subcore_parallel>], iteration_bounds = array<i64: 2, 16>, scalar_prefetch = 0 : i64, scratch_operands = 6 : i64, tpu.core_type = #tpu.core_type<sc_vector_subcore>, window_params = [{transform_indices = #map}, {transform_indices = #map}, {transform_indices = #map1}, {transform_indices = #map2}]} {
    %mul3A = arith.constant 16 : i32
    %mul3A_0 = arith.muli %arg0, %mul3A : i32
    %add3A = arith.addi %mul3A_0, %arg1 : i32
    %mul3A_1 = arith.constant 10240 : i32
    %mul3A_2 = arith.muli %add3A, %mul3A_1 : i32
    %scan3A = arith.constant 0 : i32
    %scan3A_3 = arith.constant 0 : i32
    %scan3A_4 = arith.constant 128 : i32
    %scan3A_5 = arith.addi %scan3A_3, %scan3A_4 : i32
    %scan3A_6 = arith.constant 1 : i32
    %scan3A_7 = scf.for %scan3A_31 = %scan3A_3 to %scan3A_5 step %scan3A_6 iter_args(%scan3A_32 = %scan3A) -> (i32)  : i32 {
      %broadcast_in_dim3A = arith.constant 0.000000e+00 : f32
      %broadcast_in_dim3A_33 = vector.broadcast %broadcast_in_dim3A : f32 to vector<16xf32>
      %swap3A = arith.index_cast %scan3A_31 : i32 to index
      %swap3A_34 = arith.constant 0 : index
      %swap3A_35 = tpu.vector_load %arg9[%swap3A, %swap3A_34] {strides = array<i32>} : memref<128x128xf32, #tpu.memory_space<vmem>>, vector<16xf32>,
      tpu.vector_store %arg9[%swap3A, %swap3A_34], %broadcast_in_dim3A_33 {strides = array<i32>} : memref<128x128xf32, #tpu.memory_space<vmem>>, vector<16xf32>,
      %swap3A_36 = arith.index_cast %scan3A_31 : i32 to index
      %swap3A_37 = arith.constant 16 : index
      %swap3A_38 = tpu.vector_load %arg9[%swap3A_36, %swap3A_37] {strides = array<i32>} : memref<128x128xf32, #tpu.memory_space<vmem>>, vector<16xf32>,
      tpu.vector_store %arg9[%swap3A_36, %swap3A_37], %broadcast_in_dim3A_33 {strides = array<i32>} : memref<128x128xf32, #tpu.memory_space<vmem>>, vector<16xf32>,
      %swap3A_39 = arith.index_cast %scan3A_31 : i32 to index
      %swap3A_40 = arith.constant 32 : index
      %swap3A_41 = tpu.vector_load %arg9[%swap3A_39, %swap3A_40] {strides = array<i32>} : memref<128x128xf32, #tpu.memory_space<vmem>>, vector<16xf32>,
      tpu.vector_store %arg9[%swap3A_39, %swap3A_40], %broadcast_in_dim3A_33 {strides = array<i32>} : memref<128x128xf32, #tpu.memory_space<vmem>>, vector<16xf32>,
      %swap3A_42 = arith.index_cast %scan3A_31 : i32 to index
      %swap3A_43 = arith.constant 48 : index
      %swap3A_44 = tpu.vector_load %arg9[%swap3A_42, %swap3A_43] {strides = array<i32>} : memref<128x128xf32, #tpu.memory_space<vmem>>, vector<16xf32>,
      tpu.vector_store %arg9[%swap3A_42, %swap3A_43], %broadcast_in_dim3A_33 {strides = array<i32>} : memref<128x128xf32, #tpu.memory_space<vmem>>, vector<16xf32>,
      %swap3A_45 = arith.index_cast %scan3A_31 : i32 to index
      %swap3A_46 = arith.constant 64 : index
      %swap3A_47 = tpu.vector_load %arg9[%swap3A_45, %swap3A_46] {strides = array<i32>} : memref<128x128xf32, #tpu.memory_space<vmem>>, vector<16xf32>,
      tpu.vector_store %arg9[%swap3A_45, %swap3A_46], %broadcast_in_dim3A_33 {strides = array<i32>} : memref<128x128xf32, #tpu.memory_space<vmem>>, vector<16xf32>,
      %swap3A_48 = arith.index_cast %scan3A_31 : i32 to index
      %swap3A_49 = arith.constant 80 : index
      %swap3A_50 = tpu.vector_load %arg9[%swap3A_48, %swap3A_49] {strides = array<i32>} : memref<128x128xf32, #tpu.memory_space<vmem>>, vector<16xf32>,
      tpu.vector_store %arg9[%swap3A_48, %swap3A_49], %broadcast_in_dim3A_33 {strides = array<i32>} : memref<128x128xf32, #tpu.memory_space<vmem>>, vector<16xf32>,
      %swap3A_51 = arith.index_cast %scan3A_31 : i32 to index
      %swap3A_52 = arith.constant 96 : index
      %swap3A_53 = tpu.vector_load %arg9[%swap3A_51, %swap3A_52] {strides = array<i32>} : memref<128x128xf32, #tpu.memory_space<vmem>>, vector<16xf32>,
      tpu.vector_store %arg9[%swap3A_51, %swap3A_52], %broadcast_in_dim3A_33 {strides = array<i32>} : memref<128x128xf32, #tpu.memory_space<vmem>>, vector<16xf32>,
      %swap3A_54 = arith.index_cast %scan3A_31 : i32 to index
      %swap3A_55 = arith.constant 112 : index
      %swap3A_56 = tpu.vector_load %arg9[%swap3A_54, %swap3A_55] {strides = array<i32>} : memref<128x128xf32, #tpu.memory_space<vmem>>, vector<16xf32>,
      tpu.vector_store %arg9[%swap3A_54, %swap3A_55], %broadcast_in_dim3A_33 {strides = array<i32>} : memref<128x128xf32, #tpu.memory_space<vmem>>, vector<16xf32>,
      %scan3A_57 = arith.constant 0 : i32
      scf.yield %scan3A_57 : i32
    }
    %scan3A_8 = arith.constant 128 : i32
    %mul3A_9 = arith.constant 632 : i32
    %mul3A_10 = arith.muli %arg1, %mul3A_9 : i32
    %add3A_11 = arith.constant 0 : i32
    %add3A_12 = arith.addi %mul3A_10, %add3A_11 : i32
    "tpu.region"() ({
      %run_scoped3A = tpu.sem_alloc : memref<!tpu.dma_semaphore, #tpu.memory_space<semaphore_mem>>
      %dma_start3A = arith.constant 0 : i32
      %dma_start3A_31 = arith.constant 0 : i32
      %dma_start3A_32 = tpu.memref_slice %arg9[%dma_start3A, %dma_start3A_31] : memref<128x128xf32, #tpu.memory_space<vmem>> -> memref<128x128xf32, #tpu.memory_space<vmem>>
      %dma_start3A_33 = arith.constant 0 : i32
      %dma_start3A_34 = tpu.memref_slice %arg10[%add3A_12, %dma_start3A_33] : memref<10112x128xf32, #tpu.memory_space<vmem_shared>> -> memref<128x128xf32, #tpu.memory_space<vmem_shared>>
      %dma_start3A_35 = arith.constant 0 : i32
      %dma_start3A_36 = tpu.memref_slice %arg10[%add3A_12, %dma_start3A_35] : memref<10112x128xf32, #tpu.memory_space<vmem_shared>> -> memref<128x128xf32, #tpu.memory_space<vmem_shared>>
      %dma_start3A_37 = arith.constant 0 : i32
      %dma_start3A_38 = arith.constant 0 : i32
      %dma_start3A_39 = tpu.memref_slice %arg9[%dma_start3A_37, %dma_start3A_38] : memref<128x128xf32, #tpu.memory_space<vmem>> -> memref<128x128xf32, #tpu.memory_space<vmem>>
      tpu.enqueue_dma source(%dma_start3A_39 : memref<128x128xf32, #tpu.memory_space<vmem>>) target(%dma_start3A_36 : memref<128x128xf32, #tpu.memory_space<vmem_shared>>) target_semaphore(%run_scoped3A : memref<!tpu.dma_semaphore, #tpu.memory_space<semaphore_mem>>)
      %dma_wait3A = arith.constant 0 : i32
      %dma_wait3A_40 = arith.constant 0 : i32
      %dma_wait3A_41 = tpu.memref_slice %arg9[%dma_wait3A, %dma_wait3A_40] : memref<128x128xf32, #tpu.memory_space<vmem>> -> memref<128x128xf32, #tpu.memory_space<vmem>>
      %dma_wait3A_42 = arith.constant 0 : i32
      %dma_wait3A_43 = tpu.memref_slice %arg10[%add3A_12, %dma_wait3A_42] : memref<10112x128xf32, #tpu.memory_space<vmem_shared>> -> memref<128x128xf32, #tpu.memory_space<vmem_shared>>
      %dma_wait3A_44 = arith.constant 0 : i32
      %dma_wait3A_45 = tpu.memref_slice %arg10[%add3A_12, %dma_wait3A_44] : memref<10112x128xf32, #tpu.memory_space<vmem_shared>> -> memref<128x128xf32, #tpu.memory_space<vmem_shared>>
      %dma_wait3A_46 = arith.constant 0 : i32
      %dma_wait3A_47 = arith.constant 0 : i32
      %dma_wait3A_48 = tpu.memref_slice %arg9[%dma_wait3A_46, %dma_wait3A_47] : memref<128x128xf32, #tpu.memory_space<vmem>> -> memref<128x128xf32, #tpu.memory_space<vmem>>
      tpu.wait_dma2 semaphore(%run_scoped3A : memref<!tpu.dma_semaphore, #tpu.memory_space<semaphore_mem>>) src(%dma_wait3A_48 : memref<128x128xf32, #tpu.memory_space<vmem>>) dst(%dma_wait3A_45 : memref<128x128xf32, #tpu.memory_space<vmem_shared>>)
      tpu.yield
    }) : () -> ()
    %add3A_13 = arith.constant 128 : i32
    %add3A_14 = arith.addi %mul3A_10, %add3A_13 : i32
    "tpu.region"() ({
      %run_scoped3A = tpu.sem_alloc : memref<!tpu.dma_semaphore, #tpu.memory_space<semaphore_mem>>
      %dma_start3A = arith.constant 0 : i32
      %dma_start3A_31 = arith.constant 0 : i32
      %dma_start3A_32 = tpu.memref_slice %arg9[%dma_start3A, %dma_start3A_31] : memref<128x128xf32, #tpu.memory_space<vmem>> -> memref<128x128xf32, #tpu.memory_space<vmem>>
      %dma_start3A_33 = arith.constant 0 : i32
      %dma_start3A_34 = tpu.memref_slice %arg10[%add3A_14, %dma_start3A_33] : memref<10112x128xf32, #tpu.memory_space<vmem_shared>> -> memref<128x128xf32, #tpu.memory_space<vmem_shared>>
      %dma_start3A_35 = arith.constant 0 : i32
      %dma_start3A_36 = tpu.memref_slice %arg10[%add3A_14, %dma_start3A_35] : memref<10112x128xf32, #tpu.memory_space<vmem_shared>> -> memref<128x128xf32, #tpu.memory_space<vmem_shared>>
      %dma_start3A_37 = arith.constant 0 : i32
      %dma_start3A_38 = arith.constant 0 : i32
      %dma_start3A_39 = tpu.memref_slice %arg9[%dma_start3A_37, %dma_start3A_38] : memref<128x128xf32, #tpu.memory_space<vmem>> -> memref<128x128xf32, #tpu.memory_space<vmem>>
      tpu.enqueue_dma source(%dma_start3A_39 : memref<128x128xf32, #tpu.memory_space<vmem>>) target(%dma_start3A_36 : memref<128x128xf32, #tpu.memory_space<vmem_shared>>) target_semaphore(%run_scoped3A : memref<!tpu.dma_semaphore, #tpu.memory_space<semaphore_mem>>)
      %dma_wait3A = arith.constant 0 : i32
      %dma_wait3A_40 = arith.constant 0 : i32
      %dma_wait3A_41 = tpu.memref_slice %arg9[%dma_wait3A, %dma_wait3A_40] : memref<128x128xf32, #tpu.memory_space<vmem>> -> memref<128x128xf32, #tpu.memory_space<vmem>>
      %dma_wait3A_42 = arith.constant 0 : i32
      %dma_wait3A_43 = tpu.memref_slice %arg10[%add3A_14, %dma_wait3A_42] : memref<10112x128xf32, #tpu.memory_space<vmem_shared>> -> memref<128x128xf32, #tpu.memory_space<vmem_shared>>
      %dma_wait3A_44 = arith.constant 0 : i32
      %dma_wait3A_45 = tpu.memref_slice %arg10[%add3A_14, %dma_wait3A_44] : memref<10112x128xf32, #tpu.memory_space<vmem_shared>> -> memref<128x128xf32, #tpu.memory_space<vmem_shared>>
      %dma_wait3A_46 = arith.constant 0 : i32
      %dma_wait3A_47 = arith.constant 0 : i32
      %dma_wait3A_48 = tpu.memref_slice %arg9[%dma_wait3A_46, %dma_wait3A_47] : memref<128x128xf32, #tpu.memory_space<vmem>> -> memref<128x128xf32, #tpu.memory_space<vmem>>
      tpu.wait_dma2 semaphore(%run_scoped3A : memref<!tpu.dma_semaphore, #tpu.memory_space<semaphore_mem>>) src(%dma_wait3A_48 : memref<128x128xf32, #tpu.memory_space<vmem>>) dst(%dma_wait3A_45 : memref<128x128xf32, #tpu.memory_space<vmem_shared>>)
      tpu.yield
    }) : () -> ()
    %add3A_15 = arith.constant 256 : i32
    %add3A_16 = arith.addi %mul3A_10, %add3A_15 : i32
    "tpu.region"() ({
      %run_scoped3A = tpu.sem_alloc : memref<!tpu.dma_semaphore, #tpu.memory_space<semaphore_mem>>
      %dma_start3A = arith.constant 0 : i32
      %dma_start3A_31 = arith.constant 0 : i32
      %dma_start3A_32 = tpu.memref_slice %arg9[%dma_start3A, %dma_start3A_31] : memref<128x128xf32, #tpu.memory_space<vmem>> -> memref<128x128xf32, #tpu.memory_space<vmem>>
      %dma_start3A_33 = arith.constant 0 : i32
      %dma_start3A_34 = tpu.memref_slice %arg10[%add3A_16, %dma_start3A_33] : memref<10112x128xf32, #tpu.memory_space<vmem_shared>> -> memref<128x128xf32, #tpu.memory_space<vmem_shared>>
      %dma_start3A_35 = arith.constant 0 : i32
      %dma_start3A_36 = tpu.memref_slice %arg10[%add3A_16, %dma_start3A_35] : memref<10112x128xf32, #tpu.memory_space<vmem_shared>> -> memref<128x128xf32, #tpu.memory_space<vmem_shared>>
      %dma_start3A_37 = arith.constant 0 : i32
      %dma_start3A_38 = arith.constant 0 : i32
      %dma_start3A_39 = tpu.memref_slice %arg9[%dma_start3A_37, %dma_start3A_38] : memref<128x128xf32, #tpu.memory_space<vmem>> -> memref<128x128xf32, #tpu.memory_space<vmem>>
      tpu.enqueue_dma source(%dma_start3A_39 : memref<128x128xf32, #tpu.memory_space<vmem>>) target(%dma_start3A_36 : memref<128x128xf32, #tpu.memory_space<vmem_shared>>) target_semaphore(%run_scoped3A : memref<!tpu.dma_semaphore, #tpu.memory_space<semaphore_mem>>)
      %dma_wait3A = arith.constant 0 : i32
      %dma_wait3A_40 = arith.constant 0 : i32
      %dma_wait3A_41 = tpu.memref_slice %arg9[%dma_wait3A, %dma_wait3A_40] : memref<128x128xf32, #tpu.memory_space<vmem>> -> memref<128x128xf32, #tpu.memory_space<vmem>>
      %dma_wait3A_42 = arith.constant 0 : i32
      %dma_wait3A_43 = tpu.memref_slice %arg10[%add3A_16, %dma_wait3A_42] : memref<10112x128xf32, #tpu.memory_space<vmem_shared>> -> memref<128x128xf32, #tpu.memory_space<vmem_shared>>
      %dma_wait3A_44 = arith.constant 0 : i32
      %dma_wait3A_45 = tpu.memref_slice %arg10[%add3A_16, %dma_wait3A_44] : memref<10112x128xf32, #tpu.memory_space<vmem_shared>> -> memref<128x128xf32, #tpu.memory_space<vmem_shared>>
      %dma_wait3A_46 = arith.constant 0 : i32
      %dma_wait3A_47 = arith.constant 0 : i32
      %dma_wait3A_48 = tpu.memref_slice %arg9[%dma_wait3A_46, %dma_wait3A_47] : memref<128x128xf32, #tpu.memory_space<vmem>> -> memref<128x128xf32, #tpu.memory_space<vmem>>
      tpu.wait_dma2 semaphore(%run_scoped3A : memref<!tpu.dma_semaphore, #tpu.memory_space<semaphore_mem>>) src(%dma_wait3A_48 : memref<128x128xf32, #tpu.memory_space<vmem>>) dst(%dma_wait3A_45 : memref<128x128xf32, #tpu.memory_space<vmem_shared>>)
      tpu.yield
    }) : () -> ()
    %add3A_17 = arith.constant 384 : i32
    %add3A_18 = arith.addi %mul3A_10, %add3A_17 : i32
    "tpu.region"() ({
      %run_scoped3A = tpu.sem_alloc : memref<!tpu.dma_semaphore, #tpu.memory_space<semaphore_mem>>
      %dma_start3A = arith.constant 0 : i32
      %dma_start3A_31 = arith.constant 0 : i32
      %dma_start3A_32 = tpu.memref_slice %arg9[%dma_start3A, %dma_start3A_31] : memref<128x128xf32, #tpu.memory_space<vmem>> -> memref<128x128xf32, #tpu.memory_space<vmem>>
      %dma_start3A_33 = arith.constant 0 : i32
      %dma_start3A_34 = tpu.memref_slice %arg10[%add3A_18, %dma_start3A_33] : memref<10112x128xf32, #tpu.memory_space<vmem_shared>> -> memref<128x128xf32, #tpu.memory_space<vmem_shared>>
      %dma_start3A_35 = arith.constant 0 : i32
      %dma_start3A_36 = tpu.memref_slice %arg10[%add3A_18, %dma_start3A_35] : memref<10112x128xf32, #tpu.memory_space<vmem_shared>> -> memref<128x128xf32, #tpu.memory_space<vmem_shared>>
      %dma_start3A_37 = arith.constant 0 : i32
      %dma_start3A_38 = arith.constant 0 : i32
      %dma_start3A_39 = tpu.memref_slice %arg9[%dma_start3A_37, %dma_start3A_38] : memref<128x128xf32, #tpu.memory_space<vmem>> -> memref<128x128xf32, #tpu.memory_space<vmem>>
      tpu.enqueue_dma source(%dma_start3A_39 : memref<128x128xf32, #tpu.memory_space<vmem>>) target(%dma_start3A_36 : memref<128x128xf32, #tpu.memory_space<vmem_shared>>) target_semaphore(%run_scoped3A : memref<!tpu.dma_semaphore, #tpu.memory_space<semaphore_mem>>)
      %dma_wait3A = arith.constant 0 : i32
      %dma_wait3A_40 = arith.constant 0 : i32
      %dma_wait3A_41 = tpu.memref_slice %arg9[%dma_wait3A, %dma_wait3A_40] : memref<128x128xf32, #tpu.memory_space<vmem>> -> memref<128x128xf32, #tpu.memory_space<vmem>>
      %dma_wait3A_42 = arith.constant 0 : i32
      %dma_wait3A_43 = tpu.memref_slice %arg10[%add3A_18, %dma_wait3A_42] : memref<10112x128xf32, #tpu.memory_space<vmem_shared>> -> memref<128x128xf32, #tpu.memory_space<vmem_shared>>
      %dma_wait3A_44 = arith.constant 0 : i32
      %dma_wait3A_45 = tpu.memref_slice %arg10[%add3A_18, %dma_wait3A_44] : memref<10112x128xf32, #tpu.memory_space<vmem_shared>> -> memref<128x128xf32, #tpu.memory_space<vmem_shared>>
      %dma_wait3A_46 = arith.constant 0 : i32
      %dma_wait3A_47 = arith.constant 0 : i32
      %dma_wait3A_48 = tpu.memref_slice %arg9[%dma_wait3A_46, %dma_wait3A_47] : memref<128x128xf32, #tpu.memory_space<vmem>> -> memref<128x128xf32, #tpu.memory_space<vmem>>
      tpu.wait_dma2 semaphore(%run_scoped3A : memref<!tpu.dma_semaphore, #tpu.memory_space<semaphore_mem>>) src(%dma_wait3A_48 : memref<128x128xf32, #tpu.memory_space<vmem>>) dst(%dma_wait3A_45 : memref<128x128xf32, #tpu.memory_space<vmem_shared>>)
      tpu.yield
    }) : () -> ()
    %add3A_19 = arith.constant 512 : i32
    %add3A_20 = arith.addi %mul3A_10, %add3A_19 : i32
    "tpu.region"() ({
      %run_scoped3A = tpu.sem_alloc : memref<!tpu.dma_semaphore, #tpu.memory_space<semaphore_mem>>
      %dma_start3A = arith.constant 0 : i32
      %dma_start3A_31 = arith.constant 0 : i32
      %dma_start3A_32 = tpu.memref_slice %arg9[%dma_start3A, %dma_start3A_31] : memref<128x128xf32, #tpu.memory_space<vmem>> -> memref<120x128xf32, #tpu.memory_space<vmem>>
      %dma_start3A_33 = arith.constant 0 : i32
      %dma_start3A_34 = tpu.memref_slice %arg10[%add3A_20, %dma_start3A_33] : memref<10112x128xf32, #tpu.memory_space<vmem_shared>> -> memref<120x128xf32, #tpu.memory_space<vmem_shared>>
      %dma_start3A_35 = arith.constant 0 : i32
      %dma_start3A_36 = tpu.memref_slice %arg10[%add3A_20, %dma_start3A_35] : memref<10112x128xf32, #tpu.memory_space<vmem_shared>> -> memref<120x128xf32, #tpu.memory_space<vmem_shared>>
      %dma_start3A_37 = arith.constant 0 : i32
      %dma_start3A_38 = arith.constant 0 : i32
      %dma_start3A_39 = tpu.memref_slice %arg9[%dma_start3A_37, %dma_start3A_38] : memref<128x128xf32, #tpu.memory_space<vmem>> -> memref<120x128xf32, #tpu.memory_space<vmem>>
      tpu.enqueue_dma source(%dma_start3A_39 : memref<120x128xf32, #tpu.memory_space<vmem>>) target(%dma_start3A_36 : memref<120x128xf32, #tpu.memory_space<vmem_shared>>) target_semaphore(%run_scoped3A : memref<!tpu.dma_semaphore, #tpu.memory_space<semaphore_mem>>)
      %dma_wait3A = arith.constant 0 : i32
      %dma_wait3A_40 = arith.constant 0 : i32
      %dma_wait3A_41 = tpu.memref_slice %arg9[%dma_wait3A, %dma_wait3A_40] : memref<128x128xf32, #tpu.memory_space<vmem>> -> memref<120x128xf32, #tpu.memory_space<vmem>>
      %dma_wait3A_42 = arith.constant 0 : i32
      %dma_wait3A_43 = tpu.memref_slice %arg10[%add3A_20, %dma_wait3A_42] : memref<10112x128xf32, #tpu.memory_space<vmem_shared>> -> memref<120x128xf32, #tpu.memory_space<vmem_shared>>
      %dma_wait3A_44 = arith.constant 0 : i32
      %dma_wait3A_45 = tpu.memref_slice %arg10[%add3A_20, %dma_wait3A_44] : memref<10112x128xf32, #tpu.memory_space<vmem_shared>> -> memref<120x128xf32, #tpu.memory_space<vmem_shared>>
      %dma_wait3A_46 = arith.constant 0 : i32
      %dma_wait3A_47 = arith.constant 0 : i32
      %dma_wait3A_48 = tpu.memref_slice %arg9[%dma_wait3A_46, %dma_wait3A_47] : memref<128x128xf32, #tpu.memory_space<vmem>> -> memref<120x128xf32, #tpu.memory_space<vmem>>
      tpu.wait_dma2 semaphore(%run_scoped3A : memref<!tpu.dma_semaphore, #tpu.memory_space<semaphore_mem>>) src(%dma_wait3A_48 : memref<120x128xf32, #tpu.memory_space<vmem>>) dst(%dma_wait3A_45 : memref<120x128xf32, #tpu.memory_space<vmem_shared>>)
      tpu.yield
    }) : () -> ()
    %barrier3A = arith.constant 0 : index
    tpu.barrier barrier_id(%barrier3A)
    %scan3A_21 = arith.constant 0 : i32
    %scan3A_22 = arith.constant 0 : i32
    %scan3A_23 = arith.constant 80 : i32
    %scan3A_24 = arith.addi %scan3A_22, %scan3A_23 : i32
    %scan3A_25 = arith.constant 1 : i32
    %scan3A_26 = scf.for %scan3A_31 = %scan3A_22 to %scan3A_24 step %scan3A_25 iter_args(%scan3A_32 = %scan3A_21) -> (i32)  : i32 {
      %mul3A_33 = arith.constant 128 : i32
      %mul3A_34 = arith.muli %scan3A_31, %mul3A_33 : i32
      %add3A_35 = arith.addi %mul3A_2, %mul3A_34 : i32
      "tpu.region"() ({
        %run_scoped3A = tpu.sem_alloc : memref<!tpu.dma_semaphore, #tpu.memory_space<semaphore_mem>>
        %dma_start3A_50 = tpu.memref_slice %arg2[%add3A_35] : memref<655360xi32, #tpu.memory_space<hbm>> -> memref<128xi32, #tpu.memory_space<hbm>>
        %dma_start3A_51 = tpu.memref_slice %arg2[%add3A_35] : memref<655360xi32, #tpu.memory_space<hbm>> -> memref<128xi32, #tpu.memory_space<hbm>>
        tpu.enqueue_dma source(%dma_start3A_51 : memref<128xi32, #tpu.memory_space<hbm>>) target(%arg6 : memref<128xi32, #tpu.memory_space<vmem>>) target_semaphore(%run_scoped3A : memref<!tpu.dma_semaphore, #tpu.memory_space<semaphore_mem>>)
        %dma_wait3A_52 = tpu.memref_slice %arg2[%add3A_35] : memref<655360xi32, #tpu.memory_space<hbm>> -> memref<128xi32, #tpu.memory_space<hbm>>
        %dma_wait3A_53 = tpu.memref_slice %arg2[%add3A_35] : memref<655360xi32, #tpu.memory_space<hbm>> -> memref<128xi32, #tpu.memory_space<hbm>>
        tpu.wait_dma2 semaphore(%run_scoped3A : memref<!tpu.dma_semaphore, #tpu.memory_space<semaphore_mem>>) src(%dma_wait3A_53 : memref<128xi32, #tpu.memory_space<hbm>>) dst(%arg6 : memref<128xi32, #tpu.memory_space<vmem>>)
        tpu.yield
      }) : () -> ()
      %dma_start3A = arith.constant 0 : i32
      %dma_start3A_36 = arith.constant 0 : i32
      %dma_start3A_37 = tpu.memref_slice %arg4[%dma_start3A, %dma_start3A_36] : memref<10000x128xf32, #tpu.memory_space<hbm>> -> memref<10000x128xf32, #tpu.memory_space<hbm>>
      tpu.enqueue_indirect_dma source(%dma_start3A_37 : memref<10000x128xf32, #tpu.memory_space<hbm>>) target(%arg9 : memref<128x128xf32, #tpu.memory_space<vmem>>) offsets(%arg6 : memref<128xi32, #tpu.memory_space<vmem>>) semaphore(%arg11 : memref<!tpu.dma_semaphore, #tpu.memory_space<semaphore_mem>>)
      %add3A_38 = arith.constant 327680 : i32
      %add3A_39 = arith.addi %add3A_38, %add3A_35 : i32
      "tpu.region"() ({
        %run_scoped3A = tpu.sem_alloc : memref<!tpu.dma_semaphore, #tpu.memory_space<semaphore_mem>>
        %dma_start3A_50 = tpu.memref_slice %arg2[%add3A_39] : memref<655360xi32, #tpu.memory_space<hbm>> -> memref<128xi32, #tpu.memory_space<hbm>>
        %dma_start3A_51 = tpu.memref_slice %arg2[%add3A_39] : memref<655360xi32, #tpu.memory_space<hbm>> -> memref<128xi32, #tpu.memory_space<hbm>>
        tpu.enqueue_dma source(%dma_start3A_51 : memref<128xi32, #tpu.memory_space<hbm>>) target(%arg7 : memref<128xi32, #tpu.memory_space<vmem>>) target_semaphore(%run_scoped3A : memref<!tpu.dma_semaphore, #tpu.memory_space<semaphore_mem>>)
        %dma_wait3A_52 = tpu.memref_slice %arg2[%add3A_39] : memref<655360xi32, #tpu.memory_space<hbm>> -> memref<128xi32, #tpu.memory_space<hbm>>
        %dma_wait3A_53 = tpu.memref_slice %arg2[%add3A_39] : memref<655360xi32, #tpu.memory_space<hbm>> -> memref<128xi32, #tpu.memory_space<hbm>>
        tpu.wait_dma2 semaphore(%run_scoped3A : memref<!tpu.dma_semaphore, #tpu.memory_space<semaphore_mem>>) src(%dma_wait3A_53 : memref<128xi32, #tpu.memory_space<hbm>>) dst(%arg7 : memref<128xi32, #tpu.memory_space<vmem>>)
        tpu.yield
      }) : () -> ()
      "tpu.region"() ({
        %run_scoped3A = tpu.sem_alloc : memref<!tpu.dma_semaphore, #tpu.memory_space<semaphore_mem>>
        %dma_start3A_50 = tpu.memref_slice %arg3[%add3A_35] : memref<327680xf32, #tpu.memory_space<hbm>> -> memref<128xf32, #tpu.memory_space<hbm>>
        %dma_start3A_51 = tpu.memref_slice %arg3[%add3A_35] : memref<327680xf32, #tpu.memory_space<hbm>> -> memref<128xf32, #tpu.memory_space<hbm>>
        tpu.enqueue_dma source(%dma_start3A_51 : memref<128xf32, #tpu.memory_space<hbm>>) target(%arg8 : memref<128xf32, #tpu.memory_space<vmem>>) target_semaphore(%run_scoped3A : memref<!tpu.dma_semaphore, #tpu.memory_space<semaphore_mem>>)
        %dma_wait3A_52 = tpu.memref_slice %arg3[%add3A_35] : memref<327680xf32, #tpu.memory_space<hbm>> -> memref<128xf32, #tpu.memory_space<hbm>>
        %dma_wait3A_53 = tpu.memref_slice %arg3[%add3A_35] : memref<327680xf32, #tpu.memory_space<hbm>> -> memref<128xf32, #tpu.memory_space<hbm>>
        tpu.wait_dma2 semaphore(%run_scoped3A : memref<!tpu.dma_semaphore, #tpu.memory_space<semaphore_mem>>) src(%dma_wait3A_53 : memref<128xf32, #tpu.memory_space<hbm>>) dst(%arg8 : memref<128xf32, #tpu.memory_space<vmem>>)
        tpu.yield
      }) : () -> ()
      %dma_wait3A = arith.constant 0 : i32
      %dma_wait3A_40 = arith.constant 0 : i32
      %dma_wait3A_41 = tpu.memref_slice %arg4[%dma_wait3A, %dma_wait3A_40] : memref<10000x128xf32, #tpu.memory_space<hbm>> -> memref<10000x128xf32, #tpu.memory_space<hbm>>
      tpu.wait_indirect_dma semaphore(%arg11 : memref<!tpu.dma_semaphore, #tpu.memory_space<semaphore_mem>>) src(%dma_wait3A_41 : memref<10000x128xf32, #tpu.memory_space<hbm>>) dst(%arg9 : memref<128x128xf32, #tpu.memory_space<vmem>>)
      %scan3A_42 = arith.constant 0 : i32
      %scan3A_43 = arith.constant 0 : i32
      %scan3A_44 = arith.constant 128 : i32
      %scan3A_45 = arith.addi %scan3A_43, %scan3A_44 : i32
      %scan3A_46 = arith.constant 8 : i32
      %scan3A_47 = scf.for %scan3A_50 = %scan3A_43 to %scan3A_45 step %scan3A_46 iter_args(%scan3A_51 = %scan3A_42) -> (i32)  : i32 {
        %broadcast_in_dim3A = vector.broadcast %scan3A_50 : i32 to vector<16xi32>
        %gather3A = tpu.vector_load_idx %arg8[%broadcast_in_dim3A] : memref<128xf32, #tpu.memory_space<vmem>>[vector<16xi32>], vector<16xf32>,
        %get3A = arith.index_cast %scan3A_50 : i32 to index
        %get3A_52 = arith.constant 0 : index
        %get3A_53 = tpu.vector_load %arg9[%get3A, %get3A_52] {strides = array<i32>} : memref<128x128xf32, #tpu.memory_space<vmem>>, vector<16xf32>,
        %mul3A_54 = arith.mulf %get3A_53, %gather3A : vector<16xf32>
        %swap3A = arith.index_cast %scan3A_50 : i32 to index
        %swap3A_55 = arith.constant 0 : index
        %swap3A_56 = tpu.vector_load %arg9[%swap3A, %swap3A_55] {strides = array<i32>} : memref<128x128xf32, #tpu.memory_space<vmem>>, vector<16xf32>,
        tpu.vector_store %arg9[%swap3A, %swap3A_55], %mul3A_54 {strides = array<i32>} : memref<128x128xf32, #tpu.memory_space<vmem>>, vector<16xf32>,
        %get3A_57 = arith.index_cast %scan3A_50 : i32 to index
        %get3A_58 = arith.constant 16 : index
        %get3A_59 = tpu.vector_load %arg9[%get3A_57, %get3A_58] {strides = array<i32>} : memref<128x128xf32, #tpu.memory_space<vmem>>, vector<16xf32>,
        %mul3A_60 = arith.mulf %get3A_59, %gather3A : vector<16xf32>
        %swap3A_61 = arith.index_cast %scan3A_50 : i32 to index
        %swap3A_62 = arith.constant 16 : index
        %swap3A_63 = tpu.vector_load %arg9[%swap3A_61, %swap3A_62] {strides = array<i32>} : memref<128x128xf32, #tpu.memory_space<vmem>>, vector<16xf32>,
        tpu.vector_store %arg9[%swap3A_61, %swap3A_62], %mul3A_60 {strides = array<i32>} : memref<128x128xf32, #tpu.memory_space<vmem>>, vector<16xf32>,
        %get3A_64 = arith.index_cast %scan3A_50 : i32 to index
        %get3A_65 = arith.constant 32 : index
        %get3A_66 = tpu.vector_load %arg9[%get3A_64, %get3A_65] {strides = array<i32>} : memref<128x128xf32, #tpu.memory_space<vmem>>, vector<16xf32>,
        %mul3A_67 = arith.mulf %get3A_66, %gather3A : vector<16xf32>
        %swap3A_68 = arith.index_cast %scan3A_50 : i32 to index
        %swap3A_69 = arith.constant 32 : index
        %swap3A_70 = tpu.vector_load %arg9[%swap3A_68, %swap3A_69] {strides = array<i32>} : memref<128x128xf32, #tpu.memory_space<vmem>>, vector<16xf32>,
        tpu.vector_store %arg9[%swap3A_68, %swap3A_69], %mul3A_67 {strides = array<i32>} : memref<128x128xf32, #tpu.memory_space<vmem>>, vector<16xf32>,
        %get3A_71 = arith.index_cast %scan3A_50 : i32 to index
        %get3A_72 = arith.constant 48 : index
        %get3A_73 = tpu.vector_load %arg9[%get3A_71, %get3A_72] {strides = array<i32>} : memref<128x128xf32, #tpu.memory_space<vmem>>, vector<16xf32>,
        %mul3A_74 = arith.mulf %get3A_73, %gather3A : vector<16xf32>
        %swap3A_75 = arith.index_cast %scan3A_50 : i32 to index
        %swap3A_76 = arith.constant 48 : index
        %swap3A_77 = tpu.vector_load %arg9[%swap3A_75, %swap3A_76] {strides = array<i32>} : memref<128x128xf32, #tpu.memory_space<vmem>>, vector<16xf32>,
        tpu.vector_store %arg9[%swap3A_75, %swap3A_76], %mul3A_74 {strides = array<i32>} : memref<128x128xf32, #tpu.memory_space<vmem>>, vector<16xf32>,
        %scan3A_78 = arith.constant 0 : i32
        %scan3A_79 = arith.constant 1 : i32
        %scan3A_80 = arith.addi %scan3A_50, %scan3A_79 : i32
        %broadcast_in_dim3A_81 = vector.broadcast %scan3A_80 : i32 to vector<16xi32>
        %gather3A_82 = tpu.vector_load_idx %arg8[%broadcast_in_dim3A_81] : memref<128xf32, #tpu.memory_space<vmem>>[vector<16xi32>], vector<16xf32>,
        %get3A_83 = arith.index_cast %scan3A_80 : i32 to index
        %get3A_84 = arith.constant 0 : index
        %get3A_85 = tpu.vector_load %arg9[%get3A_83, %get3A_84] {strides = array<i32>} : memref<128x128xf32, #tpu.memory_space<vmem>>, vector<16xf32>,
        %mul3A_86 = arith.mulf %get3A_85, %gather3A_82 : vector<16xf32>
        %swap3A_87 = arith.index_cast %scan3A_80 : i32 to index
        %swap3A_88 = arith.constant 0 : index
        %swap3A_89 = tpu.vector_load %arg9[%swap3A_87, %swap3A_88] {strides = array<i32>} : memref<128x128xf32, #tpu.memory_space<vmem>>, vector<16xf32>,
        tpu.vector_store %arg9[%swap3A_87, %swap3A_88], %mul3A_86 {strides = array<i32>} : memref<128x128xf32, #tpu.memory_space<vmem>>, vector<16xf32>,
        %get3A_90 = arith.index_cast %scan3A_80 : i32 to index
        %get3A_91 = arith.constant 16 : index
        %get3A_92 = tpu.vector_load %arg9[%get3A_90, %get3A_91] {strides = array<i32>} : memref<128x128xf32, #tpu.memory_space<vmem>>, vector<16xf32>,
        %mul3A_93 = arith.mulf %get3A_92, %gather3A_82 : vector<16xf32>
        %swap3A_94 = arith.index_cast %scan3A_80 : i32 to index
        %swap3A_95 = arith.constant 16 : index
        %swap3A_96 = tpu.vector_load %arg9[%swap3A_94, %swap3A_95] {strides = array<i32>} : memref<128x128xf32, #tpu.memory_space<vmem>>, vector<16xf32>,
        tpu.vector_store %arg9[%swap3A_94, %swap3A_95], %mul3A_93 {strides = array<i32>} : memref<128x128xf32, #tpu.memory_space<vmem>>, vector<16xf32>,
        %get3A_97 = arith.index_cast %scan3A_80 : i32 to index
        %get3A_98 = arith.constant 32 : index
        %get3A_99 = tpu.vector_load %arg9[%get3A_97, %get3A_98] {strides = array<i32>} : memref<128x128xf32, #tpu.memory_space<vmem>>, vector<16xf32>,
        %mul3A_100 = arith.mulf %get3A_99, %gather3A_82 : vector<16xf32>
        %swap3A_101 = arith.index_cast %scan3A_80 : i32 to index
        %swap3A_102 = arith.constant 32 : index
        %swap3A_103 = tpu.vector_load %arg9[%swap3A_101, %swap3A_102] {strides = array<i32>} : memref<128x128xf32, #tpu.memory_space<vmem>>, vector<16xf32>,
        tpu.vector_store %arg9[%swap3A_101, %swap3A_102], %mul3A_100 {strides = array<i32>} : memref<128x128xf32, #tpu.memory_space<vmem>>, vector<16xf32>,
        %get3A_104 = arith.index_cast %scan3A_80 : i32 to index
        %get3A_105 = arith.constant 48 : index
        %get3A_106 = tpu.vector_load %arg9[%get3A_104, %get3A_105] {strides = array<i32>} : memref<128x128xf32, #tpu.memory_space<vmem>>, vector<16xf32>,
        %mul3A_107 = arith.mulf %get3A_106, %gather3A_82 : vector<16xf32>
        %swap3A_108 = arith.index_cast %scan3A_80 : i32 to index
        %swap3A_109 = arith.constant 48 : index
        %swap3A_110 = tpu.vector_load %arg9[%swap3A_108, %swap3A_109] {strides = array<i32>} : memref<128x128xf32, #tpu.memory_space<vmem>>, vector<16xf32>,
        tpu.vector_store %arg9[%swap3A_108, %swap3A_109], %mul3A_107 {strides = array<i32>} : memref<128x128xf32, #tpu.memory_space<vmem>>, vector<16xf32>,
        %scan3A_111 = arith.constant 0 : i32
        %scan3A_112 = arith.constant 2 : i32
        %scan3A_113 = arith.addi %scan3A_50, %scan3A_112 : i32
        %broadcast_in_dim3A_114 = vector.broadcast %scan3A_113 : i32 to vector<16xi32>
        %gather3A_115 = tpu.vector_load_idx %arg8[%broadcast_in_dim3A_114] : memref<128xf32, #tpu.memory_space<vmem>>[vector<16xi32>], vector<16xf32>,
        %get3A_116 = arith.index_cast %scan3A_113 : i32 to index
        %get3A_117 = arith.constant 0 : index
        %get3A_118 = tpu.vector_load %arg9[%get3A_116, %get3A_117] {strides = array<i32>} : memref<128x128xf32, #tpu.memory_space<vmem>>, vector<16xf32>,
        %mul3A_119 = arith.mulf %get3A_118, %gather3A_115 : vector<16xf32>
        %swap3A_120 = arith.index_cast %scan3A_113 : i32 to index
        %swap3A_121 = arith.constant 0 : index
        %swap3A_122 = tpu.vector_load %arg9[%swap3A_120, %swap3A_121] {strides = array<i32>} : memref<128x128xf32, #tpu.memory_space<vmem>>, vector<16xf32>,
        tpu.vector_store %arg9[%swap3A_120, %swap3A_121], %mul3A_119 {strides = array<i32>} : memref<128x128xf32, #tpu.memory_space<vmem>>, vector<16xf32>,
        %get3A_123 = arith.index_cast %scan3A_113 : i32 to index
        %get3A_124 = arith.constant 16 : index
        %get3A_125 = tpu.vector_load %arg9[%get3A_123, %get3A_124] {strides = array<i32>} : memref<128x128xf32, #tpu.memory_space<vmem>>, vector<16xf32>,
        %mul3A_126 = arith.mulf %get3A_125, %gather3A_115 : vector<16xf32>
        %swap3A_127 = arith.index_cast %scan3A_113 : i32 to index
        %swap3A_128 = arith.constant 16 : index
        %swap3A_129 = tpu.vector_load %arg9[%swap3A_127, %swap3A_128] {strides = array<i32>} : memref<128x128xf32, #tpu.memory_space<vmem>>, vector<16xf32>,
        tpu.vector_store %arg9[%swap3A_127, %swap3A_128], %mul3A_126 {strides = array<i32>} : memref<128x128xf32, #tpu.memory_space<vmem>>, vector<16xf32>,
        %get3A_130 = arith.index_cast %scan3A_113 : i32 to index
        %get3A_131 = arith.constant 32 : index
        %get3A_132 = tpu.vector_load %arg9[%get3A_130, %get3A_131] {strides = array<i32>} : memref<128x128xf32, #tpu.memory_space<vmem>>, vector<16xf32>,
        %mul3A_133 = arith.mulf %get3A_132, %gather3A_115 : vector<16xf32>
        %swap3A_134 = arith.index_cast %scan3A_113 : i32 to index
        %swap3A_135 = arith.constant 32 : index
        %swap3A_136 = tpu.vector_load %arg9[%swap3A_134, %swap3A_135] {strides = array<i32>} : memref<128x128xf32, #tpu.memory_space<vmem>>, vector<16xf32>,
        tpu.vector_store %arg9[%swap3A_134, %swap3A_135], %mul3A_133 {strides = array<i32>} : memref<128x128xf32, #tpu.memory_space<vmem>>, vector<16xf32>,
        %get3A_137 = arith.index_cast %scan3A_113 : i32 to index
        %get3A_138 = arith.constant 48 : index
        %get3A_139 = tpu.vector_load %arg9[%get3A_137, %get3A_138] {strides = array<i32>} : memref<128x128xf32, #tpu.memory_space<vmem>>, vector<16xf32>,
        %mul3A_140 = arith.mulf %get3A_139, %gather3A_115 : vector<16xf32>
        %swap3A_141 = arith.index_cast %scan3A_113 : i32 to index
        %swap3A_142 = arith.constant 48 : index
        %swap3A_143 = tpu.vector_load %arg9[%swap3A_141, %swap3A_142] {strides = array<i32>} : memref<128x128xf32, #tpu.memory_space<vmem>>, vector<16xf32>,
        tpu.vector_store %arg9[%swap3A_141, %swap3A_142], %mul3A_140 {strides = array<i32>} : memref<128x128xf32, #tpu.memory_space<vmem>>, vector<16xf32>,
        %scan3A_144 = arith.constant 0 : i32
        %scan3A_145 = arith.constant 3 : i32
        %scan3A_146 = arith.addi %scan3A_50, %scan3A_145 : i32
        %broadcast_in_dim3A_147 = vector.broadcast %scan3A_146 : i32 to vector<16xi32>
        %gather3A_148 = tpu.vector_load_idx %arg8[%broadcast_in_dim3A_147] : memref<128xf32, #tpu.memory_space<vmem>>[vector<16xi32>], vector<16xf32>,
        %get3A_149 = arith.index_cast %scan3A_146 : i32 to index
        %get3A_150 = arith.constant 0 : index
        %get3A_151 = tpu.vector_load %arg9[%get3A_149, %get3A_150] {strides = array<i32>} : memref<128x128xf32, #tpu.memory_space<vmem>>, vector<16xf32>,
        %mul3A_152 = arith.mulf %get3A_151, %gather3A_148 : vector<16xf32>
        %swap3A_153 = arith.index_cast %scan3A_146 : i32 to index
        %swap3A_154 = arith.constant 0 : index
        %swap3A_155 = tpu.vector_load %arg9[%swap3A_153, %swap3A_154] {strides = array<i32>} : memref<128x128xf32, #tpu.memory_space<vmem>>, vector<16xf32>,
        tpu.vector_store %arg9[%swap3A_153, %swap3A_154], %mul3A_152 {strides = array<i32>} : memref<128x128xf32, #tpu.memory_space<vmem>>, vector<16xf32>,
        %get3A_156 = arith.index_cast %scan3A_146 : i32 to index
        %get3A_157 = arith.constant 16 : index
        %get3A_158 = tpu.vector_load %arg9[%get3A_156, %get3A_157] {strides = array<i32>} : memref<128x128xf32, #tpu.memory_space<vmem>>, vector<16xf32>,
        %mul3A_159 = arith.mulf %get3A_158, %gather3A_148 : vector<16xf32>
        %swap3A_160 = arith.index_cast %scan3A_146 : i32 to index
        %swap3A_161 = arith.constant 16 : index
        %swap3A_162 = tpu.vector_load %arg9[%swap3A_160, %swap3A_161] {strides = array<i32>} : memref<128x128xf32, #tpu.memory_space<vmem>>, vector<16xf32>,
        tpu.vector_store %arg9[%swap3A_160, %swap3A_161], %mul3A_159 {strides = array<i32>} : memref<128x128xf32, #tpu.memory_space<vmem>>, vector<16xf32>,
        %get3A_163 = arith.index_cast %scan3A_146 : i32 to index
        %get3A_164 = arith.constant 32 : index
        %get3A_165 = tpu.vector_load %arg9[%get3A_163, %get3A_164] {strides = array<i32>} : memref<128x128xf32, #tpu.memory_space<vmem>>, vector<16xf32>,
        %mul3A_166 = arith.mulf %get3A_165, %gather3A_148 : vector<16xf32>
        %swap3A_167 = arith.index_cast %scan3A_146 : i32 to index
        %swap3A_168 = arith.constant 32 : index
        %swap3A_169 = tpu.vector_load %arg9[%swap3A_167, %swap3A_168] {strides = array<i32>} : memref<128x128xf32, #tpu.memory_space<vmem>>, vector<16xf32>,
        tpu.vector_store %arg9[%swap3A_167, %swap3A_168], %mul3A_166 {strides = array<i32>} : memref<128x128xf32, #tpu.memory_space<vmem>>, vector<16xf32>,
        %get3A_170 = arith.index_cast %scan3A_146 : i32 to index
        %get3A_171 = arith.constant 48 : index
        %get3A_172 = tpu.vector_load %arg9[%get3A_170, %get3A_171] {strides = array<i32>} : memref<128x128xf32, #tpu.memory_space<vmem>>, vector<16xf32>,
        %mul3A_173 = arith.mulf %get3A_172, %gather3A_148 : vector<16xf32>
        %swap3A_174 = arith.index_cast %scan3A_146 : i32 to index
        %swap3A_175 = arith.constant 48 : index
        %swap3A_176 = tpu.vector_load %arg9[%swap3A_174, %swap3A_175] {strides = array<i32>} : memref<128x128xf32, #tpu.memory_space<vmem>>, vector<16xf32>,
        tpu.vector_store %arg9[%swap3A_174, %swap3A_175], %mul3A_173 {strides = array<i32>} : memref<128x128xf32, #tpu.memory_space<vmem>>, vector<16xf32>,
        %scan3A_177 = arith.constant 0 : i32
        %scan3A_178 = arith.constant 4 : i32
        %scan3A_179 = arith.addi %scan3A_50, %scan3A_178 : i32
        %broadcast_in_dim3A_180 = vector.broadcast %scan3A_179 : i32 to vector<16xi32>
        %gather3A_181 = tpu.vector_load_idx %arg8[%broadcast_in_dim3A_180] : memref<128xf32, #tpu.memory_space<vmem>>[vector<16xi32>], vector<16xf32>,
        %get3A_182 = arith.index_cast %scan3A_179 : i32 to index
        %get3A_183 = arith.constant 0 : index
        %get3A_184 = tpu.vector_load %arg9[%get3A_182, %get3A_183] {strides = array<i32>} : memref<128x128xf32, #tpu.memory_space<vmem>>, vector<16xf32>,
        %mul3A_185 = arith.mulf %get3A_184, %gather3A_181 : vector<16xf32>
        %swap3A_186 = arith.index_cast %scan3A_179 : i32 to index
        %swap3A_187 = arith.constant 0 : index
        %swap3A_188 = tpu.vector_load %arg9[%swap3A_186, %swap3A_187] {strides = array<i32>} : memref<128x128xf32, #tpu.memory_space<vmem>>, vector<16xf32>,
        tpu.vector_store %arg9[%swap3A_186, %swap3A_187], %mul3A_185 {strides = array<i32>} : memref<128x128xf32, #tpu.memory_space<vmem>>, vector<16xf32>,
        %get3A_189 = arith.index_cast %scan3A_179 : i32 to index
        %get3A_190 = arith.constant 16 : index
        %get3A_191 = tpu.vector_load %arg9[%get3A_189, %get3A_190] {strides = array<i32>} : memref<128x128xf32, #tpu.memory_space<vmem>>, vector<16xf32>,
        %mul3A_192 = arith.mulf %get3A_191, %gather3A_181 : vector<16xf32>
        %swap3A_193 = arith.index_cast %scan3A_179 : i32 to index
        %swap3A_194 = arith.constant 16 : index
        %swap3A_195 = tpu.vector_load %arg9[%swap3A_193, %swap3A_194] {strides = array<i32>} : memref<128x128xf32, #tpu.memory_space<vmem>>, vector<16xf32>,
        tpu.vector_store %arg9[%swap3A_193, %swap3A_194], %mul3A_192 {strides = array<i32>} : memref<128x128xf32, #tpu.memory_space<vmem>>, vector<16xf32>,
        %get3A_196 = arith.index_cast %scan3A_179 : i32 to index
        %get3A_197 = arith.constant 32 : index
        %get3A_198 = tpu.vector_load %arg9[%get3A_196, %get3A_197] {strides = array<i32>} : memref<128x128xf32, #tpu.memory_space<vmem>>, vector<16xf32>,
        %mul3A_199 = arith.mulf %get3A_198, %gather3A_181 : vector<16xf32>
        %swap3A_200 = arith.index_cast %scan3A_179 : i32 to index
        %swap3A_201 = arith.constant 32 : index
        %swap3A_202 = tpu.vector_load %arg9[%swap3A_200, %swap3A_201] {strides = array<i32>} : memref<128x128xf32, #tpu.memory_space<vmem>>, vector<16xf32>,
        tpu.vector_store %arg9[%swap3A_200, %swap3A_201], %mul3A_199 {strides = array<i32>} : memref<128x128xf32, #tpu.memory_space<vmem>>, vector<16xf32>,
        %get3A_203 = arith.index_cast %scan3A_179 : i32 to index
        %get3A_204 = arith.constant 48 : index
        %get3A_205 = tpu.vector_load %arg9[%get3A_203, %get3A_204] {strides = array<i32>} : memref<128x128xf32, #tpu.memory_space<vmem>>, vector<16xf32>,
        %mul3A_206 = arith.mulf %get3A_205, %gather3A_181 : vector<16xf32>
        %swap3A_207 = arith.index_cast %scan3A_179 : i32 to index
        %swap3A_208 = arith.constant 48 : index
        %swap3A_209 = tpu.vector_load %arg9[%swap3A_207, %swap3A_208] {strides = array<i32>} : memref<128x128xf32, #tpu.memory_space<vmem>>, vector<16xf32>,
        tpu.vector_store %arg9[%swap3A_207, %swap3A_208], %mul3A_206 {strides = array<i32>} : memref<128x128xf32, #tpu.memory_space<vmem>>, vector<16xf32>,
        %scan3A_210 = arith.constant 0 : i32
        %scan3A_211 = arith.constant 5 : i32
        %scan3A_212 = arith.addi %scan3A_50, %scan3A_211 : i32
        %broadcast_in_dim3A_213 = vector.broadcast %scan3A_212 : i32 to vector<16xi32>
        %gather3A_214 = tpu.vector_load_idx %arg8[%broadcast_in_dim3A_213] : memref<128xf32, #tpu.memory_space<vmem>>[vector<16xi32>], vector<16xf32>,
        %get3A_215 = arith.index_cast %scan3A_212 : i32 to index
        %get3A_216 = arith.constant 0 : index
        %get3A_217 = tpu.vector_load %arg9[%get3A_215, %get3A_216] {strides = array<i32>} : memref<128x128xf32, #tpu.memory_space<vmem>>, vector<16xf32>,
        %mul3A_218 = arith.mulf %get3A_217, %gather3A_214 : vector<16xf32>
        %swap3A_219 = arith.index_cast %scan3A_212 : i32 to index
        %swap3A_220 = arith.constant 0 : index
        %swap3A_221 = tpu.vector_load %arg9[%swap3A_219, %swap3A_220] {strides = array<i32>} : memref<128x128xf32, #tpu.memory_space<vmem>>, vector<16xf32>,
        tpu.vector_store %arg9[%swap3A_219, %swap3A_220], %mul3A_218 {strides = array<i32>} : memref<128x128xf32, #tpu.memory_space<vmem>>, vector<16xf32>,
        %get3A_222 = arith.index_cast %scan3A_212 : i32 to index
        %get3A_223 = arith.constant 16 : index
        %get3A_224 = tpu.vector_load %arg9[%get3A_222, %get3A_223] {strides = array<i32>} : memref<128x128xf32, #tpu.memory_space<vmem>>, vector<16xf32>,
        %mul3A_225 = arith.mulf %get3A_224, %gather3A_214 : vector<16xf32>
        %swap3A_226 = arith.index_cast %scan3A_212 : i32 to index
        %swap3A_227 = arith.constant 16 : index
        %swap3A_228 = tpu.vector_load %arg9[%swap3A_226, %swap3A_227] {strides = array<i32>} : memref<128x128xf32, #tpu.memory_space<vmem>>, vector<16xf32>,
        tpu.vector_store %arg9[%swap3A_226, %swap3A_227], %mul3A_225 {strides = array<i32>} : memref<128x128xf32, #tpu.memory_space<vmem>>, vector<16xf32>,
        %get3A_229 = arith.index_cast %scan3A_212 : i32 to index
        %get3A_230 = arith.constant 32 : index
        %get3A_231 = tpu.vector_load %arg9[%get3A_229, %get3A_230] {strides = array<i32>} : memref<128x128xf32, #tpu.memory_space<vmem>>, vector<16xf32>,
        %mul3A_232 = arith.mulf %get3A_231, %gather3A_214 : vector<16xf32>
        %swap3A_233 = arith.index_cast %scan3A_212 : i32 to index
        %swap3A_234 = arith.constant 32 : index
        %swap3A_235 = tpu.vector_load %arg9[%swap3A_233, %swap3A_234] {strides = array<i32>} : memref<128x128xf32, #tpu.memory_space<vmem>>, vector<16xf32>,
        tpu.vector_store %arg9[%swap3A_233, %swap3A_234], %mul3A_232 {strides = array<i32>} : memref<128x128xf32, #tpu.memory_space<vmem>>, vector<16xf32>,
        %get3A_236 = arith.index_cast %scan3A_212 : i32 to index
        %get3A_237 = arith.constant 48 : index
        %get3A_238 = tpu.vector_load %arg9[%get3A_236, %get3A_237] {strides = array<i32>} : memref<128x128xf32, #tpu.memory_space<vmem>>, vector<16xf32>,
        %mul3A_239 = arith.mulf %get3A_238, %gather3A_214 : vector<16xf32>
        %swap3A_240 = arith.index_cast %scan3A_212 : i32 to index
        %swap3A_241 = arith.constant 48 : index
        %swap3A_242 = tpu.vector_load %arg9[%swap3A_240, %swap3A_241] {strides = array<i32>} : memref<128x128xf32, #tpu.memory_space<vmem>>, vector<16xf32>,
        tpu.vector_store %arg9[%swap3A_240, %swap3A_241], %mul3A_239 {strides = array<i32>} : memref<128x128xf32, #tpu.memory_space<vmem>>, vector<16xf32>,
        %scan3A_243 = arith.constant 0 : i32
        %scan3A_244 = arith.constant 6 : i32
        %scan3A_245 = arith.addi %scan3A_50, %scan3A_244 : i32
        %broadcast_in_dim3A_246 = vector.broadcast %scan3A_245 : i32 to vector<16xi32>
        %gather3A_247 = tpu.vector_load_idx %arg8[%broadcast_in_dim3A_246] : memref<128xf32, #tpu.memory_space<vmem>>[vector<16xi32>], vector<16xf32>,
        %get3A_248 = arith.index_cast %scan3A_245 : i32 to index
        %get3A_249 = arith.constant 0 : index
        %get3A_250 = tpu.vector_load %arg9[%get3A_248, %get3A_249] {strides = array<i32>} : memref<128x128xf32, #tpu.memory_space<vmem>>, vector<16xf32>,
        %mul3A_251 = arith.mulf %get3A_250, %gather3A_247 : vector<16xf32>
        %swap3A_252 = arith.index_cast %scan3A_245 : i32 to index
        %swap3A_253 = arith.constant 0 : index
        %swap3A_254 = tpu.vector_load %arg9[%swap3A_252, %swap3A_253] {strides = array<i32>} : memref<128x128xf32, #tpu.memory_space<vmem>>, vector<16xf32>,
        tpu.vector_store %arg9[%swap3A_252, %swap3A_253], %mul3A_251 {strides = array<i32>} : memref<128x128xf32, #tpu.memory_space<vmem>>, vector<16xf32>,
        %get3A_255 = arith.index_cast %scan3A_245 : i32 to index
        %get3A_256 = arith.constant 16 : index
        %get3A_257 = tpu.vector_load %arg9[%get3A_255, %get3A_256] {strides = array<i32>} : memref<128x128xf32, #tpu.memory_space<vmem>>, vector<16xf32>,
        %mul3A_258 = arith.mulf %get3A_257, %gather3A_247 : vector<16xf32>
        %swap3A_259 = arith.index_cast %scan3A_245 : i32 to index
        %swap3A_260 = arith.constant 16 : index
        %swap3A_261 = tpu.vector_load %arg9[%swap3A_259, %swap3A_260] {strides = array<i32>} : memref<128x128xf32, #tpu.memory_space<vmem>>, vector<16xf32>,
        tpu.vector_store %arg9[%swap3A_259, %swap3A_260], %mul3A_258 {strides = array<i32>} : memref<128x128xf32, #tpu.memory_space<vmem>>, vector<16xf32>,
        %get3A_262 = arith.index_cast %scan3A_245 : i32 to index
        %get3A_263 = arith.constant 32 : index
        %get3A_264 = tpu.vector_load %arg9[%get3A_262, %get3A_263] {strides = array<i32>} : memref<128x128xf32, #tpu.memory_space<vmem>>, vector<16xf32>,
        %mul3A_265 = arith.mulf %get3A_264, %gather3A_247 : vector<16xf32>
        %swap3A_266 = arith.index_cast %scan3A_245 : i32 to index
        %swap3A_267 = arith.constant 32 : index
        %swap3A_268 = tpu.vector_load %arg9[%swap3A_266, %swap3A_267] {strides = array<i32>} : memref<128x128xf32, #tpu.memory_space<vmem>>, vector<16xf32>,
        tpu.vector_store %arg9[%swap3A_266, %swap3A_267], %mul3A_265 {strides = array<i32>} : memref<128x128xf32, #tpu.memory_space<vmem>>, vector<16xf32>,
        %get3A_269 = arith.index_cast %scan3A_245 : i32 to index
        %get3A_270 = arith.constant 48 : index
        %get3A_271 = tpu.vector_load %arg9[%get3A_269, %get3A_270] {strides = array<i32>} : memref<128x128xf32, #tpu.memory_space<vmem>>, vector<16xf32>,
        %mul3A_272 = arith.mulf %get3A_271, %gather3A_247 : vector<16xf32>
        %swap3A_273 = arith.index_cast %scan3A_245 : i32 to index
        %swap3A_274 = arith.constant 48 : index
        %swap3A_275 = tpu.vector_load %arg9[%swap3A_273, %swap3A_274] {strides = array<i32>} : memref<128x128xf32, #tpu.memory_space<vmem>>, vector<16xf32>,
        tpu.vector_store %arg9[%swap3A_273, %swap3A_274], %mul3A_272 {strides = array<i32>} : memref<128x128xf32, #tpu.memory_space<vmem>>, vector<16xf32>,
        %scan3A_276 = arith.constant 0 : i32
        %scan3A_277 = arith.constant 7 : i32
        %scan3A_278 = arith.addi %scan3A_50, %scan3A_277 : i32
        %broadcast_in_dim3A_279 = vector.broadcast %scan3A_278 : i32 to vector<16xi32>
        %gather3A_280 = tpu.vector_load_idx %arg8[%broadcast_in_dim3A_279] : memref<128xf32, #tpu.memory_space<vmem>>[vector<16xi32>], vector<16xf32>,
        %get3A_281 = arith.index_cast %scan3A_278 : i32 to index
        %get3A_282 = arith.constant 0 : index
        %get3A_283 = tpu.vector_load %arg9[%get3A_281, %get3A_282] {strides = array<i32>} : memref<128x128xf32, #tpu.memory_space<vmem>>, vector<16xf32>,
        %mul3A_284 = arith.mulf %get3A_283, %gather3A_280 : vector<16xf32>
        %swap3A_285 = arith.index_cast %scan3A_278 : i32 to index
        %swap3A_286 = arith.constant 0 : index
        %swap3A_287 = tpu.vector_load %arg9[%swap3A_285, %swap3A_286] {strides = array<i32>} : memref<128x128xf32, #tpu.memory_space<vmem>>, vector<16xf32>,
        tpu.vector_store %arg9[%swap3A_285, %swap3A_286], %mul3A_284 {strides = array<i32>} : memref<128x128xf32, #tpu.memory_space<vmem>>, vector<16xf32>,
        %get3A_288 = arith.index_cast %scan3A_278 : i32 to index
        %get3A_289 = arith.constant 16 : index
        %get3A_290 = tpu.vector_load %arg9[%get3A_288, %get3A_289] {strides = array<i32>} : memref<128x128xf32, #tpu.memory_space<vmem>>, vector<16xf32>,
        %mul3A_291 = arith.mulf %get3A_290, %gather3A_280 : vector<16xf32>
        %swap3A_292 = arith.index_cast %scan3A_278 : i32 to index
        %swap3A_293 = arith.constant 16 : index
        %swap3A_294 = tpu.vector_load %arg9[%swap3A_292, %swap3A_293] {strides = array<i32>} : memref<128x128xf32, #tpu.memory_space<vmem>>, vector<16xf32>,
        tpu.vector_store %arg9[%swap3A_292, %swap3A_293], %mul3A_291 {strides = array<i32>} : memref<128x128xf32, #tpu.memory_space<vmem>>, vector<16xf32>,
        %get3A_295 = arith.index_cast %scan3A_278 : i32 to index
        %get3A_296 = arith.constant 32 : index
        %get3A_297 = tpu.vector_load %arg9[%get3A_295, %get3A_296] {strides = array<i32>} : memref<128x128xf32, #tpu.memory_space<vmem>>, vector<16xf32>,
        %mul3A_298 = arith.mulf %get3A_297, %gather3A_280 : vector<16xf32>
        %swap3A_299 = arith.index_cast %scan3A_278 : i32 to index
        %swap3A_300 = arith.constant 32 : index
        %swap3A_301 = tpu.vector_load %arg9[%swap3A_299, %swap3A_300] {strides = array<i32>} : memref<128x128xf32, #tpu.memory_space<vmem>>, vector<16xf32>,
        tpu.vector_store %arg9[%swap3A_299, %swap3A_300], %mul3A_298 {strides = array<i32>} : memref<128x128xf32, #tpu.memory_space<vmem>>, vector<16xf32>,
        %get3A_302 = arith.index_cast %scan3A_278 : i32 to index
        %get3A_303 = arith.constant 48 : index
        %get3A_304 = tpu.vector_load %arg9[%get3A_302, %get3A_303] {strides = array<i32>} : memref<128x128xf32, #tpu.memory_space<vmem>>, vector<16xf32>,
        %mul3A_305 = arith.mulf %get3A_304, %gather3A_280 : vector<16xf32>
        %swap3A_306 = arith.index_cast %scan3A_278 : i32 to index
        %swap3A_307 = arith.constant 48 : index
        %swap3A_308 = tpu.vector_load %arg9[%swap3A_306, %swap3A_307] {strides = array<i32>} : memref<128x128xf32, #tpu.memory_space<vmem>>, vector<16xf32>,
        tpu.vector_store %arg9[%swap3A_306, %swap3A_307], %mul3A_305 {strides = array<i32>} : memref<128x128xf32, #tpu.memory_space<vmem>>, vector<16xf32>,
        %scan3A_309 = arith.constant 0 : i32
        scf.yield %scan3A_309 : i32
      }
      %scan3A_48 = arith.constant 128 : i32
      "tpu.region"() ({
        %run_scoped3A = tpu.sem_alloc : memref<!tpu.dma_semaphore, #tpu.memory_space<semaphore_mem>>
        %dma_start3A_50 = arith.constant 0 : i32
        %dma_start3A_51 = arith.constant 0 : i32
        %dma_start3A_52 = tpu.memref_slice %arg10[%dma_start3A_50, %dma_start3A_51] : memref<10112x128xf32, #tpu.memory_space<vmem_shared>> -> memref<10112x128xf32, #tpu.memory_space<vmem_shared>>
        tpu.enqueue_indirect_dma source(%arg9 : memref<128x128xf32, #tpu.memory_space<vmem>>) target(%dma_start3A_52 : memref<10112x128xf32, #tpu.memory_space<vmem_shared>>) offsets(%arg7 : memref<128xi32, #tpu.memory_space<vmem>>) semaphore(%run_scoped3A : memref<!tpu.dma_semaphore, #tpu.memory_space<semaphore_mem>>) {add = true}
        %dma_wait3A_53 = arith.constant 0 : i32
        %dma_wait3A_54 = arith.constant 0 : i32
        %dma_wait3A_55 = tpu.memref_slice %arg10[%dma_wait3A_53, %dma_wait3A_54] : memref<10112x128xf32, #tpu.memory_space<vmem_shared>> -> memref<10112x128xf32, #tpu.memory_space<vmem_shared>>
        tpu.wait_indirect_dma semaphore(%run_scoped3A : memref<!tpu.dma_semaphore, #tpu.memory_space<semaphore_mem>>) src(%arg9 : memref<128x128xf32, #tpu.memory_space<vmem>>) dst(%dma_wait3A_55 : memref<10112x128xf32, #tpu.memory_space<vmem_shared>>)
        tpu.yield
      }) : () -> ()
      %scan3A_49 = arith.constant 0 : i32
      scf.yield %scan3A_49 : i32
    }
    %scan3A_27 = arith.constant 80 : i32
    %barrier3A_28 = arith.constant 0 : index
    tpu.barrier barrier_id(%barrier3A_28)
    %mul3A_29 = arith.constant 632 : i32
    %mul3A_30 = arith.muli %arg1, %mul3A_29 : i32
    "tpu.region"() ({
      %run_scoped3A = tpu.sem_alloc : memref<!tpu.dma_semaphore, #tpu.memory_space<semaphore_mem>>
      %dma_start3A = arith.constant 0 : i32
      %dma_start3A_31 = tpu.memref_slice %arg5[%arg0, %mul3A_30, %dma_start3A] : memref<2x10112x128xf32, #tpu.memory_space<hbm>> -> memref<1x632x128xf32, #tpu.memory_space<hbm>>
      %dma_start3A_32 = tpu.memref_squeeze %dma_start3A_31 : memref<1x632x128xf32, #tpu.memory_space<hbm>> -> memref<632x128xf32, #tpu.memory_space<hbm>>
      %dma_start3A_33 = arith.constant 0 : i32
      %dma_start3A_34 = tpu.memref_slice %arg10[%mul3A_30, %dma_start3A_33] : memref<10112x128xf32, #tpu.memory_space<vmem_shared>> -> memref<632x128xf32, #tpu.memory_space<vmem_shared>>
      tpu.enqueue_dma source(%dma_start3A_34 : memref<632x128xf32, #tpu.memory_space<vmem_shared>>) target(%dma_start3A_32 : memref<632x128xf32, #tpu.memory_space<hbm>>) target_semaphore(%run_scoped3A : memref<!tpu.dma_semaphore, #tpu.memory_space<semaphore_mem>>)
      %dma_wait3A = arith.constant 0 : i32
      %dma_wait3A_35 = tpu.memref_slice %arg5[%arg0, %mul3A_30, %dma_wait3A] : memref<2x10112x128xf32, #tpu.memory_space<hbm>> -> memref<1x632x128xf32, #tpu.memory_space<hbm>>
      %dma_wait3A_36 = tpu.memref_squeeze %dma_wait3A_35 : memref<1x632x128xf32, #tpu.memory_space<hbm>> -> memref<632x128xf32, #tpu.memory_space<hbm>>
      %dma_wait3A_37 = arith.constant 0 : i32
      %dma_wait3A_38 = tpu.memref_slice %arg10[%mul3A_30, %dma_wait3A_37] : memref<10112x128xf32, #tpu.memory_space<vmem_shared>> -> memref<632x128xf32, #tpu.memory_space<vmem_shared>>
      tpu.wait_dma2 semaphore(%run_scoped3A : memref<!tpu.dma_semaphore, #tpu.memory_space<semaphore_mem>>) src(%dma_wait3A_38 : memref<632x128xf32, #tpu.memory_space<vmem_shared>>) dst(%dma_wait3A_36 : memref<632x128xf32, #tpu.memory_space<hbm>>)
      tpu.yield
    }) : () -> ()
    return
  }
}

#map = affine_map<(d0, d1) -> (0)>
#map1 = affine_map<(d0, d1) -> (0, 0)>
#map2 = affine_map<(d0, d1) -> (0, 0, 0)>
module attributes {stable_mosaic.version = 14 : i64} {
  func.func @_conv1_edge_body(%arg0: i32, %arg1: i32, %arg2: memref<655360xi32, #tpu.memory_space<hbm>>, %arg3: memref<10000xf32, #tpu.memory_space<hbm>>, %arg4: memref<10000xf32, #tpu.memory_space<hbm>>, %arg5: memref<10000x128xf32, #tpu.memory_space<hbm>>, %arg6: memref<327680xf32, #tpu.memory_space<hbm>>, %arg7: memref<2x10112x128xf32, #tpu.memory_space<hbm>>, %arg8: memref<10000xf32, #tpu.memory_space<vmem>>, %arg9: memref<10000xf32, #tpu.memory_space<vmem>>, %arg10: memref<128xi32, #tpu.memory_space<vmem>>, %arg11: memref<128xi32, #tpu.memory_space<vmem>>, %arg12: memref<128xf32, #tpu.memory_space<vmem>>, %arg13: memref<128x128xf32, #tpu.memory_space<vmem>>, %arg14: memref<10112x128xf32, #tpu.memory_space<vmem_shared>>, %arg15: memref<!tpu.dma_semaphore, #tpu.memory_space<semaphore_mem>>) attributes {dimension_semantics = [#tpu.dimension_semantics<core_parallel>, #tpu.dimension_semantics<subcore_parallel>], iteration_bounds = array<i64: 2, 16>, scalar_prefetch = 0 : i64, scratch_operands = 8 : i64, tpu.core_type = #tpu.core_type<sc_vector_subcore>, window_params = [{transform_indices = #map}, {transform_indices = #map}, {transform_indices = #map}, {transform_indices = #map1}, {transform_indices = #map}, {transform_indices = #map2}]} {
    %mul3A = arith.constant 16 : i32
    %mul3A_0 = arith.muli %arg0, %mul3A : i32
    %add3A = arith.addi %mul3A_0, %arg1 : i32
    %mul3A_1 = arith.constant 10240 : i32
    %mul3A_2 = arith.muli %add3A, %mul3A_1 : i32
    %scan3A = arith.constant 0 : i32
    %scan3A_3 = arith.constant 0 : i32
    %scan3A_4 = arith.constant 128 : i32
    %scan3A_5 = arith.addi %scan3A_3, %scan3A_4 : i32
    %scan3A_6 = arith.constant 1 : i32
    %scan3A_7 = scf.for %scan3A_31 = %scan3A_3 to %scan3A_5 step %scan3A_6 iter_args(%scan3A_32 = %scan3A) -> (i32)  : i32 {
      %broadcast_in_dim3A = arith.constant 0.000000e+00 : f32
      %broadcast_in_dim3A_33 = vector.broadcast %broadcast_in_dim3A : f32 to vector<16xf32>
      %swap3A = arith.index_cast %scan3A_31 : i32 to index
      %swap3A_34 = arith.constant 0 : index
      %swap3A_35 = tpu.vector_load %arg13[%swap3A, %swap3A_34] {strides = array<i32>} : memref<128x128xf32, #tpu.memory_space<vmem>>, vector<16xf32>,
      tpu.vector_store %arg13[%swap3A, %swap3A_34], %broadcast_in_dim3A_33 {strides = array<i32>} : memref<128x128xf32, #tpu.memory_space<vmem>>, vector<16xf32>,
      %swap3A_36 = arith.index_cast %scan3A_31 : i32 to index
      %swap3A_37 = arith.constant 16 : index
      %swap3A_38 = tpu.vector_load %arg13[%swap3A_36, %swap3A_37] {strides = array<i32>} : memref<128x128xf32, #tpu.memory_space<vmem>>, vector<16xf32>,
      tpu.vector_store %arg13[%swap3A_36, %swap3A_37], %broadcast_in_dim3A_33 {strides = array<i32>} : memref<128x128xf32, #tpu.memory_space<vmem>>, vector<16xf32>,
      %swap3A_39 = arith.index_cast %scan3A_31 : i32 to index
      %swap3A_40 = arith.constant 32 : index
      %swap3A_41 = tpu.vector_load %arg13[%swap3A_39, %swap3A_40] {strides = array<i32>} : memref<128x128xf32, #tpu.memory_space<vmem>>, vector<16xf32>,
      tpu.vector_store %arg13[%swap3A_39, %swap3A_40], %broadcast_in_dim3A_33 {strides = array<i32>} : memref<128x128xf32, #tpu.memory_space<vmem>>, vector<16xf32>,
      %swap3A_42 = arith.index_cast %scan3A_31 : i32 to index
      %swap3A_43 = arith.constant 48 : index
      %swap3A_44 = tpu.vector_load %arg13[%swap3A_42, %swap3A_43] {strides = array<i32>} : memref<128x128xf32, #tpu.memory_space<vmem>>, vector<16xf32>,
      tpu.vector_store %arg13[%swap3A_42, %swap3A_43], %broadcast_in_dim3A_33 {strides = array<i32>} : memref<128x128xf32, #tpu.memory_space<vmem>>, vector<16xf32>,
      %swap3A_45 = arith.index_cast %scan3A_31 : i32 to index
      %swap3A_46 = arith.constant 64 : index
      %swap3A_47 = tpu.vector_load %arg13[%swap3A_45, %swap3A_46] {strides = array<i32>} : memref<128x128xf32, #tpu.memory_space<vmem>>, vector<16xf32>,
      tpu.vector_store %arg13[%swap3A_45, %swap3A_46], %broadcast_in_dim3A_33 {strides = array<i32>} : memref<128x128xf32, #tpu.memory_space<vmem>>, vector<16xf32>,
      %swap3A_48 = arith.index_cast %scan3A_31 : i32 to index
      %swap3A_49 = arith.constant 80 : index
      %swap3A_50 = tpu.vector_load %arg13[%swap3A_48, %swap3A_49] {strides = array<i32>} : memref<128x128xf32, #tpu.memory_space<vmem>>, vector<16xf32>,
      tpu.vector_store %arg13[%swap3A_48, %swap3A_49], %broadcast_in_dim3A_33 {strides = array<i32>} : memref<128x128xf32, #tpu.memory_space<vmem>>, vector<16xf32>,
      %swap3A_51 = arith.index_cast %scan3A_31 : i32 to index
      %swap3A_52 = arith.constant 96 : index
      %swap3A_53 = tpu.vector_load %arg13[%swap3A_51, %swap3A_52] {strides = array<i32>} : memref<128x128xf32, #tpu.memory_space<vmem>>, vector<16xf32>,
      tpu.vector_store %arg13[%swap3A_51, %swap3A_52], %broadcast_in_dim3A_33 {strides = array<i32>} : memref<128x128xf32, #tpu.memory_space<vmem>>, vector<16xf32>,
      %swap3A_54 = arith.index_cast %scan3A_31 : i32 to index
      %swap3A_55 = arith.constant 112 : index
      %swap3A_56 = tpu.vector_load %arg13[%swap3A_54, %swap3A_55] {strides = array<i32>} : memref<128x128xf32, #tpu.memory_space<vmem>>, vector<16xf32>,
      tpu.vector_store %arg13[%swap3A_54, %swap3A_55], %broadcast_in_dim3A_33 {strides = array<i32>} : memref<128x128xf32, #tpu.memory_space<vmem>>, vector<16xf32>,
      %scan3A_57 = arith.constant 0 : i32
      scf.yield %scan3A_57 : i32
    }
    %scan3A_8 = arith.constant 128 : i32
    %mul3A_9 = arith.constant 632 : i32
    %mul3A_10 = arith.muli %arg1, %mul3A_9 : i32
    %add3A_11 = arith.constant 0 : i32
    %add3A_12 = arith.addi %mul3A_10, %add3A_11 : i32
    "tpu.region"() ({
      %run_scoped3A = tpu.sem_alloc : memref<!tpu.dma_semaphore, #tpu.memory_space<semaphore_mem>>
      %dma_start3A = arith.constant 0 : i32
      %dma_start3A_31 = arith.constant 0 : i32
      %dma_start3A_32 = tpu.memref_slice %arg13[%dma_start3A, %dma_start3A_31] : memref<128x128xf32, #tpu.memory_space<vmem>> -> memref<128x128xf32, #tpu.memory_space<vmem>>
      %dma_start3A_33 = arith.constant 0 : i32
      %dma_start3A_34 = tpu.memref_slice %arg14[%add3A_12, %dma_start3A_33] : memref<10112x128xf32, #tpu.memory_space<vmem_shared>> -> memref<128x128xf32, #tpu.memory_space<vmem_shared>>
      %dma_start3A_35 = arith.constant 0 : i32
      %dma_start3A_36 = tpu.memref_slice %arg14[%add3A_12, %dma_start3A_35] : memref<10112x128xf32, #tpu.memory_space<vmem_shared>> -> memref<128x128xf32, #tpu.memory_space<vmem_shared>>
      %dma_start3A_37 = arith.constant 0 : i32
      %dma_start3A_38 = arith.constant 0 : i32
      %dma_start3A_39 = tpu.memref_slice %arg13[%dma_start3A_37, %dma_start3A_38] : memref<128x128xf32, #tpu.memory_space<vmem>> -> memref<128x128xf32, #tpu.memory_space<vmem>>
      tpu.enqueue_dma source(%dma_start3A_39 : memref<128x128xf32, #tpu.memory_space<vmem>>) target(%dma_start3A_36 : memref<128x128xf32, #tpu.memory_space<vmem_shared>>) target_semaphore(%run_scoped3A : memref<!tpu.dma_semaphore, #tpu.memory_space<semaphore_mem>>)
      %dma_wait3A = arith.constant 0 : i32
      %dma_wait3A_40 = arith.constant 0 : i32
      %dma_wait3A_41 = tpu.memref_slice %arg13[%dma_wait3A, %dma_wait3A_40] : memref<128x128xf32, #tpu.memory_space<vmem>> -> memref<128x128xf32, #tpu.memory_space<vmem>>
      %dma_wait3A_42 = arith.constant 0 : i32
      %dma_wait3A_43 = tpu.memref_slice %arg14[%add3A_12, %dma_wait3A_42] : memref<10112x128xf32, #tpu.memory_space<vmem_shared>> -> memref<128x128xf32, #tpu.memory_space<vmem_shared>>
      %dma_wait3A_44 = arith.constant 0 : i32
      %dma_wait3A_45 = tpu.memref_slice %arg14[%add3A_12, %dma_wait3A_44] : memref<10112x128xf32, #tpu.memory_space<vmem_shared>> -> memref<128x128xf32, #tpu.memory_space<vmem_shared>>
      %dma_wait3A_46 = arith.constant 0 : i32
      %dma_wait3A_47 = arith.constant 0 : i32
      %dma_wait3A_48 = tpu.memref_slice %arg13[%dma_wait3A_46, %dma_wait3A_47] : memref<128x128xf32, #tpu.memory_space<vmem>> -> memref<128x128xf32, #tpu.memory_space<vmem>>
      tpu.wait_dma2 semaphore(%run_scoped3A : memref<!tpu.dma_semaphore, #tpu.memory_space<semaphore_mem>>) src(%dma_wait3A_48 : memref<128x128xf32, #tpu.memory_space<vmem>>) dst(%dma_wait3A_45 : memref<128x128xf32, #tpu.memory_space<vmem_shared>>)
      tpu.yield
    }) : () -> ()
    %add3A_13 = arith.constant 128 : i32
    %add3A_14 = arith.addi %mul3A_10, %add3A_13 : i32
    "tpu.region"() ({
      %run_scoped3A = tpu.sem_alloc : memref<!tpu.dma_semaphore, #tpu.memory_space<semaphore_mem>>
      %dma_start3A = arith.constant 0 : i32
      %dma_start3A_31 = arith.constant 0 : i32
      %dma_start3A_32 = tpu.memref_slice %arg13[%dma_start3A, %dma_start3A_31] : memref<128x128xf32, #tpu.memory_space<vmem>> -> memref<128x128xf32, #tpu.memory_space<vmem>>
      %dma_start3A_33 = arith.constant 0 : i32
      %dma_start3A_34 = tpu.memref_slice %arg14[%add3A_14, %dma_start3A_33] : memref<10112x128xf32, #tpu.memory_space<vmem_shared>> -> memref<128x128xf32, #tpu.memory_space<vmem_shared>>
      %dma_start3A_35 = arith.constant 0 : i32
      %dma_start3A_36 = tpu.memref_slice %arg14[%add3A_14, %dma_start3A_35] : memref<10112x128xf32, #tpu.memory_space<vmem_shared>> -> memref<128x128xf32, #tpu.memory_space<vmem_shared>>
      %dma_start3A_37 = arith.constant 0 : i32
      %dma_start3A_38 = arith.constant 0 : i32
      %dma_start3A_39 = tpu.memref_slice %arg13[%dma_start3A_37, %dma_start3A_38] : memref<128x128xf32, #tpu.memory_space<vmem>> -> memref<128x128xf32, #tpu.memory_space<vmem>>
      tpu.enqueue_dma source(%dma_start3A_39 : memref<128x128xf32, #tpu.memory_space<vmem>>) target(%dma_start3A_36 : memref<128x128xf32, #tpu.memory_space<vmem_shared>>) target_semaphore(%run_scoped3A : memref<!tpu.dma_semaphore, #tpu.memory_space<semaphore_mem>>)
      %dma_wait3A = arith.constant 0 : i32
      %dma_wait3A_40 = arith.constant 0 : i32
      %dma_wait3A_41 = tpu.memref_slice %arg13[%dma_wait3A, %dma_wait3A_40] : memref<128x128xf32, #tpu.memory_space<vmem>> -> memref<128x128xf32, #tpu.memory_space<vmem>>
      %dma_wait3A_42 = arith.constant 0 : i32
      %dma_wait3A_43 = tpu.memref_slice %arg14[%add3A_14, %dma_wait3A_42] : memref<10112x128xf32, #tpu.memory_space<vmem_shared>> -> memref<128x128xf32, #tpu.memory_space<vmem_shared>>
      %dma_wait3A_44 = arith.constant 0 : i32
      %dma_wait3A_45 = tpu.memref_slice %arg14[%add3A_14, %dma_wait3A_44] : memref<10112x128xf32, #tpu.memory_space<vmem_shared>> -> memref<128x128xf32, #tpu.memory_space<vmem_shared>>
      %dma_wait3A_46 = arith.constant 0 : i32
      %dma_wait3A_47 = arith.constant 0 : i32
      %dma_wait3A_48 = tpu.memref_slice %arg13[%dma_wait3A_46, %dma_wait3A_47] : memref<128x128xf32, #tpu.memory_space<vmem>> -> memref<128x128xf32, #tpu.memory_space<vmem>>
      tpu.wait_dma2 semaphore(%run_scoped3A : memref<!tpu.dma_semaphore, #tpu.memory_space<semaphore_mem>>) src(%dma_wait3A_48 : memref<128x128xf32, #tpu.memory_space<vmem>>) dst(%dma_wait3A_45 : memref<128x128xf32, #tpu.memory_space<vmem_shared>>)
      tpu.yield
    }) : () -> ()
    %add3A_15 = arith.constant 256 : i32
    %add3A_16 = arith.addi %mul3A_10, %add3A_15 : i32
    "tpu.region"() ({
      %run_scoped3A = tpu.sem_alloc : memref<!tpu.dma_semaphore, #tpu.memory_space<semaphore_mem>>
      %dma_start3A = arith.constant 0 : i32
      %dma_start3A_31 = arith.constant 0 : i32
      %dma_start3A_32 = tpu.memref_slice %arg13[%dma_start3A, %dma_start3A_31] : memref<128x128xf32, #tpu.memory_space<vmem>> -> memref<128x128xf32, #tpu.memory_space<vmem>>
      %dma_start3A_33 = arith.constant 0 : i32
      %dma_start3A_34 = tpu.memref_slice %arg14[%add3A_16, %dma_start3A_33] : memref<10112x128xf32, #tpu.memory_space<vmem_shared>> -> memref<128x128xf32, #tpu.memory_space<vmem_shared>>
      %dma_start3A_35 = arith.constant 0 : i32
      %dma_start3A_36 = tpu.memref_slice %arg14[%add3A_16, %dma_start3A_35] : memref<10112x128xf32, #tpu.memory_space<vmem_shared>> -> memref<128x128xf32, #tpu.memory_space<vmem_shared>>
      %dma_start3A_37 = arith.constant 0 : i32
      %dma_start3A_38 = arith.constant 0 : i32
      %dma_start3A_39 = tpu.memref_slice %arg13[%dma_start3A_37, %dma_start3A_38] : memref<128x128xf32, #tpu.memory_space<vmem>> -> memref<128x128xf32, #tpu.memory_space<vmem>>
      tpu.enqueue_dma source(%dma_start3A_39 : memref<128x128xf32, #tpu.memory_space<vmem>>) target(%dma_start3A_36 : memref<128x128xf32, #tpu.memory_space<vmem_shared>>) target_semaphore(%run_scoped3A : memref<!tpu.dma_semaphore, #tpu.memory_space<semaphore_mem>>)
      %dma_wait3A = arith.constant 0 : i32
      %dma_wait3A_40 = arith.constant 0 : i32
      %dma_wait3A_41 = tpu.memref_slice %arg13[%dma_wait3A, %dma_wait3A_40] : memref<128x128xf32, #tpu.memory_space<vmem>> -> memref<128x128xf32, #tpu.memory_space<vmem>>
      %dma_wait3A_42 = arith.constant 0 : i32
      %dma_wait3A_43 = tpu.memref_slice %arg14[%add3A_16, %dma_wait3A_42] : memref<10112x128xf32, #tpu.memory_space<vmem_shared>> -> memref<128x128xf32, #tpu.memory_space<vmem_shared>>
      %dma_wait3A_44 = arith.constant 0 : i32
      %dma_wait3A_45 = tpu.memref_slice %arg14[%add3A_16, %dma_wait3A_44] : memref<10112x128xf32, #tpu.memory_space<vmem_shared>> -> memref<128x128xf32, #tpu.memory_space<vmem_shared>>
      %dma_wait3A_46 = arith.constant 0 : i32
      %dma_wait3A_47 = arith.constant 0 : i32
      %dma_wait3A_48 = tpu.memref_slice %arg13[%dma_wait3A_46, %dma_wait3A_47] : memref<128x128xf32, #tpu.memory_space<vmem>> -> memref<128x128xf32, #tpu.memory_space<vmem>>
      tpu.wait_dma2 semaphore(%run_scoped3A : memref<!tpu.dma_semaphore, #tpu.memory_space<semaphore_mem>>) src(%dma_wait3A_48 : memref<128x128xf32, #tpu.memory_space<vmem>>) dst(%dma_wait3A_45 : memref<128x128xf32, #tpu.memory_space<vmem_shared>>)
      tpu.yield
    }) : () -> ()
    %add3A_17 = arith.constant 384 : i32
    %add3A_18 = arith.addi %mul3A_10, %add3A_17 : i32
    "tpu.region"() ({
      %run_scoped3A = tpu.sem_alloc : memref<!tpu.dma_semaphore, #tpu.memory_space<semaphore_mem>>
      %dma_start3A = arith.constant 0 : i32
      %dma_start3A_31 = arith.constant 0 : i32
      %dma_start3A_32 = tpu.memref_slice %arg13[%dma_start3A, %dma_start3A_31] : memref<128x128xf32, #tpu.memory_space<vmem>> -> memref<128x128xf32, #tpu.memory_space<vmem>>
      %dma_start3A_33 = arith.constant 0 : i32
      %dma_start3A_34 = tpu.memref_slice %arg14[%add3A_18, %dma_start3A_33] : memref<10112x128xf32, #tpu.memory_space<vmem_shared>> -> memref<128x128xf32, #tpu.memory_space<vmem_shared>>
      %dma_start3A_35 = arith.constant 0 : i32
      %dma_start3A_36 = tpu.memref_slice %arg14[%add3A_18, %dma_start3A_35] : memref<10112x128xf32, #tpu.memory_space<vmem_shared>> -> memref<128x128xf32, #tpu.memory_space<vmem_shared>>
      %dma_start3A_37 = arith.constant 0 : i32
      %dma_start3A_38 = arith.constant 0 : i32
      %dma_start3A_39 = tpu.memref_slice %arg13[%dma_start3A_37, %dma_start3A_38] : memref<128x128xf32, #tpu.memory_space<vmem>> -> memref<128x128xf32, #tpu.memory_space<vmem>>
      tpu.enqueue_dma source(%dma_start3A_39 : memref<128x128xf32, #tpu.memory_space<vmem>>) target(%dma_start3A_36 : memref<128x128xf32, #tpu.memory_space<vmem_shared>>) target_semaphore(%run_scoped3A : memref<!tpu.dma_semaphore, #tpu.memory_space<semaphore_mem>>)
      %dma_wait3A = arith.constant 0 : i32
      %dma_wait3A_40 = arith.constant 0 : i32
      %dma_wait3A_41 = tpu.memref_slice %arg13[%dma_wait3A, %dma_wait3A_40] : memref<128x128xf32, #tpu.memory_space<vmem>> -> memref<128x128xf32, #tpu.memory_space<vmem>>
      %dma_wait3A_42 = arith.constant 0 : i32
      %dma_wait3A_43 = tpu.memref_slice %arg14[%add3A_18, %dma_wait3A_42] : memref<10112x128xf32, #tpu.memory_space<vmem_shared>> -> memref<128x128xf32, #tpu.memory_space<vmem_shared>>
      %dma_wait3A_44 = arith.constant 0 : i32
      %dma_wait3A_45 = tpu.memref_slice %arg14[%add3A_18, %dma_wait3A_44] : memref<10112x128xf32, #tpu.memory_space<vmem_shared>> -> memref<128x128xf32, #tpu.memory_space<vmem_shared>>
      %dma_wait3A_46 = arith.constant 0 : i32
      %dma_wait3A_47 = arith.constant 0 : i32
      %dma_wait3A_48 = tpu.memref_slice %arg13[%dma_wait3A_46, %dma_wait3A_47] : memref<128x128xf32, #tpu.memory_space<vmem>> -> memref<128x128xf32, #tpu.memory_space<vmem>>
      tpu.wait_dma2 semaphore(%run_scoped3A : memref<!tpu.dma_semaphore, #tpu.memory_space<semaphore_mem>>) src(%dma_wait3A_48 : memref<128x128xf32, #tpu.memory_space<vmem>>) dst(%dma_wait3A_45 : memref<128x128xf32, #tpu.memory_space<vmem_shared>>)
      tpu.yield
    }) : () -> ()
    %add3A_19 = arith.constant 512 : i32
    %add3A_20 = arith.addi %mul3A_10, %add3A_19 : i32
    "tpu.region"() ({
      %run_scoped3A = tpu.sem_alloc : memref<!tpu.dma_semaphore, #tpu.memory_space<semaphore_mem>>
      %dma_start3A = arith.constant 0 : i32
      %dma_start3A_31 = arith.constant 0 : i32
      %dma_start3A_32 = tpu.memref_slice %arg13[%dma_start3A, %dma_start3A_31] : memref<128x128xf32, #tpu.memory_space<vmem>> -> memref<120x128xf32, #tpu.memory_space<vmem>>
      %dma_start3A_33 = arith.constant 0 : i32
      %dma_start3A_34 = tpu.memref_slice %arg14[%add3A_20, %dma_start3A_33] : memref<10112x128xf32, #tpu.memory_space<vmem_shared>> -> memref<120x128xf32, #tpu.memory_space<vmem_shared>>
      %dma_start3A_35 = arith.constant 0 : i32
      %dma_start3A_36 = tpu.memref_slice %arg14[%add3A_20, %dma_start3A_35] : memref<10112x128xf32, #tpu.memory_space<vmem_shared>> -> memref<120x128xf32, #tpu.memory_space<vmem_shared>>
      %dma_start3A_37 = arith.constant 0 : i32
      %dma_start3A_38 = arith.constant 0 : i32
      %dma_start3A_39 = tpu.memref_slice %arg13[%dma_start3A_37, %dma_start3A_38] : memref<128x128xf32, #tpu.memory_space<vmem>> -> memref<120x128xf32, #tpu.memory_space<vmem>>
      tpu.enqueue_dma source(%dma_start3A_39 : memref<120x128xf32, #tpu.memory_space<vmem>>) target(%dma_start3A_36 : memref<120x128xf32, #tpu.memory_space<vmem_shared>>) target_semaphore(%run_scoped3A : memref<!tpu.dma_semaphore, #tpu.memory_space<semaphore_mem>>)
      %dma_wait3A = arith.constant 0 : i32
      %dma_wait3A_40 = arith.constant 0 : i32
      %dma_wait3A_41 = tpu.memref_slice %arg13[%dma_wait3A, %dma_wait3A_40] : memref<128x128xf32, #tpu.memory_space<vmem>> -> memref<120x128xf32, #tpu.memory_space<vmem>>
      %dma_wait3A_42 = arith.constant 0 : i32
      %dma_wait3A_43 = tpu.memref_slice %arg14[%add3A_20, %dma_wait3A_42] : memref<10112x128xf32, #tpu.memory_space<vmem_shared>> -> memref<120x128xf32, #tpu.memory_space<vmem_shared>>
      %dma_wait3A_44 = arith.constant 0 : i32
      %dma_wait3A_45 = tpu.memref_slice %arg14[%add3A_20, %dma_wait3A_44] : memref<10112x128xf32, #tpu.memory_space<vmem_shared>> -> memref<120x128xf32, #tpu.memory_space<vmem_shared>>
      %dma_wait3A_46 = arith.constant 0 : i32
      %dma_wait3A_47 = arith.constant 0 : i32
      %dma_wait3A_48 = tpu.memref_slice %arg13[%dma_wait3A_46, %dma_wait3A_47] : memref<128x128xf32, #tpu.memory_space<vmem>> -> memref<120x128xf32, #tpu.memory_space<vmem>>
      tpu.wait_dma2 semaphore(%run_scoped3A : memref<!tpu.dma_semaphore, #tpu.memory_space<semaphore_mem>>) src(%dma_wait3A_48 : memref<120x128xf32, #tpu.memory_space<vmem>>) dst(%dma_wait3A_45 : memref<120x128xf32, #tpu.memory_space<vmem_shared>>)
      tpu.yield
    }) : () -> ()
    "tpu.region"() ({
      %run_scoped3A = tpu.sem_alloc : memref<!tpu.dma_semaphore, #tpu.memory_space<semaphore_mem>>
      %dma_start3A = arith.constant 0 : i32
      %dma_start3A_31 = tpu.memref_slice %arg3[%dma_start3A] : memref<10000xf32, #tpu.memory_space<hbm>> -> memref<10000xf32, #tpu.memory_space<hbm>>
      %dma_start3A_32 = arith.constant 0 : i32
      %dma_start3A_33 = tpu.memref_slice %arg3[%dma_start3A_32] : memref<10000xf32, #tpu.memory_space<hbm>> -> memref<10000xf32, #tpu.memory_space<hbm>>
      tpu.enqueue_dma source(%dma_start3A_33 : memref<10000xf32, #tpu.memory_space<hbm>>) target(%arg8 : memref<10000xf32, #tpu.memory_space<vmem>>) target_semaphore(%run_scoped3A : memref<!tpu.dma_semaphore, #tpu.memory_space<semaphore_mem>>)
      %dma_wait3A = arith.constant 0 : i32
      %dma_wait3A_34 = tpu.memref_slice %arg3[%dma_wait3A] : memref<10000xf32, #tpu.memory_space<hbm>> -> memref<10000xf32, #tpu.memory_space<hbm>>
      %dma_wait3A_35 = arith.constant 0 : i32
      %dma_wait3A_36 = tpu.memref_slice %arg3[%dma_wait3A_35] : memref<10000xf32, #tpu.memory_space<hbm>> -> memref<10000xf32, #tpu.memory_space<hbm>>
      tpu.wait_dma2 semaphore(%run_scoped3A : memref<!tpu.dma_semaphore, #tpu.memory_space<semaphore_mem>>) src(%dma_wait3A_36 : memref<10000xf32, #tpu.memory_space<hbm>>) dst(%arg8 : memref<10000xf32, #tpu.memory_space<vmem>>)
      tpu.yield
    }) : () -> ()
    "tpu.region"() ({
      %run_scoped3A = tpu.sem_alloc : memref<!tpu.dma_semaphore, #tpu.memory_space<semaphore_mem>>
      %dma_start3A = arith.constant 0 : i32
      %dma_start3A_31 = tpu.memref_slice %arg4[%dma_start3A] : memref<10000xf32, #tpu.memory_space<hbm>> -> memref<10000xf32, #tpu.memory_space<hbm>>
      %dma_start3A_32 = arith.constant 0 : i32
      %dma_start3A_33 = tpu.memref_slice %arg4[%dma_start3A_32] : memref<10000xf32, #tpu.memory_space<hbm>> -> memref<10000xf32, #tpu.memory_space<hbm>>
      tpu.enqueue_dma source(%dma_start3A_33 : memref<10000xf32, #tpu.memory_space<hbm>>) target(%arg9 : memref<10000xf32, #tpu.memory_space<vmem>>) target_semaphore(%run_scoped3A : memref<!tpu.dma_semaphore, #tpu.memory_space<semaphore_mem>>)
      %dma_wait3A = arith.constant 0 : i32
      %dma_wait3A_34 = tpu.memref_slice %arg4[%dma_wait3A] : memref<10000xf32, #tpu.memory_space<hbm>> -> memref<10000xf32, #tpu.memory_space<hbm>>
      %dma_wait3A_35 = arith.constant 0 : i32
      %dma_wait3A_36 = tpu.memref_slice %arg4[%dma_wait3A_35] : memref<10000xf32, #tpu.memory_space<hbm>> -> memref<10000xf32, #tpu.memory_space<hbm>>
      tpu.wait_dma2 semaphore(%run_scoped3A : memref<!tpu.dma_semaphore, #tpu.memory_space<semaphore_mem>>) src(%dma_wait3A_36 : memref<10000xf32, #tpu.memory_space<hbm>>) dst(%arg9 : memref<10000xf32, #tpu.memory_space<vmem>>)
      tpu.yield
    }) : () -> ()
    %barrier3A = arith.constant 0 : index
    tpu.barrier barrier_id(%barrier3A)
    %scan3A_21 = arith.constant 0 : i32
    %scan3A_22 = arith.constant 0 : i32
    %scan3A_23 = arith.constant 80 : i32
    %scan3A_24 = arith.addi %scan3A_22, %scan3A_23 : i32
    %scan3A_25 = arith.constant 1 : i32
    %scan3A_26 = scf.for %scan3A_31 = %scan3A_22 to %scan3A_24 step %scan3A_25 iter_args(%scan3A_32 = %scan3A_21) -> (i32)  : i32 {
      %mul3A_33 = arith.constant 128 : i32
      %mul3A_34 = arith.muli %scan3A_31, %mul3A_33 : i32
      %add3A_35 = arith.addi %mul3A_2, %mul3A_34 : i32
      "tpu.region"() ({
        %run_scoped3A = tpu.sem_alloc : memref<!tpu.dma_semaphore, #tpu.memory_space<semaphore_mem>>
        %dma_start3A_57 = tpu.memref_slice %arg2[%add3A_35] : memref<655360xi32, #tpu.memory_space<hbm>> -> memref<128xi32, #tpu.memory_space<hbm>>
        %dma_start3A_58 = tpu.memref_slice %arg2[%add3A_35] : memref<655360xi32, #tpu.memory_space<hbm>> -> memref<128xi32, #tpu.memory_space<hbm>>
        tpu.enqueue_dma source(%dma_start3A_58 : memref<128xi32, #tpu.memory_space<hbm>>) target(%arg10 : memref<128xi32, #tpu.memory_space<vmem>>) target_semaphore(%run_scoped3A : memref<!tpu.dma_semaphore, #tpu.memory_space<semaphore_mem>>)
        %dma_wait3A_59 = tpu.memref_slice %arg2[%add3A_35] : memref<655360xi32, #tpu.memory_space<hbm>> -> memref<128xi32, #tpu.memory_space<hbm>>
        %dma_wait3A_60 = tpu.memref_slice %arg2[%add3A_35] : memref<655360xi32, #tpu.memory_space<hbm>> -> memref<128xi32, #tpu.memory_space<hbm>>
        tpu.wait_dma2 semaphore(%run_scoped3A : memref<!tpu.dma_semaphore, #tpu.memory_space<semaphore_mem>>) src(%dma_wait3A_60 : memref<128xi32, #tpu.memory_space<hbm>>) dst(%arg10 : memref<128xi32, #tpu.memory_space<vmem>>)
        tpu.yield
      }) : () -> ()
      %add3A_36 = arith.constant 327680 : i32
      %add3A_37 = arith.addi %add3A_36, %add3A_35 : i32
      "tpu.region"() ({
        %run_scoped3A = tpu.sem_alloc : memref<!tpu.dma_semaphore, #tpu.memory_space<semaphore_mem>>
        %dma_start3A_57 = tpu.memref_slice %arg2[%add3A_37] : memref<655360xi32, #tpu.memory_space<hbm>> -> memref<128xi32, #tpu.memory_space<hbm>>
        %dma_start3A_58 = tpu.memref_slice %arg2[%add3A_37] : memref<655360xi32, #tpu.memory_space<hbm>> -> memref<128xi32, #tpu.memory_space<hbm>>
        tpu.enqueue_dma source(%dma_start3A_58 : memref<128xi32, #tpu.memory_space<hbm>>) target(%arg11 : memref<128xi32, #tpu.memory_space<vmem>>) target_semaphore(%run_scoped3A : memref<!tpu.dma_semaphore, #tpu.memory_space<semaphore_mem>>)
        %dma_wait3A_59 = tpu.memref_slice %arg2[%add3A_37] : memref<655360xi32, #tpu.memory_space<hbm>> -> memref<128xi32, #tpu.memory_space<hbm>>
        %dma_wait3A_60 = tpu.memref_slice %arg2[%add3A_37] : memref<655360xi32, #tpu.memory_space<hbm>> -> memref<128xi32, #tpu.memory_space<hbm>>
        tpu.wait_dma2 semaphore(%run_scoped3A : memref<!tpu.dma_semaphore, #tpu.memory_space<semaphore_mem>>) src(%dma_wait3A_60 : memref<128xi32, #tpu.memory_space<hbm>>) dst(%arg11 : memref<128xi32, #tpu.memory_space<vmem>>)
        tpu.yield
      }) : () -> ()
      %dma_start3A = arith.constant 0 : i32
      %dma_start3A_38 = arith.constant 0 : i32
      %dma_start3A_39 = tpu.memref_slice %arg5[%dma_start3A, %dma_start3A_38] : memref<10000x128xf32, #tpu.memory_space<hbm>> -> memref<10000x128xf32, #tpu.memory_space<hbm>>
      tpu.enqueue_indirect_dma source(%dma_start3A_39 : memref<10000x128xf32, #tpu.memory_space<hbm>>) target(%arg13 : memref<128x128xf32, #tpu.memory_space<vmem>>) offsets(%arg10 : memref<128xi32, #tpu.memory_space<vmem>>) semaphore(%arg15 : memref<!tpu.dma_semaphore, #tpu.memory_space<semaphore_mem>>)
      %scan3A_40 = arith.constant 0 : i32
      %scan3A_41 = arith.constant 0 : i32
      %scan3A_42 = arith.constant 8 : i32
      %scan3A_43 = arith.addi %scan3A_41, %scan3A_42 : i32
      %scan3A_44 = arith.constant 4 : i32
      %scan3A_45 = scf.for %scan3A_57 = %scan3A_41 to %scan3A_43 step %scan3A_44 iter_args(%scan3A_58 = %scan3A_40) -> (i32)  : i32 {
        %mul3A_59 = arith.constant 16 : i32
        %mul3A_60 = arith.muli %scan3A_57, %mul3A_59 : i32
        %get3A = arith.index_cast %mul3A_60 : i32 to index
        %get3A_61 = tpu.vector_load %arg10[%get3A] {strides = array<i32>} : memref<128xi32, #tpu.memory_space<vmem>>, vector<16xi32>,
        %mul3A_62 = arith.constant 16 : i32
        %mul3A_63 = arith.muli %scan3A_57, %mul3A_62 : i32
        %get3A_64 = arith.index_cast %mul3A_63 : i32 to index
        %get3A_65 = tpu.vector_load %arg11[%get3A_64] {strides = array<i32>} : memref<128xi32, #tpu.memory_space<vmem>>, vector<16xi32>,
        %gather3A = tpu.vector_load_idx %arg8[%get3A_61] : memref<10000xf32, #tpu.memory_space<vmem>>[vector<16xi32>], vector<16xf32>,
        %gather3A_66 = tpu.vector_load_idx %arg9[%get3A_65] : memref<10000xf32, #tpu.memory_space<vmem>>[vector<16xi32>], vector<16xf32>,
        %add3A_67 = arith.addf %gather3A, %gather3A_66 : vector<16xf32>
        %neg3A = arith.constant 0.000000e+00 : f32
        %neg3A_68 = vector.broadcast %neg3A : f32 to vector<16xf32>
        %neg3A_69 = arith.subf %neg3A_68, %add3A_67 : vector<16xf32>
        %exp3A = math.exp %neg3A_69 : vector<16xf32>
        %add3A_70 = arith.constant 1.000000e+00 : f32
        %add3A_71 = vector.broadcast %add3A_70 : f32 to vector<16xf32>
        %add3A_72 = arith.addf %add3A_71, %exp3A : vector<16xf32>
        %div3A = arith.constant 1.000000e+00 : f32
        %div3A_73 = vector.broadcast %div3A : f32 to vector<16xf32>
        %div3A_74 = arith.divf %div3A_73, %add3A_72 : vector<16xf32>
        %exp3A_75 = math.exp %div3A_74 : vector<16xf32>
        %iota3A = tpu.iota {dimensions = array<i32: 0>} : vector<16xi32>
        %mul3A_76 = arith.constant 16 : i32
        %mul3A_77 = arith.muli %scan3A_57, %mul3A_76 : i32
        %add3A_78 = arith.addi %add3A_35, %mul3A_77 : i32
        %add3A_79 = vector.broadcast %add3A_78 : i32 to vector<16xi32>
        %add3A_80 = arith.addi %iota3A, %add3A_79 : vector<16xi32>
        %lt3A = arith.constant 320000 : i32
        %lt3A_81 = vector.broadcast %lt3A : i32 to vector<16xi32>
        %lt3A_82 = arith.cmpi slt, %add3A_80, %lt3A_81 : vector<16xi32>
        %jit3A = arith.constant 0.000000e+00 : f32
        %broadcast_in_dim3A = vector.broadcast %jit3A : f32 to vector<16xf32>
        %select_n3A = arith.select %lt3A_82, %exp3A_75, %broadcast_in_dim3A : vector<16xi1>, vector<16xf32>
        %mul3A_83 = arith.constant 16 : i32
        %mul3A_84 = arith.muli %scan3A_57, %mul3A_83 : i32
        %swap3A = arith.index_cast %mul3A_84 : i32 to index
        %swap3A_85 = tpu.vector_load %arg12[%swap3A] {strides = array<i32>} : memref<128xf32, #tpu.memory_space<vmem>>, vector<16xf32>,
        tpu.vector_store %arg12[%swap3A], %select_n3A {strides = array<i32>} : memref<128xf32, #tpu.memory_space<vmem>>, vector<16xf32>,
        %scan3A_86 = arith.constant 0 : i32
        %scan3A_87 = arith.constant 1 : i32
        %scan3A_88 = arith.addi %scan3A_57, %scan3A_87 : i32
        %mul3A_89 = arith.constant 16 : i32
        %mul3A_90 = arith.muli %scan3A_88, %mul3A_89 : i32
        %get3A_91 = arith.index_cast %mul3A_90 : i32 to index
        %get3A_92 = tpu.vector_load %arg10[%get3A_91] {strides = array<i32>} : memref<128xi32, #tpu.memory_space<vmem>>, vector<16xi32>,
        %mul3A_93 = arith.constant 16 : i32
        %mul3A_94 = arith.muli %scan3A_88, %mul3A_93 : i32
        %get3A_95 = arith.index_cast %mul3A_94 : i32 to index
        %get3A_96 = tpu.vector_load %arg11[%get3A_95] {strides = array<i32>} : memref<128xi32, #tpu.memory_space<vmem>>, vector<16xi32>,
        %gather3A_97 = tpu.vector_load_idx %arg8[%get3A_92] : memref<10000xf32, #tpu.memory_space<vmem>>[vector<16xi32>], vector<16xf32>,
        %gather3A_98 = tpu.vector_load_idx %arg9[%get3A_96] : memref<10000xf32, #tpu.memory_space<vmem>>[vector<16xi32>], vector<16xf32>,
        %add3A_99 = arith.addf %gather3A_97, %gather3A_98 : vector<16xf32>
        %neg3A_100 = arith.constant 0.000000e+00 : f32
        %neg3A_101 = vector.broadcast %neg3A_100 : f32 to vector<16xf32>
        %neg3A_102 = arith.subf %neg3A_101, %add3A_99 : vector<16xf32>
        %exp3A_103 = math.exp %neg3A_102 : vector<16xf32>
        %add3A_104 = arith.constant 1.000000e+00 : f32
        %add3A_105 = vector.broadcast %add3A_104 : f32 to vector<16xf32>
        %add3A_106 = arith.addf %add3A_105, %exp3A_103 : vector<16xf32>
        %div3A_107 = arith.constant 1.000000e+00 : f32
        %div3A_108 = vector.broadcast %div3A_107 : f32 to vector<16xf32>
        %div3A_109 = arith.divf %div3A_108, %add3A_106 : vector<16xf32>
        %exp3A_110 = math.exp %div3A_109 : vector<16xf32>
        %iota3A_111 = tpu.iota {dimensions = array<i32: 0>} : vector<16xi32>
        %mul3A_112 = arith.constant 16 : i32
        %mul3A_113 = arith.muli %scan3A_88, %mul3A_112 : i32
        %add3A_114 = arith.addi %add3A_35, %mul3A_113 : i32
        %add3A_115 = vector.broadcast %add3A_114 : i32 to vector<16xi32>
        %add3A_116 = arith.addi %iota3A_111, %add3A_115 : vector<16xi32>
        %lt3A_117 = arith.constant 320000 : i32
        %lt3A_118 = vector.broadcast %lt3A_117 : i32 to vector<16xi32>
        %lt3A_119 = arith.cmpi slt, %add3A_116, %lt3A_118 : vector<16xi32>
        %jit3A_120 = arith.constant 0.000000e+00 : f32
        %broadcast_in_dim3A_121 = vector.broadcast %jit3A_120 : f32 to vector<16xf32>
        %select_n3A_122 = arith.select %lt3A_119, %exp3A_110, %broadcast_in_dim3A_121 : vector<16xi1>, vector<16xf32>
        %mul3A_123 = arith.constant 16 : i32
        %mul3A_124 = arith.muli %scan3A_88, %mul3A_123 : i32
        %swap3A_125 = arith.index_cast %mul3A_124 : i32 to index
        %swap3A_126 = tpu.vector_load %arg12[%swap3A_125] {strides = array<i32>} : memref<128xf32, #tpu.memory_space<vmem>>, vector<16xf32>,
        tpu.vector_store %arg12[%swap3A_125], %select_n3A_122 {strides = array<i32>} : memref<128xf32, #tpu.memory_space<vmem>>, vector<16xf32>,
        %scan3A_127 = arith.constant 0 : i32
        %scan3A_128 = arith.constant 2 : i32
        %scan3A_129 = arith.addi %scan3A_57, %scan3A_128 : i32
        %mul3A_130 = arith.constant 16 : i32
        %mul3A_131 = arith.muli %scan3A_129, %mul3A_130 : i32
        %get3A_132 = arith.index_cast %mul3A_131 : i32 to index
        %get3A_133 = tpu.vector_load %arg10[%get3A_132] {strides = array<i32>} : memref<128xi32, #tpu.memory_space<vmem>>, vector<16xi32>,
        %mul3A_134 = arith.constant 16 : i32
        %mul3A_135 = arith.muli %scan3A_129, %mul3A_134 : i32
        %get3A_136 = arith.index_cast %mul3A_135 : i32 to index
        %get3A_137 = tpu.vector_load %arg11[%get3A_136] {strides = array<i32>} : memref<128xi32, #tpu.memory_space<vmem>>, vector<16xi32>,
        %gather3A_138 = tpu.vector_load_idx %arg8[%get3A_133] : memref<10000xf32, #tpu.memory_space<vmem>>[vector<16xi32>], vector<16xf32>,
        %gather3A_139 = tpu.vector_load_idx %arg9[%get3A_137] : memref<10000xf32, #tpu.memory_space<vmem>>[vector<16xi32>], vector<16xf32>,
        %add3A_140 = arith.addf %gather3A_138, %gather3A_139 : vector<16xf32>
        %neg3A_141 = arith.constant 0.000000e+00 : f32
        %neg3A_142 = vector.broadcast %neg3A_141 : f32 to vector<16xf32>
        %neg3A_143 = arith.subf %neg3A_142, %add3A_140 : vector<16xf32>
        %exp3A_144 = math.exp %neg3A_143 : vector<16xf32>
        %add3A_145 = arith.constant 1.000000e+00 : f32
        %add3A_146 = vector.broadcast %add3A_145 : f32 to vector<16xf32>
        %add3A_147 = arith.addf %add3A_146, %exp3A_144 : vector<16xf32>
        %div3A_148 = arith.constant 1.000000e+00 : f32
        %div3A_149 = vector.broadcast %div3A_148 : f32 to vector<16xf32>
        %div3A_150 = arith.divf %div3A_149, %add3A_147 : vector<16xf32>
        %exp3A_151 = math.exp %div3A_150 : vector<16xf32>
        %iota3A_152 = tpu.iota {dimensions = array<i32: 0>} : vector<16xi32>
        %mul3A_153 = arith.constant 16 : i32
        %mul3A_154 = arith.muli %scan3A_129, %mul3A_153 : i32
        %add3A_155 = arith.addi %add3A_35, %mul3A_154 : i32
        %add3A_156 = vector.broadcast %add3A_155 : i32 to vector<16xi32>
        %add3A_157 = arith.addi %iota3A_152, %add3A_156 : vector<16xi32>
        %lt3A_158 = arith.constant 320000 : i32
        %lt3A_159 = vector.broadcast %lt3A_158 : i32 to vector<16xi32>
        %lt3A_160 = arith.cmpi slt, %add3A_157, %lt3A_159 : vector<16xi32>
        %jit3A_161 = arith.constant 0.000000e+00 : f32
        %broadcast_in_dim3A_162 = vector.broadcast %jit3A_161 : f32 to vector<16xf32>
        %select_n3A_163 = arith.select %lt3A_160, %exp3A_151, %broadcast_in_dim3A_162 : vector<16xi1>, vector<16xf32>
        %mul3A_164 = arith.constant 16 : i32
        %mul3A_165 = arith.muli %scan3A_129, %mul3A_164 : i32
        %swap3A_166 = arith.index_cast %mul3A_165 : i32 to index
        %swap3A_167 = tpu.vector_load %arg12[%swap3A_166] {strides = array<i32>} : memref<128xf32, #tpu.memory_space<vmem>>, vector<16xf32>,
        tpu.vector_store %arg12[%swap3A_166], %select_n3A_163 {strides = array<i32>} : memref<128xf32, #tpu.memory_space<vmem>>, vector<16xf32>,
        %scan3A_168 = arith.constant 0 : i32
        %scan3A_169 = arith.constant 3 : i32
        %scan3A_170 = arith.addi %scan3A_57, %scan3A_169 : i32
        %mul3A_171 = arith.constant 16 : i32
        %mul3A_172 = arith.muli %scan3A_170, %mul3A_171 : i32
        %get3A_173 = arith.index_cast %mul3A_172 : i32 to index
        %get3A_174 = tpu.vector_load %arg10[%get3A_173] {strides = array<i32>} : memref<128xi32, #tpu.memory_space<vmem>>, vector<16xi32>,
        %mul3A_175 = arith.constant 16 : i32
        %mul3A_176 = arith.muli %scan3A_170, %mul3A_175 : i32
        %get3A_177 = arith.index_cast %mul3A_176 : i32 to index
        %get3A_178 = tpu.vector_load %arg11[%get3A_177] {strides = array<i32>} : memref<128xi32, #tpu.memory_space<vmem>>, vector<16xi32>,
        %gather3A_179 = tpu.vector_load_idx %arg8[%get3A_174] : memref<10000xf32, #tpu.memory_space<vmem>>[vector<16xi32>], vector<16xf32>,
        %gather3A_180 = tpu.vector_load_idx %arg9[%get3A_178] : memref<10000xf32, #tpu.memory_space<vmem>>[vector<16xi32>], vector<16xf32>,
        %add3A_181 = arith.addf %gather3A_179, %gather3A_180 : vector<16xf32>
        %neg3A_182 = arith.constant 0.000000e+00 : f32
        %neg3A_183 = vector.broadcast %neg3A_182 : f32 to vector<16xf32>
        %neg3A_184 = arith.subf %neg3A_183, %add3A_181 : vector<16xf32>
        %exp3A_185 = math.exp %neg3A_184 : vector<16xf32>
        %add3A_186 = arith.constant 1.000000e+00 : f32
        %add3A_187 = vector.broadcast %add3A_186 : f32 to vector<16xf32>
        %add3A_188 = arith.addf %add3A_187, %exp3A_185 : vector<16xf32>
        %div3A_189 = arith.constant 1.000000e+00 : f32
        %div3A_190 = vector.broadcast %div3A_189 : f32 to vector<16xf32>
        %div3A_191 = arith.divf %div3A_190, %add3A_188 : vector<16xf32>
        %exp3A_192 = math.exp %div3A_191 : vector<16xf32>
        %iota3A_193 = tpu.iota {dimensions = array<i32: 0>} : vector<16xi32>
        %mul3A_194 = arith.constant 16 : i32
        %mul3A_195 = arith.muli %scan3A_170, %mul3A_194 : i32
        %add3A_196 = arith.addi %add3A_35, %mul3A_195 : i32
        %add3A_197 = vector.broadcast %add3A_196 : i32 to vector<16xi32>
        %add3A_198 = arith.addi %iota3A_193, %add3A_197 : vector<16xi32>
        %lt3A_199 = arith.constant 320000 : i32
        %lt3A_200 = vector.broadcast %lt3A_199 : i32 to vector<16xi32>
        %lt3A_201 = arith.cmpi slt, %add3A_198, %lt3A_200 : vector<16xi32>
        %jit3A_202 = arith.constant 0.000000e+00 : f32
        %broadcast_in_dim3A_203 = vector.broadcast %jit3A_202 : f32 to vector<16xf32>
        %select_n3A_204 = arith.select %lt3A_201, %exp3A_192, %broadcast_in_dim3A_203 : vector<16xi1>, vector<16xf32>
        %mul3A_205 = arith.constant 16 : i32
        %mul3A_206 = arith.muli %scan3A_170, %mul3A_205 : i32
        %swap3A_207 = arith.index_cast %mul3A_206 : i32 to index
        %swap3A_208 = tpu.vector_load %arg12[%swap3A_207] {strides = array<i32>} : memref<128xf32, #tpu.memory_space<vmem>>, vector<16xf32>,
        tpu.vector_store %arg12[%swap3A_207], %select_n3A_204 {strides = array<i32>} : memref<128xf32, #tpu.memory_space<vmem>>, vector<16xf32>,
        %scan3A_209 = arith.constant 0 : i32
        scf.yield %scan3A_209 : i32
      }
      %scan3A_46 = arith.constant 8 : i32
      "tpu.region"() ({
        %run_scoped3A = tpu.sem_alloc : memref<!tpu.dma_semaphore, #tpu.memory_space<semaphore_mem>>
        %dma_start3A_57 = tpu.memref_slice %arg6[%add3A_35] : memref<327680xf32, #tpu.memory_space<hbm>> -> memref<128xf32, #tpu.memory_space<hbm>>
        %dma_start3A_58 = tpu.memref_slice %arg6[%add3A_35] : memref<327680xf32, #tpu.memory_space<hbm>> -> memref<128xf32, #tpu.memory_space<hbm>>
        tpu.enqueue_dma source(%arg12 : memref<128xf32, #tpu.memory_space<vmem>>) target(%dma_start3A_58 : memref<128xf32, #tpu.memory_space<hbm>>) target_semaphore(%run_scoped3A : memref<!tpu.dma_semaphore, #tpu.memory_space<semaphore_mem>>)
        %dma_wait3A_59 = tpu.memref_slice %arg6[%add3A_35] : memref<327680xf32, #tpu.memory_space<hbm>> -> memref<128xf32, #tpu.memory_space<hbm>>
        %dma_wait3A_60 = tpu.memref_slice %arg6[%add3A_35] : memref<327680xf32, #tpu.memory_space<hbm>> -> memref<128xf32, #tpu.memory_space<hbm>>
        tpu.wait_dma2 semaphore(%run_scoped3A : memref<!tpu.dma_semaphore, #tpu.memory_space<semaphore_mem>>) src(%arg12 : memref<128xf32, #tpu.memory_space<vmem>>) dst(%dma_wait3A_60 : memref<128xf32, #tpu.memory_space<hbm>>)
        tpu.yield
      }) : () -> ()
      %dma_wait3A = arith.constant 0 : i32
      %dma_wait3A_47 = arith.constant 0 : i32
      %dma_wait3A_48 = tpu.memref_slice %arg5[%dma_wait3A, %dma_wait3A_47] : memref<10000x128xf32, #tpu.memory_space<hbm>> -> memref<10000x128xf32, #tpu.memory_space<hbm>>
      tpu.wait_indirect_dma semaphore(%arg15 : memref<!tpu.dma_semaphore, #tpu.memory_space<semaphore_mem>>) src(%dma_wait3A_48 : memref<10000x128xf32, #tpu.memory_space<hbm>>) dst(%arg13 : memref<128x128xf32, #tpu.memory_space<vmem>>)
      %scan3A_49 = arith.constant 0 : i32
      %scan3A_50 = arith.constant 0 : i32
      %scan3A_51 = arith.constant 128 : i32
      %scan3A_52 = arith.addi %scan3A_50, %scan3A_51 : i32
      %scan3A_53 = arith.constant 8 : i32
      %scan3A_54 = scf.for %scan3A_57 = %scan3A_50 to %scan3A_52 step %scan3A_53 iter_args(%scan3A_58 = %scan3A_49) -> (i32)  : i32 {
        %broadcast_in_dim3A = vector.broadcast %scan3A_57 : i32 to vector<16xi32>
        %gather3A = tpu.vector_load_idx %arg12[%broadcast_in_dim3A] : memref<128xf32, #tpu.memory_space<vmem>>[vector<16xi32>], vector<16xf32>,
        %get3A = arith.index_cast %scan3A_57 : i32 to index
        %get3A_59 = arith.constant 0 : index
        %get3A_60 = tpu.vector_load %arg13[%get3A, %get3A_59] {strides = array<i32>} : memref<128x128xf32, #tpu.memory_space<vmem>>, vector<16xf32>,
        %mul3A_61 = arith.mulf %get3A_60, %gather3A : vector<16xf32>
        %swap3A = arith.index_cast %scan3A_57 : i32 to index
        %swap3A_62 = arith.constant 0 : index
        %swap3A_63 = tpu.vector_load %arg13[%swap3A, %swap3A_62] {strides = array<i32>} : memref<128x128xf32, #tpu.memory_space<vmem>>, vector<16xf32>,
        tpu.vector_store %arg13[%swap3A, %swap3A_62], %mul3A_61 {strides = array<i32>} : memref<128x128xf32, #tpu.memory_space<vmem>>, vector<16xf32>,
        %get3A_64 = arith.index_cast %scan3A_57 : i32 to index
        %get3A_65 = arith.constant 16 : index
        %get3A_66 = tpu.vector_load %arg13[%get3A_64, %get3A_65] {strides = array<i32>} : memref<128x128xf32, #tpu.memory_space<vmem>>, vector<16xf32>,
        %mul3A_67 = arith.mulf %get3A_66, %gather3A : vector<16xf32>
        %swap3A_68 = arith.index_cast %scan3A_57 : i32 to index
        %swap3A_69 = arith.constant 16 : index
        %swap3A_70 = tpu.vector_load %arg13[%swap3A_68, %swap3A_69] {strides = array<i32>} : memref<128x128xf32, #tpu.memory_space<vmem>>, vector<16xf32>,
        tpu.vector_store %arg13[%swap3A_68, %swap3A_69], %mul3A_67 {strides = array<i32>} : memref<128x128xf32, #tpu.memory_space<vmem>>, vector<16xf32>,
        %get3A_71 = arith.index_cast %scan3A_57 : i32 to index
        %get3A_72 = arith.constant 32 : index
        %get3A_73 = tpu.vector_load %arg13[%get3A_71, %get3A_72] {strides = array<i32>} : memref<128x128xf32, #tpu.memory_space<vmem>>, vector<16xf32>,
        %mul3A_74 = arith.mulf %get3A_73, %gather3A : vector<16xf32>
        %swap3A_75 = arith.index_cast %scan3A_57 : i32 to index
        %swap3A_76 = arith.constant 32 : index
        %swap3A_77 = tpu.vector_load %arg13[%swap3A_75, %swap3A_76] {strides = array<i32>} : memref<128x128xf32, #tpu.memory_space<vmem>>, vector<16xf32>,
        tpu.vector_store %arg13[%swap3A_75, %swap3A_76], %mul3A_74 {strides = array<i32>} : memref<128x128xf32, #tpu.memory_space<vmem>>, vector<16xf32>,
        %get3A_78 = arith.index_cast %scan3A_57 : i32 to index
        %get3A_79 = arith.constant 48 : index
        %get3A_80 = tpu.vector_load %arg13[%get3A_78, %get3A_79] {strides = array<i32>} : memref<128x128xf32, #tpu.memory_space<vmem>>, vector<16xf32>,
        %mul3A_81 = arith.mulf %get3A_80, %gather3A : vector<16xf32>
        %swap3A_82 = arith.index_cast %scan3A_57 : i32 to index
        %swap3A_83 = arith.constant 48 : index
        %swap3A_84 = tpu.vector_load %arg13[%swap3A_82, %swap3A_83] {strides = array<i32>} : memref<128x128xf32, #tpu.memory_space<vmem>>, vector<16xf32>,
        tpu.vector_store %arg13[%swap3A_82, %swap3A_83], %mul3A_81 {strides = array<i32>} : memref<128x128xf32, #tpu.memory_space<vmem>>, vector<16xf32>,
        %swap3A_85 = arith.index_cast %scan3A_57 : i32 to index
        %swap3A_86 = arith.constant 64 : index
        %swap3A_87 = tpu.vector_load %arg13[%swap3A_85, %swap3A_86] {strides = array<i32>} : memref<128x128xf32, #tpu.memory_space<vmem>>, vector<16xf32>,
        tpu.vector_store %arg13[%swap3A_85, %swap3A_86], %gather3A {strides = array<i32>} : memref<128x128xf32, #tpu.memory_space<vmem>>, vector<16xf32>,
        %scan3A_88 = arith.constant 0 : i32
        %scan3A_89 = arith.constant 1 : i32
        %scan3A_90 = arith.addi %scan3A_57, %scan3A_89 : i32
        %broadcast_in_dim3A_91 = vector.broadcast %scan3A_90 : i32 to vector<16xi32>
        %gather3A_92 = tpu.vector_load_idx %arg12[%broadcast_in_dim3A_91] : memref<128xf32, #tpu.memory_space<vmem>>[vector<16xi32>], vector<16xf32>,
        %get3A_93 = arith.index_cast %scan3A_90 : i32 to index
        %get3A_94 = arith.constant 0 : index
        %get3A_95 = tpu.vector_load %arg13[%get3A_93, %get3A_94] {strides = array<i32>} : memref<128x128xf32, #tpu.memory_space<vmem>>, vector<16xf32>,
        %mul3A_96 = arith.mulf %get3A_95, %gather3A_92 : vector<16xf32>
        %swap3A_97 = arith.index_cast %scan3A_90 : i32 to index
        %swap3A_98 = arith.constant 0 : index
        %swap3A_99 = tpu.vector_load %arg13[%swap3A_97, %swap3A_98] {strides = array<i32>} : memref<128x128xf32, #tpu.memory_space<vmem>>, vector<16xf32>,
        tpu.vector_store %arg13[%swap3A_97, %swap3A_98], %mul3A_96 {strides = array<i32>} : memref<128x128xf32, #tpu.memory_space<vmem>>, vector<16xf32>,
        %get3A_100 = arith.index_cast %scan3A_90 : i32 to index
        %get3A_101 = arith.constant 16 : index
        %get3A_102 = tpu.vector_load %arg13[%get3A_100, %get3A_101] {strides = array<i32>} : memref<128x128xf32, #tpu.memory_space<vmem>>, vector<16xf32>,
        %mul3A_103 = arith.mulf %get3A_102, %gather3A_92 : vector<16xf32>
        %swap3A_104 = arith.index_cast %scan3A_90 : i32 to index
        %swap3A_105 = arith.constant 16 : index
        %swap3A_106 = tpu.vector_load %arg13[%swap3A_104, %swap3A_105] {strides = array<i32>} : memref<128x128xf32, #tpu.memory_space<vmem>>, vector<16xf32>,
        tpu.vector_store %arg13[%swap3A_104, %swap3A_105], %mul3A_103 {strides = array<i32>} : memref<128x128xf32, #tpu.memory_space<vmem>>, vector<16xf32>,
        %get3A_107 = arith.index_cast %scan3A_90 : i32 to index
        %get3A_108 = arith.constant 32 : index
        %get3A_109 = tpu.vector_load %arg13[%get3A_107, %get3A_108] {strides = array<i32>} : memref<128x128xf32, #tpu.memory_space<vmem>>, vector<16xf32>,
        %mul3A_110 = arith.mulf %get3A_109, %gather3A_92 : vector<16xf32>
        %swap3A_111 = arith.index_cast %scan3A_90 : i32 to index
        %swap3A_112 = arith.constant 32 : index
        %swap3A_113 = tpu.vector_load %arg13[%swap3A_111, %swap3A_112] {strides = array<i32>} : memref<128x128xf32, #tpu.memory_space<vmem>>, vector<16xf32>,
        tpu.vector_store %arg13[%swap3A_111, %swap3A_112], %mul3A_110 {strides = array<i32>} : memref<128x128xf32, #tpu.memory_space<vmem>>, vector<16xf32>,
        %get3A_114 = arith.index_cast %scan3A_90 : i32 to index
        %get3A_115 = arith.constant 48 : index
        %get3A_116 = tpu.vector_load %arg13[%get3A_114, %get3A_115] {strides = array<i32>} : memref<128x128xf32, #tpu.memory_space<vmem>>, vector<16xf32>,
        %mul3A_117 = arith.mulf %get3A_116, %gather3A_92 : vector<16xf32>
        %swap3A_118 = arith.index_cast %scan3A_90 : i32 to index
        %swap3A_119 = arith.constant 48 : index
        %swap3A_120 = tpu.vector_load %arg13[%swap3A_118, %swap3A_119] {strides = array<i32>} : memref<128x128xf32, #tpu.memory_space<vmem>>, vector<16xf32>,
        tpu.vector_store %arg13[%swap3A_118, %swap3A_119], %mul3A_117 {strides = array<i32>} : memref<128x128xf32, #tpu.memory_space<vmem>>, vector<16xf32>,
        %swap3A_121 = arith.index_cast %scan3A_90 : i32 to index
        %swap3A_122 = arith.constant 64 : index
        %swap3A_123 = tpu.vector_load %arg13[%swap3A_121, %swap3A_122] {strides = array<i32>} : memref<128x128xf32, #tpu.memory_space<vmem>>, vector<16xf32>,
        tpu.vector_store %arg13[%swap3A_121, %swap3A_122], %gather3A_92 {strides = array<i32>} : memref<128x128xf32, #tpu.memory_space<vmem>>, vector<16xf32>,
        %scan3A_124 = arith.constant 0 : i32
        %scan3A_125 = arith.constant 2 : i32
        %scan3A_126 = arith.addi %scan3A_57, %scan3A_125 : i32
        %broadcast_in_dim3A_127 = vector.broadcast %scan3A_126 : i32 to vector<16xi32>
        %gather3A_128 = tpu.vector_load_idx %arg12[%broadcast_in_dim3A_127] : memref<128xf32, #tpu.memory_space<vmem>>[vector<16xi32>], vector<16xf32>,
        %get3A_129 = arith.index_cast %scan3A_126 : i32 to index
        %get3A_130 = arith.constant 0 : index
        %get3A_131 = tpu.vector_load %arg13[%get3A_129, %get3A_130] {strides = array<i32>} : memref<128x128xf32, #tpu.memory_space<vmem>>, vector<16xf32>,
        %mul3A_132 = arith.mulf %get3A_131, %gather3A_128 : vector<16xf32>
        %swap3A_133 = arith.index_cast %scan3A_126 : i32 to index
        %swap3A_134 = arith.constant 0 : index
        %swap3A_135 = tpu.vector_load %arg13[%swap3A_133, %swap3A_134] {strides = array<i32>} : memref<128x128xf32, #tpu.memory_space<vmem>>, vector<16xf32>,
        tpu.vector_store %arg13[%swap3A_133, %swap3A_134], %mul3A_132 {strides = array<i32>} : memref<128x128xf32, #tpu.memory_space<vmem>>, vector<16xf32>,
        %get3A_136 = arith.index_cast %scan3A_126 : i32 to index
        %get3A_137 = arith.constant 16 : index
        %get3A_138 = tpu.vector_load %arg13[%get3A_136, %get3A_137] {strides = array<i32>} : memref<128x128xf32, #tpu.memory_space<vmem>>, vector<16xf32>,
        %mul3A_139 = arith.mulf %get3A_138, %gather3A_128 : vector<16xf32>
        %swap3A_140 = arith.index_cast %scan3A_126 : i32 to index
        %swap3A_141 = arith.constant 16 : index
        %swap3A_142 = tpu.vector_load %arg13[%swap3A_140, %swap3A_141] {strides = array<i32>} : memref<128x128xf32, #tpu.memory_space<vmem>>, vector<16xf32>,
        tpu.vector_store %arg13[%swap3A_140, %swap3A_141], %mul3A_139 {strides = array<i32>} : memref<128x128xf32, #tpu.memory_space<vmem>>, vector<16xf32>,
        %get3A_143 = arith.index_cast %scan3A_126 : i32 to index
        %get3A_144 = arith.constant 32 : index
        %get3A_145 = tpu.vector_load %arg13[%get3A_143, %get3A_144] {strides = array<i32>} : memref<128x128xf32, #tpu.memory_space<vmem>>, vector<16xf32>,
        %mul3A_146 = arith.mulf %get3A_145, %gather3A_128 : vector<16xf32>
        %swap3A_147 = arith.index_cast %scan3A_126 : i32 to index
        %swap3A_148 = arith.constant 32 : index
        %swap3A_149 = tpu.vector_load %arg13[%swap3A_147, %swap3A_148] {strides = array<i32>} : memref<128x128xf32, #tpu.memory_space<vmem>>, vector<16xf32>,
        tpu.vector_store %arg13[%swap3A_147, %swap3A_148], %mul3A_146 {strides = array<i32>} : memref<128x128xf32, #tpu.memory_space<vmem>>, vector<16xf32>,
        %get3A_150 = arith.index_cast %scan3A_126 : i32 to index
        %get3A_151 = arith.constant 48 : index
        %get3A_152 = tpu.vector_load %arg13[%get3A_150, %get3A_151] {strides = array<i32>} : memref<128x128xf32, #tpu.memory_space<vmem>>, vector<16xf32>,
        %mul3A_153 = arith.mulf %get3A_152, %gather3A_128 : vector<16xf32>
        %swap3A_154 = arith.index_cast %scan3A_126 : i32 to index
        %swap3A_155 = arith.constant 48 : index
        %swap3A_156 = tpu.vector_load %arg13[%swap3A_154, %swap3A_155] {strides = array<i32>} : memref<128x128xf32, #tpu.memory_space<vmem>>, vector<16xf32>,
        tpu.vector_store %arg13[%swap3A_154, %swap3A_155], %mul3A_153 {strides = array<i32>} : memref<128x128xf32, #tpu.memory_space<vmem>>, vector<16xf32>,
        %swap3A_157 = arith.index_cast %scan3A_126 : i32 to index
        %swap3A_158 = arith.constant 64 : index
        %swap3A_159 = tpu.vector_load %arg13[%swap3A_157, %swap3A_158] {strides = array<i32>} : memref<128x128xf32, #tpu.memory_space<vmem>>, vector<16xf32>,
        tpu.vector_store %arg13[%swap3A_157, %swap3A_158], %gather3A_128 {strides = array<i32>} : memref<128x128xf32, #tpu.memory_space<vmem>>, vector<16xf32>,
        %scan3A_160 = arith.constant 0 : i32
        %scan3A_161 = arith.constant 3 : i32
        %scan3A_162 = arith.addi %scan3A_57, %scan3A_161 : i32
        %broadcast_in_dim3A_163 = vector.broadcast %scan3A_162 : i32 to vector<16xi32>
        %gather3A_164 = tpu.vector_load_idx %arg12[%broadcast_in_dim3A_163] : memref<128xf32, #tpu.memory_space<vmem>>[vector<16xi32>], vector<16xf32>,
        %get3A_165 = arith.index_cast %scan3A_162 : i32 to index
        %get3A_166 = arith.constant 0 : index
        %get3A_167 = tpu.vector_load %arg13[%get3A_165, %get3A_166] {strides = array<i32>} : memref<128x128xf32, #tpu.memory_space<vmem>>, vector<16xf32>,
        %mul3A_168 = arith.mulf %get3A_167, %gather3A_164 : vector<16xf32>
        %swap3A_169 = arith.index_cast %scan3A_162 : i32 to index
        %swap3A_170 = arith.constant 0 : index
        %swap3A_171 = tpu.vector_load %arg13[%swap3A_169, %swap3A_170] {strides = array<i32>} : memref<128x128xf32, #tpu.memory_space<vmem>>, vector<16xf32>,
        tpu.vector_store %arg13[%swap3A_169, %swap3A_170], %mul3A_168 {strides = array<i32>} : memref<128x128xf32, #tpu.memory_space<vmem>>, vector<16xf32>,
        %get3A_172 = arith.index_cast %scan3A_162 : i32 to index
        %get3A_173 = arith.constant 16 : index
        %get3A_174 = tpu.vector_load %arg13[%get3A_172, %get3A_173] {strides = array<i32>} : memref<128x128xf32, #tpu.memory_space<vmem>>, vector<16xf32>,
        %mul3A_175 = arith.mulf %get3A_174, %gather3A_164 : vector<16xf32>
        %swap3A_176 = arith.index_cast %scan3A_162 : i32 to index
        %swap3A_177 = arith.constant 16 : index
        %swap3A_178 = tpu.vector_load %arg13[%swap3A_176, %swap3A_177] {strides = array<i32>} : memref<128x128xf32, #tpu.memory_space<vmem>>, vector<16xf32>,
        tpu.vector_store %arg13[%swap3A_176, %swap3A_177], %mul3A_175 {strides = array<i32>} : memref<128x128xf32, #tpu.memory_space<vmem>>, vector<16xf32>,
        %get3A_179 = arith.index_cast %scan3A_162 : i32 to index
        %get3A_180 = arith.constant 32 : index
        %get3A_181 = tpu.vector_load %arg13[%get3A_179, %get3A_180] {strides = array<i32>} : memref<128x128xf32, #tpu.memory_space<vmem>>, vector<16xf32>,
        %mul3A_182 = arith.mulf %get3A_181, %gather3A_164 : vector<16xf32>
        %swap3A_183 = arith.index_cast %scan3A_162 : i32 to index
        %swap3A_184 = arith.constant 32 : index
        %swap3A_185 = tpu.vector_load %arg13[%swap3A_183, %swap3A_184] {strides = array<i32>} : memref<128x128xf32, #tpu.memory_space<vmem>>, vector<16xf32>,
        tpu.vector_store %arg13[%swap3A_183, %swap3A_184], %mul3A_182 {strides = array<i32>} : memref<128x128xf32, #tpu.memory_space<vmem>>, vector<16xf32>,
        %get3A_186 = arith.index_cast %scan3A_162 : i32 to index
        %get3A_187 = arith.constant 48 : index
        %get3A_188 = tpu.vector_load %arg13[%get3A_186, %get3A_187] {strides = array<i32>} : memref<128x128xf32, #tpu.memory_space<vmem>>, vector<16xf32>,
        %mul3A_189 = arith.mulf %get3A_188, %gather3A_164 : vector<16xf32>
        %swap3A_190 = arith.index_cast %scan3A_162 : i32 to index
        %swap3A_191 = arith.constant 48 : index
        %swap3A_192 = tpu.vector_load %arg13[%swap3A_190, %swap3A_191] {strides = array<i32>} : memref<128x128xf32, #tpu.memory_space<vmem>>, vector<16xf32>,
        tpu.vector_store %arg13[%swap3A_190, %swap3A_191], %mul3A_189 {strides = array<i32>} : memref<128x128xf32, #tpu.memory_space<vmem>>, vector<16xf32>,
        %swap3A_193 = arith.index_cast %scan3A_162 : i32 to index
        %swap3A_194 = arith.constant 64 : index
        %swap3A_195 = tpu.vector_load %arg13[%swap3A_193, %swap3A_194] {strides = array<i32>} : memref<128x128xf32, #tpu.memory_space<vmem>>, vector<16xf32>,
        tpu.vector_store %arg13[%swap3A_193, %swap3A_194], %gather3A_164 {strides = array<i32>} : memref<128x128xf32, #tpu.memory_space<vmem>>, vector<16xf32>,
        %scan3A_196 = arith.constant 0 : i32
        %scan3A_197 = arith.constant 4 : i32
        %scan3A_198 = arith.addi %scan3A_57, %scan3A_197 : i32
        %broadcast_in_dim3A_199 = vector.broadcast %scan3A_198 : i32 to vector<16xi32>
        %gather3A_200 = tpu.vector_load_idx %arg12[%broadcast_in_dim3A_199] : memref<128xf32, #tpu.memory_space<vmem>>[vector<16xi32>], vector<16xf32>,
        %get3A_201 = arith.index_cast %scan3A_198 : i32 to index
        %get3A_202 = arith.constant 0 : index
        %get3A_203 = tpu.vector_load %arg13[%get3A_201, %get3A_202] {strides = array<i32>} : memref<128x128xf32, #tpu.memory_space<vmem>>, vector<16xf32>,
        %mul3A_204 = arith.mulf %get3A_203, %gather3A_200 : vector<16xf32>
        %swap3A_205 = arith.index_cast %scan3A_198 : i32 to index
        %swap3A_206 = arith.constant 0 : index
        %swap3A_207 = tpu.vector_load %arg13[%swap3A_205, %swap3A_206] {strides = array<i32>} : memref<128x128xf32, #tpu.memory_space<vmem>>, vector<16xf32>,
        tpu.vector_store %arg13[%swap3A_205, %swap3A_206], %mul3A_204 {strides = array<i32>} : memref<128x128xf32, #tpu.memory_space<vmem>>, vector<16xf32>,
        %get3A_208 = arith.index_cast %scan3A_198 : i32 to index
        %get3A_209 = arith.constant 16 : index
        %get3A_210 = tpu.vector_load %arg13[%get3A_208, %get3A_209] {strides = array<i32>} : memref<128x128xf32, #tpu.memory_space<vmem>>, vector<16xf32>,
        %mul3A_211 = arith.mulf %get3A_210, %gather3A_200 : vector<16xf32>
        %swap3A_212 = arith.index_cast %scan3A_198 : i32 to index
        %swap3A_213 = arith.constant 16 : index
        %swap3A_214 = tpu.vector_load %arg13[%swap3A_212, %swap3A_213] {strides = array<i32>} : memref<128x128xf32, #tpu.memory_space<vmem>>, vector<16xf32>,
        tpu.vector_store %arg13[%swap3A_212, %swap3A_213], %mul3A_211 {strides = array<i32>} : memref<128x128xf32, #tpu.memory_space<vmem>>, vector<16xf32>,
        %get3A_215 = arith.index_cast %scan3A_198 : i32 to index
        %get3A_216 = arith.constant 32 : index
        %get3A_217 = tpu.vector_load %arg13[%get3A_215, %get3A_216] {strides = array<i32>} : memref<128x128xf32, #tpu.memory_space<vmem>>, vector<16xf32>,
        %mul3A_218 = arith.mulf %get3A_217, %gather3A_200 : vector<16xf32>
        %swap3A_219 = arith.index_cast %scan3A_198 : i32 to index
        %swap3A_220 = arith.constant 32 : index
        %swap3A_221 = tpu.vector_load %arg13[%swap3A_219, %swap3A_220] {strides = array<i32>} : memref<128x128xf32, #tpu.memory_space<vmem>>, vector<16xf32>,
        tpu.vector_store %arg13[%swap3A_219, %swap3A_220], %mul3A_218 {strides = array<i32>} : memref<128x128xf32, #tpu.memory_space<vmem>>, vector<16xf32>,
        %get3A_222 = arith.index_cast %scan3A_198 : i32 to index
        %get3A_223 = arith.constant 48 : index
        %get3A_224 = tpu.vector_load %arg13[%get3A_222, %get3A_223] {strides = array<i32>} : memref<128x128xf32, #tpu.memory_space<vmem>>, vector<16xf32>,
        %mul3A_225 = arith.mulf %get3A_224, %gather3A_200 : vector<16xf32>
        %swap3A_226 = arith.index_cast %scan3A_198 : i32 to index
        %swap3A_227 = arith.constant 48 : index
        %swap3A_228 = tpu.vector_load %arg13[%swap3A_226, %swap3A_227] {strides = array<i32>} : memref<128x128xf32, #tpu.memory_space<vmem>>, vector<16xf32>,
        tpu.vector_store %arg13[%swap3A_226, %swap3A_227], %mul3A_225 {strides = array<i32>} : memref<128x128xf32, #tpu.memory_space<vmem>>, vector<16xf32>,
        %swap3A_229 = arith.index_cast %scan3A_198 : i32 to index
        %swap3A_230 = arith.constant 64 : index
        %swap3A_231 = tpu.vector_load %arg13[%swap3A_229, %swap3A_230] {strides = array<i32>} : memref<128x128xf32, #tpu.memory_space<vmem>>, vector<16xf32>,
        tpu.vector_store %arg13[%swap3A_229, %swap3A_230], %gather3A_200 {strides = array<i32>} : memref<128x128xf32, #tpu.memory_space<vmem>>, vector<16xf32>,
        %scan3A_232 = arith.constant 0 : i32
        %scan3A_233 = arith.constant 5 : i32
        %scan3A_234 = arith.addi %scan3A_57, %scan3A_233 : i32
        %broadcast_in_dim3A_235 = vector.broadcast %scan3A_234 : i32 to vector<16xi32>
        %gather3A_236 = tpu.vector_load_idx %arg12[%broadcast_in_dim3A_235] : memref<128xf32, #tpu.memory_space<vmem>>[vector<16xi32>], vector<16xf32>,
        %get3A_237 = arith.index_cast %scan3A_234 : i32 to index
        %get3A_238 = arith.constant 0 : index
        %get3A_239 = tpu.vector_load %arg13[%get3A_237, %get3A_238] {strides = array<i32>} : memref<128x128xf32, #tpu.memory_space<vmem>>, vector<16xf32>,
        %mul3A_240 = arith.mulf %get3A_239, %gather3A_236 : vector<16xf32>
        %swap3A_241 = arith.index_cast %scan3A_234 : i32 to index
        %swap3A_242 = arith.constant 0 : index
        %swap3A_243 = tpu.vector_load %arg13[%swap3A_241, %swap3A_242] {strides = array<i32>} : memref<128x128xf32, #tpu.memory_space<vmem>>, vector<16xf32>,
        tpu.vector_store %arg13[%swap3A_241, %swap3A_242], %mul3A_240 {strides = array<i32>} : memref<128x128xf32, #tpu.memory_space<vmem>>, vector<16xf32>,
        %get3A_244 = arith.index_cast %scan3A_234 : i32 to index
        %get3A_245 = arith.constant 16 : index
        %get3A_246 = tpu.vector_load %arg13[%get3A_244, %get3A_245] {strides = array<i32>} : memref<128x128xf32, #tpu.memory_space<vmem>>, vector<16xf32>,
        %mul3A_247 = arith.mulf %get3A_246, %gather3A_236 : vector<16xf32>
        %swap3A_248 = arith.index_cast %scan3A_234 : i32 to index
        %swap3A_249 = arith.constant 16 : index
        %swap3A_250 = tpu.vector_load %arg13[%swap3A_248, %swap3A_249] {strides = array<i32>} : memref<128x128xf32, #tpu.memory_space<vmem>>, vector<16xf32>,
        tpu.vector_store %arg13[%swap3A_248, %swap3A_249], %mul3A_247 {strides = array<i32>} : memref<128x128xf32, #tpu.memory_space<vmem>>, vector<16xf32>,
        %get3A_251 = arith.index_cast %scan3A_234 : i32 to index
        %get3A_252 = arith.constant 32 : index
        %get3A_253 = tpu.vector_load %arg13[%get3A_251, %get3A_252] {strides = array<i32>} : memref<128x128xf32, #tpu.memory_space<vmem>>, vector<16xf32>,
        %mul3A_254 = arith.mulf %get3A_253, %gather3A_236 : vector<16xf32>
        %swap3A_255 = arith.index_cast %scan3A_234 : i32 to index
        %swap3A_256 = arith.constant 32 : index
        %swap3A_257 = tpu.vector_load %arg13[%swap3A_255, %swap3A_256] {strides = array<i32>} : memref<128x128xf32, #tpu.memory_space<vmem>>, vector<16xf32>,
        tpu.vector_store %arg13[%swap3A_255, %swap3A_256], %mul3A_254 {strides = array<i32>} : memref<128x128xf32, #tpu.memory_space<vmem>>, vector<16xf32>,
        %get3A_258 = arith.index_cast %scan3A_234 : i32 to index
        %get3A_259 = arith.constant 48 : index
        %get3A_260 = tpu.vector_load %arg13[%get3A_258, %get3A_259] {strides = array<i32>} : memref<128x128xf32, #tpu.memory_space<vmem>>, vector<16xf32>,
        %mul3A_261 = arith.mulf %get3A_260, %gather3A_236 : vector<16xf32>
        %swap3A_262 = arith.index_cast %scan3A_234 : i32 to index
        %swap3A_263 = arith.constant 48 : index
        %swap3A_264 = tpu.vector_load %arg13[%swap3A_262, %swap3A_263] {strides = array<i32>} : memref<128x128xf32, #tpu.memory_space<vmem>>, vector<16xf32>,
        tpu.vector_store %arg13[%swap3A_262, %swap3A_263], %mul3A_261 {strides = array<i32>} : memref<128x128xf32, #tpu.memory_space<vmem>>, vector<16xf32>,
        %swap3A_265 = arith.index_cast %scan3A_234 : i32 to index
        %swap3A_266 = arith.constant 64 : index
        %swap3A_267 = tpu.vector_load %arg13[%swap3A_265, %swap3A_266] {strides = array<i32>} : memref<128x128xf32, #tpu.memory_space<vmem>>, vector<16xf32>,
        tpu.vector_store %arg13[%swap3A_265, %swap3A_266], %gather3A_236 {strides = array<i32>} : memref<128x128xf32, #tpu.memory_space<vmem>>, vector<16xf32>,
        %scan3A_268 = arith.constant 0 : i32
        %scan3A_269 = arith.constant 6 : i32
        %scan3A_270 = arith.addi %scan3A_57, %scan3A_269 : i32
        %broadcast_in_dim3A_271 = vector.broadcast %scan3A_270 : i32 to vector<16xi32>
        %gather3A_272 = tpu.vector_load_idx %arg12[%broadcast_in_dim3A_271] : memref<128xf32, #tpu.memory_space<vmem>>[vector<16xi32>], vector<16xf32>,
        %get3A_273 = arith.index_cast %scan3A_270 : i32 to index
        %get3A_274 = arith.constant 0 : index
        %get3A_275 = tpu.vector_load %arg13[%get3A_273, %get3A_274] {strides = array<i32>} : memref<128x128xf32, #tpu.memory_space<vmem>>, vector<16xf32>,
        %mul3A_276 = arith.mulf %get3A_275, %gather3A_272 : vector<16xf32>
        %swap3A_277 = arith.index_cast %scan3A_270 : i32 to index
        %swap3A_278 = arith.constant 0 : index
        %swap3A_279 = tpu.vector_load %arg13[%swap3A_277, %swap3A_278] {strides = array<i32>} : memref<128x128xf32, #tpu.memory_space<vmem>>, vector<16xf32>,
        tpu.vector_store %arg13[%swap3A_277, %swap3A_278], %mul3A_276 {strides = array<i32>} : memref<128x128xf32, #tpu.memory_space<vmem>>, vector<16xf32>,
        %get3A_280 = arith.index_cast %scan3A_270 : i32 to index
        %get3A_281 = arith.constant 16 : index
        %get3A_282 = tpu.vector_load %arg13[%get3A_280, %get3A_281] {strides = array<i32>} : memref<128x128xf32, #tpu.memory_space<vmem>>, vector<16xf32>,
        %mul3A_283 = arith.mulf %get3A_282, %gather3A_272 : vector<16xf32>
        %swap3A_284 = arith.index_cast %scan3A_270 : i32 to index
        %swap3A_285 = arith.constant 16 : index
        %swap3A_286 = tpu.vector_load %arg13[%swap3A_284, %swap3A_285] {strides = array<i32>} : memref<128x128xf32, #tpu.memory_space<vmem>>, vector<16xf32>,
        tpu.vector_store %arg13[%swap3A_284, %swap3A_285], %mul3A_283 {strides = array<i32>} : memref<128x128xf32, #tpu.memory_space<vmem>>, vector<16xf32>,
        %get3A_287 = arith.index_cast %scan3A_270 : i32 to index
        %get3A_288 = arith.constant 32 : index
        %get3A_289 = tpu.vector_load %arg13[%get3A_287, %get3A_288] {strides = array<i32>} : memref<128x128xf32, #tpu.memory_space<vmem>>, vector<16xf32>,
        %mul3A_290 = arith.mulf %get3A_289, %gather3A_272 : vector<16xf32>
        %swap3A_291 = arith.index_cast %scan3A_270 : i32 to index
        %swap3A_292 = arith.constant 32 : index
        %swap3A_293 = tpu.vector_load %arg13[%swap3A_291, %swap3A_292] {strides = array<i32>} : memref<128x128xf32, #tpu.memory_space<vmem>>, vector<16xf32>,
        tpu.vector_store %arg13[%swap3A_291, %swap3A_292], %mul3A_290 {strides = array<i32>} : memref<128x128xf32, #tpu.memory_space<vmem>>, vector<16xf32>,
        %get3A_294 = arith.index_cast %scan3A_270 : i32 to index
        %get3A_295 = arith.constant 48 : index
        %get3A_296 = tpu.vector_load %arg13[%get3A_294, %get3A_295] {strides = array<i32>} : memref<128x128xf32, #tpu.memory_space<vmem>>, vector<16xf32>,
        %mul3A_297 = arith.mulf %get3A_296, %gather3A_272 : vector<16xf32>
        %swap3A_298 = arith.index_cast %scan3A_270 : i32 to index
        %swap3A_299 = arith.constant 48 : index
        %swap3A_300 = tpu.vector_load %arg13[%swap3A_298, %swap3A_299] {strides = array<i32>} : memref<128x128xf32, #tpu.memory_space<vmem>>, vector<16xf32>,
        tpu.vector_store %arg13[%swap3A_298, %swap3A_299], %mul3A_297 {strides = array<i32>} : memref<128x128xf32, #tpu.memory_space<vmem>>, vector<16xf32>,
        %swap3A_301 = arith.index_cast %scan3A_270 : i32 to index
        %swap3A_302 = arith.constant 64 : index
        %swap3A_303 = tpu.vector_load %arg13[%swap3A_301, %swap3A_302] {strides = array<i32>} : memref<128x128xf32, #tpu.memory_space<vmem>>, vector<16xf32>,
        tpu.vector_store %arg13[%swap3A_301, %swap3A_302], %gather3A_272 {strides = array<i32>} : memref<128x128xf32, #tpu.memory_space<vmem>>, vector<16xf32>,
        %scan3A_304 = arith.constant 0 : i32
        %scan3A_305 = arith.constant 7 : i32
        %scan3A_306 = arith.addi %scan3A_57, %scan3A_305 : i32
        %broadcast_in_dim3A_307 = vector.broadcast %scan3A_306 : i32 to vector<16xi32>
        %gather3A_308 = tpu.vector_load_idx %arg12[%broadcast_in_dim3A_307] : memref<128xf32, #tpu.memory_space<vmem>>[vector<16xi32>], vector<16xf32>,
        %get3A_309 = arith.index_cast %scan3A_306 : i32 to index
        %get3A_310 = arith.constant 0 : index
        %get3A_311 = tpu.vector_load %arg13[%get3A_309, %get3A_310] {strides = array<i32>} : memref<128x128xf32, #tpu.memory_space<vmem>>, vector<16xf32>,
        %mul3A_312 = arith.mulf %get3A_311, %gather3A_308 : vector<16xf32>
        %swap3A_313 = arith.index_cast %scan3A_306 : i32 to index
        %swap3A_314 = arith.constant 0 : index
        %swap3A_315 = tpu.vector_load %arg13[%swap3A_313, %swap3A_314] {strides = array<i32>} : memref<128x128xf32, #tpu.memory_space<vmem>>, vector<16xf32>,
        tpu.vector_store %arg13[%swap3A_313, %swap3A_314], %mul3A_312 {strides = array<i32>} : memref<128x128xf32, #tpu.memory_space<vmem>>, vector<16xf32>,
        %get3A_316 = arith.index_cast %scan3A_306 : i32 to index
        %get3A_317 = arith.constant 16 : index
        %get3A_318 = tpu.vector_load %arg13[%get3A_316, %get3A_317] {strides = array<i32>} : memref<128x128xf32, #tpu.memory_space<vmem>>, vector<16xf32>,
        %mul3A_319 = arith.mulf %get3A_318, %gather3A_308 : vector<16xf32>
        %swap3A_320 = arith.index_cast %scan3A_306 : i32 to index
        %swap3A_321 = arith.constant 16 : index
        %swap3A_322 = tpu.vector_load %arg13[%swap3A_320, %swap3A_321] {strides = array<i32>} : memref<128x128xf32, #tpu.memory_space<vmem>>, vector<16xf32>,
        tpu.vector_store %arg13[%swap3A_320, %swap3A_321], %mul3A_319 {strides = array<i32>} : memref<128x128xf32, #tpu.memory_space<vmem>>, vector<16xf32>,
        %get3A_323 = arith.index_cast %scan3A_306 : i32 to index
        %get3A_324 = arith.constant 32 : index
        %get3A_325 = tpu.vector_load %arg13[%get3A_323, %get3A_324] {strides = array<i32>} : memref<128x128xf32, #tpu.memory_space<vmem>>, vector<16xf32>,
        %mul3A_326 = arith.mulf %get3A_325, %gather3A_308 : vector<16xf32>
        %swap3A_327 = arith.index_cast %scan3A_306 : i32 to index
        %swap3A_328 = arith.constant 32 : index
        %swap3A_329 = tpu.vector_load %arg13[%swap3A_327, %swap3A_328] {strides = array<i32>} : memref<128x128xf32, #tpu.memory_space<vmem>>, vector<16xf32>,
        tpu.vector_store %arg13[%swap3A_327, %swap3A_328], %mul3A_326 {strides = array<i32>} : memref<128x128xf32, #tpu.memory_space<vmem>>, vector<16xf32>,
        %get3A_330 = arith.index_cast %scan3A_306 : i32 to index
        %get3A_331 = arith.constant 48 : index
        %get3A_332 = tpu.vector_load %arg13[%get3A_330, %get3A_331] {strides = array<i32>} : memref<128x128xf32, #tpu.memory_space<vmem>>, vector<16xf32>,
        %mul3A_333 = arith.mulf %get3A_332, %gather3A_308 : vector<16xf32>
        %swap3A_334 = arith.index_cast %scan3A_306 : i32 to index
        %swap3A_335 = arith.constant 48 : index
        %swap3A_336 = tpu.vector_load %arg13[%swap3A_334, %swap3A_335] {strides = array<i32>} : memref<128x128xf32, #tpu.memory_space<vmem>>, vector<16xf32>,
        tpu.vector_store %arg13[%swap3A_334, %swap3A_335], %mul3A_333 {strides = array<i32>} : memref<128x128xf32, #tpu.memory_space<vmem>>, vector<16xf32>,
        %swap3A_337 = arith.index_cast %scan3A_306 : i32 to index
        %swap3A_338 = arith.constant 64 : index
        %swap3A_339 = tpu.vector_load %arg13[%swap3A_337, %swap3A_338] {strides = array<i32>} : memref<128x128xf32, #tpu.memory_space<vmem>>, vector<16xf32>,
        tpu.vector_store %arg13[%swap3A_337, %swap3A_338], %gather3A_308 {strides = array<i32>} : memref<128x128xf32, #tpu.memory_space<vmem>>, vector<16xf32>,
        %scan3A_340 = arith.constant 0 : i32
        scf.yield %scan3A_340 : i32
      }
      %scan3A_55 = arith.constant 128 : i32
      "tpu.region"() ({
        %run_scoped3A = tpu.sem_alloc : memref<!tpu.dma_semaphore, #tpu.memory_space<semaphore_mem>>
        %dma_start3A_57 = arith.constant 0 : i32
        %dma_start3A_58 = arith.constant 0 : i32
        %dma_start3A_59 = tpu.memref_slice %arg14[%dma_start3A_57, %dma_start3A_58] : memref<10112x128xf32, #tpu.memory_space<vmem_shared>> -> memref<10112x128xf32, #tpu.memory_space<vmem_shared>>
        tpu.enqueue_indirect_dma source(%arg13 : memref<128x128xf32, #tpu.memory_space<vmem>>) target(%dma_start3A_59 : memref<10112x128xf32, #tpu.memory_space<vmem_shared>>) offsets(%arg11 : memref<128xi32, #tpu.memory_space<vmem>>) semaphore(%run_scoped3A : memref<!tpu.dma_semaphore, #tpu.memory_space<semaphore_mem>>) {add = true}
        %dma_wait3A_60 = arith.constant 0 : i32
        %dma_wait3A_61 = arith.constant 0 : i32
        %dma_wait3A_62 = tpu.memref_slice %arg14[%dma_wait3A_60, %dma_wait3A_61] : memref<10112x128xf32, #tpu.memory_space<vmem_shared>> -> memref<10112x128xf32, #tpu.memory_space<vmem_shared>>
        tpu.wait_indirect_dma semaphore(%run_scoped3A : memref<!tpu.dma_semaphore, #tpu.memory_space<semaphore_mem>>) src(%arg13 : memref<128x128xf32, #tpu.memory_space<vmem>>) dst(%dma_wait3A_62 : memref<10112x128xf32, #tpu.memory_space<vmem_shared>>)
        tpu.yield
      }) : () -> ()
      %scan3A_56 = arith.constant 0 : i32
      scf.yield %scan3A_56 : i32
    }
    %scan3A_27 = arith.constant 80 : i32
    %barrier3A_28 = arith.constant 0 : index
    tpu.barrier barrier_id(%barrier3A_28)
    %mul3A_29 = arith.constant 632 : i32
    %mul3A_30 = arith.muli %arg1, %mul3A_29 : i32
    "tpu.region"() ({
      %run_scoped3A = tpu.sem_alloc : memref<!tpu.dma_semaphore, #tpu.memory_space<semaphore_mem>>
      %dma_start3A = arith.constant 0 : i32
      %dma_start3A_31 = tpu.memref_slice %arg7[%arg0, %mul3A_30, %dma_start3A] : memref<2x10112x128xf32, #tpu.memory_space<hbm>> -> memref<1x632x128xf32, #tpu.memory_space<hbm>>
      %dma_start3A_32 = tpu.memref_squeeze %dma_start3A_31 : memref<1x632x128xf32, #tpu.memory_space<hbm>> -> memref<632x128xf32, #tpu.memory_space<hbm>>
      %dma_start3A_33 = arith.constant 0 : i32
      %dma_start3A_34 = tpu.memref_slice %arg14[%mul3A_30, %dma_start3A_33] : memref<10112x128xf32, #tpu.memory_space<vmem_shared>> -> memref<632x128xf32, #tpu.memory_space<vmem_shared>>
      tpu.enqueue_dma source(%dma_start3A_34 : memref<632x128xf32, #tpu.memory_space<vmem_shared>>) target(%dma_start3A_32 : memref<632x128xf32, #tpu.memory_space<hbm>>) target_semaphore(%run_scoped3A : memref<!tpu.dma_semaphore, #tpu.memory_space<semaphore_mem>>)
      %dma_wait3A = arith.constant 0 : i32
      %dma_wait3A_35 = tpu.memref_slice %arg7[%arg0, %mul3A_30, %dma_wait3A] : memref<2x10112x128xf32, #tpu.memory_space<hbm>> -> memref<1x632x128xf32, #tpu.memory_space<hbm>>
      %dma_wait3A_36 = tpu.memref_squeeze %dma_wait3A_35 : memref<1x632x128xf32, #tpu.memory_space<hbm>> -> memref<632x128xf32, #tpu.memory_space<hbm>>
      %dma_wait3A_37 = arith.constant 0 : i32
      %dma_wait3A_38 = tpu.memref_slice %arg14[%mul3A_30, %dma_wait3A_37] : memref<10112x128xf32, #tpu.memory_space<vmem_shared>> -> memref<632x128xf32, #tpu.memory_space<vmem_shared>>
      tpu.wait_dma2 semaphore(%run_scoped3A : memref<!tpu.dma_semaphore, #tpu.memory_space<semaphore_mem>>) src(%dma_wait3A_38 : memref<632x128xf32, #tpu.memory_space<vmem_shared>>) dst(%dma_wait3A_36 : memref<632x128xf32, #tpu.memory_space<hbm>>)
      tpu.yield
    }) : () -> ()
    return
  }
}

module attributes {stable_mosaic.version = 14 : i64} {
  func.func @_stage1_body(%arg0: i32, %arg1: memref<2000x128xf32, #tpu.memory_space<vmem>>, %arg2: memref<128x64xf32, #tpu.memory_space<vmem>>, %arg3: memref<1x64xf32, #tpu.memory_space<vmem>>, %arg4: memref<1x64xf32, #tpu.memory_space<vmem>>, %arg5: memref<2000x128xf32, #tpu.memory_space<vmem>>, %arg6: memref<2000x2xf32, #tpu.memory_space<vmem>>) attributes {dimension_semantics = [#tpu.dimension_semantics<arbitrary>], iteration_bounds = array<i64: 5>, scalar_prefetch = 0 : i64, scratch_operands = 0 : i64, tpu.core_type = #tpu.core_type<tc>, window_params = [{transform_indices = @transform_0, window_bounds = array<i64: 2000, 128>}, {pipeline_mode = #tpu.pipeline_mode<synchronous>, transform_indices = @transform_1, window_bounds = array<i64: 128, 64>}, {pipeline_mode = #tpu.pipeline_mode<synchronous>, transform_indices = @transform_2, window_bounds = array<i64: 1, 64>}, {pipeline_mode = #tpu.pipeline_mode<synchronous>, transform_indices = @transform_3, window_bounds = array<i64: 1, 64>}, {transform_indices = @transform_4, window_bounds = array<i64: 2000, 128>}, {transform_indices = @transform_5, window_bounds = array<i64: 2000, 2>}]} {
    %get3A = arith.constant 0 : index
    %get3A_0 = arith.constant 0 : index
    %get3A_1 = vector.load %arg1[%get3A, %get3A_0] : memref<2000x128xf32, #tpu.memory_space<vmem>>, vector<2000x128xf32>
    %get3A_2 = arith.constant 0 : index
    %get3A_3 = arith.constant 0 : index
    %get3A_4 = vector.load %arg2[%get3A_2, %get3A_3] : memref<128x64xf32, #tpu.memory_space<vmem>>, vector<128x64xf32>
    %dot_general3A = arith.constant dense<0.000000e+00> : vector<2000x64xf32>
    %dot_general3A_5 = tpu.matmul %get3A_1, %get3A_4, %dot_general3A {dimension_numbers = #tpu.dot_dimension_numbers<[1], [0], [0], [1], [0, 0, 1, 1], [], []>, transpose_lhs_hint = false} : vector<2000x128xf32>, vector<128x64xf32>, vector<2000x64xf32> -> vector<2000x64xf32>
    %get3A_6 = arith.constant 0 : index
    %get3A_7 = arith.constant 0 : index
    %get3A_8 = vector.load %arg3[%get3A_6, %get3A_7] : memref<1x64xf32, #tpu.memory_space<vmem>>, vector<1x64xf32>
    %transpose3A = tpu.transpose %get3A_8, [1, 0] : vector<1x64xf32> -> vector<64x1xf32>
    %dot_general3A_9 = arith.constant dense<0.000000e+00> : vector<2000x1xf32>
    %dot_general3A_10 = tpu.matmul %dot_general3A_5, %transpose3A, %dot_general3A_9 {dimension_numbers = #tpu.dot_dimension_numbers<[1], [0], [0], [1], [0, 0, 1, 1], [], []>, transpose_lhs_hint = false} : vector<2000x64xf32>, vector<64x1xf32>, vector<2000x1xf32> -> vector<2000x1xf32>
    %get3A_11 = arith.constant 0 : index
    %get3A_12 = arith.constant 0 : index
    %get3A_13 = vector.load %arg4[%get3A_11, %get3A_12] : memref<1x64xf32, #tpu.memory_space<vmem>>, vector<1x64xf32>
    %transpose3A_14 = tpu.transpose %get3A_13, [1, 0] : vector<1x64xf32> -> vector<64x1xf32>
    %dot_general3A_15 = arith.constant dense<0.000000e+00> : vector<2000x1xf32>
    %dot_general3A_16 = tpu.matmul %dot_general3A_5, %transpose3A_14, %dot_general3A_15 {dimension_numbers = #tpu.dot_dimension_numbers<[1], [0], [0], [1], [0, 0, 1, 1], [], []>, transpose_lhs_hint = false} : vector<2000x64xf32>, vector<64x1xf32>, vector<2000x1xf32> -> vector<2000x1xf32>
    %broadcast_in_dim3A = arith.constant 0.000000e+00 : f32
    %broadcast_in_dim3A_17 = vector.broadcast %broadcast_in_dim3A : f32 to vector<2000x64xf32>
    %concatenate3A = tpu.concatenate %dot_general3A_5, %broadcast_in_dim3A_17 in 1 : vector<2000x64xf32>, vector<2000x64xf32> -> vector<2000x128xf32>
    %swap3A = arith.constant 0 : index
    %swap3A_18 = arith.constant 0 : index
    %swap3A_19 = vector.load %arg5[%swap3A, %swap3A_18] : memref<2000x128xf32, #tpu.memory_space<vmem>>, vector<2000x128xf32>
    tpu.vector_store %arg5[%swap3A, %swap3A_18], %concatenate3A {strides = array<i32>} : memref<2000x128xf32, #tpu.memory_space<vmem>>, vector<2000x128xf32>,
    %concatenate3A_20 = tpu.concatenate %dot_general3A_10, %dot_general3A_16 in 1 : vector<2000x1xf32>, vector<2000x1xf32> -> vector<2000x2xf32>
    %swap3A_21 = arith.constant 0 : index
    %swap3A_22 = arith.constant 0 : index
    %swap3A_23 = vector.load %arg6[%swap3A_21, %swap3A_22] : memref<2000x2xf32, #tpu.memory_space<vmem>>, vector<2000x2xf32>
    tpu.vector_store %arg6[%swap3A_21, %swap3A_22], %concatenate3A_20 {strides = array<i32>} : memref<2000x2xf32, #tpu.memory_space<vmem>>, vector<2000x2xf32>,
    return
  }
  func.func @transform_0(%arg0: i32) -> (i32, i32) {
    %c0_i32 = arith.constant 0 : i32
    %c0_i32_0 = arith.constant 0 : i32
    return %arg0, %c0_i32 : i32, i32
  }
  func.func @transform_1(%arg0: i32) -> (i32, i32) {
    %c0_i32 = arith.constant 0 : i32
    %c0_i32_0 = arith.constant 0 : i32
    %c0_i32_1 = arith.constant 0 : i32
    return %c0_i32, %c0_i32_0 : i32, i32
  }
  func.func @transform_2(%arg0: i32) -> (i32, i32) {
    %c0_i32 = arith.constant 0 : i32
    %c0_i32_0 = arith.constant 0 : i32
    %c0_i32_1 = arith.constant 0 : i32
    return %c0_i32, %c0_i32_0 : i32, i32
  }
  func.func @transform_3(%arg0: i32) -> (i32, i32) {
    %c0_i32 = arith.constant 0 : i32
    %c0_i32_0 = arith.constant 0 : i32
    %c0_i32_1 = arith.constant 0 : i32
    return %c0_i32, %c0_i32_0 : i32, i32
  }
  func.func @transform_4(%arg0: i32) -> (i32, i32) {
    %c0_i32 = arith.constant 0 : i32
    %c0_i32_0 = arith.constant 0 : i32
    return %arg0, %c0_i32 : i32, i32
  }
  func.func @transform_5(%arg0: i32) -> (i32, i32) {
    %c0_i32 = arith.constant 0 : i32
    %c0_i32_0 = arith.constant 0 : i32
    return %arg0, %c0_i32 : i32, i32
  }
}

module attributes {stable_mosaic.version = 14 : i64} {
  func.func @_stage2_body(%arg0: i32, %arg1: memref<2x2000x128xf32, #tpu.memory_space<vmem>>, %arg2: memref<64x32xf32, #tpu.memory_space<vmem>>, %arg3: memref<2000x32xf32, #tpu.memory_space<vmem>>, %arg4: memref<2000x128xf32, #tpu.memory_space<vmem>>, %arg5: memref<2000x1xf32, #tpu.memory_space<vmem>>) attributes {dimension_semantics = [#tpu.dimension_semantics<arbitrary>], iteration_bounds = array<i64: 5>, scalar_prefetch = 0 : i64, scratch_operands = 0 : i64, tpu.core_type = #tpu.core_type<tc>, window_params = [{transform_indices = @transform_0, window_bounds = array<i64: 2, 2000, 128>}, {pipeline_mode = #tpu.pipeline_mode<synchronous>, transform_indices = @transform_1, window_bounds = array<i64: 64, 32>}, {transform_indices = @transform_2, window_bounds = array<i64: 2000, 32>}, {transform_indices = @transform_3, window_bounds = array<i64: 2000, 128>}, {transform_indices = @transform_4, window_bounds = array<i64: 2000, 1>}]} {
    %get3A = arith.constant 0 : index
    %get3A_0 = arith.constant 0 : index
    %get3A_1 = arith.constant 0 : index
    %get3A_2 = vector.load %arg1[%get3A, %get3A_0, %get3A_1] : memref<2x2000x128xf32, #tpu.memory_space<vmem>>, vector<1x2000x128xf32>
    %get3A_3 = vector.shape_cast %get3A_2 : vector<1x2000x128xf32> to vector<2000x128xf32>
    %get3A_4 = arith.constant 1 : index
    %get3A_5 = arith.constant 0 : index
    %get3A_6 = arith.constant 0 : index
    %get3A_7 = vector.load %arg1[%get3A_4, %get3A_5, %get3A_6] : memref<2x2000x128xf32, #tpu.memory_space<vmem>>, vector<1x2000x128xf32>
    %get3A_8 = vector.shape_cast %get3A_7 : vector<1x2000x128xf32> to vector<2000x128xf32>
    %add3A = arith.addf %get3A_3, %get3A_8 : vector<2000x128xf32>
    %slice3A = vector.extract_strided_slice %add3A {offsets = [0, 64], sizes = [2000, 1], strides = [1, 1]} : vector<2000x128xf32> to vector<2000x1xf32>
    %add3A_9 = arith.constant 1.000000e-16 : f32
    %add3A_10 = vector.broadcast %add3A_9 : f32 to vector<2000x1xf32>
    %add3A_11 = arith.addf %slice3A, %add3A_10 : vector<2000x1xf32>
    %slice3A_12 = vector.extract_strided_slice %add3A {offsets = [0, 0], sizes = [2000, 64], strides = [1, 1]} : vector<2000x128xf32> to vector<2000x64xf32>
    %div3A = vector.broadcast %add3A_11 : vector<2000x1xf32> to vector<2000x64xf32>
    %div3A_13 = arith.divf %slice3A_12, %div3A : vector<2000x64xf32>
    %gt3A = arith.constant 0.000000e+00 : f32
    %gt3A_14 = vector.broadcast %gt3A : f32 to vector<2000x64xf32>
    %gt3A_15 = arith.cmpf ogt, %div3A_13, %gt3A_14 : vector<2000x64xf32>
    %exp3A = math.exp %div3A_13 : vector<2000x64xf32>
    %sub3A = arith.constant 1.000000e+00 : f32
    %sub3A_16 = vector.broadcast %sub3A : f32 to vector<2000x64xf32>
    %sub3A_17 = arith.subf %exp3A, %sub3A_16 : vector<2000x64xf32>
    %select_n3A = arith.select %gt3A_15, %div3A_13, %sub3A_17 : vector<2000x64xi1>, vector<2000x64xf32>
    %get3A_18 = arith.constant 0 : index
    %get3A_19 = arith.constant 0 : index
    %get3A_20 = vector.load %arg2[%get3A_18, %get3A_19] : memref<64x32xf32, #tpu.memory_space<vmem>>, vector<64x32xf32>
    %dot_general3A = arith.constant dense<0.000000e+00> : vector<2000x32xf32>
    %dot_general3A_21 = tpu.matmul %select_n3A, %get3A_20, %dot_general3A {dimension_numbers = #tpu.dot_dimension_numbers<[1], [0], [0], [1], [0, 0, 1, 1], [], []>, transpose_lhs_hint = false} : vector<2000x64xf32>, vector<64x32xf32>, vector<2000x32xf32> -> vector<2000x32xf32>
    %swap3A = arith.constant 0 : index
    %swap3A_22 = arith.constant 0 : index
    %swap3A_23 = vector.load %arg3[%swap3A, %swap3A_22] : memref<2000x32xf32, #tpu.memory_space<vmem>>, vector<2000x32xf32>
    tpu.vector_store %arg3[%swap3A, %swap3A_22], %dot_general3A_21 {strides = array<i32>} : memref<2000x32xf32, #tpu.memory_space<vmem>>, vector<2000x32xf32>,
    %transpose3A = tpu.transpose %get3A_20, [1, 0] : vector<64x32xf32> -> vector<32x64xf32>
    %dot_general3A_24 = arith.constant dense<0.000000e+00> : vector<2000x64xf32>
    %dot_general3A_25 = tpu.matmul %dot_general3A_21, %transpose3A, %dot_general3A_24 {dimension_numbers = #tpu.dot_dimension_numbers<[1], [0], [0], [1], [0, 0, 1, 1], [], []>, transpose_lhs_hint = false} : vector<2000x32xf32>, vector<32x64xf32>, vector<2000x64xf32> -> vector<2000x64xf32>
    %broadcast_in_dim3A = arith.constant 0.000000e+00 : f32
    %broadcast_in_dim3A_26 = vector.broadcast %broadcast_in_dim3A : f32 to vector<2000x64xf32>
    %concatenate3A = tpu.concatenate %dot_general3A_25, %broadcast_in_dim3A_26 in 1 : vector<2000x64xf32>, vector<2000x64xf32> -> vector<2000x128xf32>
    %swap3A_27 = arith.constant 0 : index
    %swap3A_28 = arith.constant 0 : index
    %swap3A_29 = vector.load %arg4[%swap3A_27, %swap3A_28] : memref<2000x128xf32, #tpu.memory_space<vmem>>, vector<2000x128xf32>
    tpu.vector_store %arg4[%swap3A_27, %swap3A_28], %concatenate3A {strides = array<i32>} : memref<2000x128xf32, #tpu.memory_space<vmem>>, vector<2000x128xf32>,
    %swap3A_30 = arith.constant 0 : index
    %swap3A_31 = arith.constant 0 : index
    %swap3A_32 = vector.load %arg5[%swap3A_30, %swap3A_31] : memref<2000x1xf32, #tpu.memory_space<vmem>>, vector<2000x1xf32>
    tpu.vector_store %arg5[%swap3A_30, %swap3A_31], %add3A_11 {strides = array<i32>} : memref<2000x1xf32, #tpu.memory_space<vmem>>, vector<2000x1xf32>,
    return
  }
  func.func @transform_0(%arg0: i32) -> (i32, i32, i32) {
    %c0_i32 = arith.constant 0 : i32
    %c0_i32_0 = arith.constant 0 : i32
    %c0_i32_1 = arith.constant 0 : i32
    return %c0_i32, %arg0, %c0_i32_0 : i32, i32, i32
  }
  func.func @transform_1(%arg0: i32) -> (i32, i32) {
    %c0_i32 = arith.constant 0 : i32
    %c0_i32_0 = arith.constant 0 : i32
    %c0_i32_1 = arith.constant 0 : i32
    return %c0_i32, %c0_i32_0 : i32, i32
  }
  func.func @transform_2(%arg0: i32) -> (i32, i32) {
    %c0_i32 = arith.constant 0 : i32
    %c0_i32_0 = arith.constant 0 : i32
    return %arg0, %c0_i32 : i32, i32
  }
  func.func @transform_3(%arg0: i32) -> (i32, i32) {
    %c0_i32 = arith.constant 0 : i32
    %c0_i32_0 = arith.constant 0 : i32
    return %arg0, %c0_i32 : i32, i32
  }
  func.func @transform_4(%arg0: i32) -> (i32, i32) {
    %c0_i32 = arith.constant 0 : i32
    %c0_i32_0 = arith.constant 0 : i32
    return %arg0, %c0_i32 : i32, i32
  }
}

module attributes {stable_mosaic.version = 14 : i64} {
  func.func @_stage3_body(%arg0: i32, %arg1: memref<2x2000x128xf32, #tpu.memory_space<vmem>>, %arg2: memref<2000x1xf32, #tpu.memory_space<vmem>>, %arg3: memref<128x64xf32, #tpu.memory_space<vmem>>, %arg4: memref<2000x128xf32, #tpu.memory_space<vmem>>) attributes {dimension_semantics = [#tpu.dimension_semantics<arbitrary>], iteration_bounds = array<i64: 5>, scalar_prefetch = 0 : i64, scratch_operands = 0 : i64, tpu.core_type = #tpu.core_type<tc>, window_params = [{transform_indices = @transform_0, window_bounds = array<i64: 2, 2000, 128>}, {transform_indices = @transform_1, window_bounds = array<i64: 2000, 1>}, {pipeline_mode = #tpu.pipeline_mode<synchronous>, transform_indices = @transform_2, window_bounds = array<i64: 128, 64>}, {transform_indices = @transform_3, window_bounds = array<i64: 2000, 128>}]} {
    %get3A = arith.constant 0 : index
    %get3A_0 = arith.constant 0 : index
    %get3A_1 = arith.constant 0 : index
    %get3A_2 = vector.load %arg1[%get3A, %get3A_0, %get3A_1] : memref<2x2000x128xf32, #tpu.memory_space<vmem>>, vector<1x2000x128xf32>
    %get3A_3 = vector.shape_cast %get3A_2 : vector<1x2000x128xf32> to vector<2000x128xf32>
    %get3A_4 = arith.constant 1 : index
    %get3A_5 = arith.constant 0 : index
    %get3A_6 = arith.constant 0 : index
    %get3A_7 = vector.load %arg1[%get3A_4, %get3A_5, %get3A_6] : memref<2x2000x128xf32, #tpu.memory_space<vmem>>, vector<1x2000x128xf32>
    %get3A_8 = vector.shape_cast %get3A_7 : vector<1x2000x128xf32> to vector<2000x128xf32>
    %add3A = arith.addf %get3A_3, %get3A_8 : vector<2000x128xf32>
    %slice3A = vector.extract_strided_slice %add3A {offsets = [0, 0], sizes = [2000, 64], strides = [1, 1]} : vector<2000x128xf32> to vector<2000x64xf32>
    %get3A_9 = arith.constant 0 : index
    %get3A_10 = arith.constant 0 : index
    %get3A_11 = vector.load %arg2[%get3A_9, %get3A_10] : memref<2000x1xf32, #tpu.memory_space<vmem>>, vector<2000x1xf32>
    %div3A = vector.broadcast %get3A_11 : vector<2000x1xf32> to vector<2000x64xf32>
    %div3A_12 = arith.divf %slice3A, %div3A : vector<2000x64xf32>
    %gt3A = arith.constant 0.000000e+00 : f32
    %gt3A_13 = vector.broadcast %gt3A : f32 to vector<2000x64xf32>
    %gt3A_14 = arith.cmpf ogt, %div3A_12, %gt3A_13 : vector<2000x64xf32>
    %exp3A = math.exp %div3A_12 : vector<2000x64xf32>
    %sub3A = arith.constant 1.000000e+00 : f32
    %sub3A_15 = vector.broadcast %sub3A : f32 to vector<2000x64xf32>
    %sub3A_16 = arith.subf %exp3A, %sub3A_15 : vector<2000x64xf32>
    %select_n3A = arith.select %gt3A_14, %div3A_12, %sub3A_16 : vector<2000x64xi1>, vector<2000x64xf32>
    %get3A_17 = arith.constant 0 : index
    %get3A_18 = arith.constant 0 : index
    %get3A_19 = vector.load %arg3[%get3A_17, %get3A_18] : memref<128x64xf32, #tpu.memory_space<vmem>>, vector<128x64xf32>
    %transpose3A = tpu.transpose %get3A_19, [1, 0] : vector<128x64xf32> -> vector<64x128xf32>
    %dot_general3A = arith.constant dense<0.000000e+00> : vector<2000x128xf32>
    %dot_general3A_20 = tpu.matmul %select_n3A, %transpose3A, %dot_general3A {dimension_numbers = #tpu.dot_dimension_numbers<[1], [0], [0], [1], [0, 0, 1, 1], [], []>, transpose_lhs_hint = false} : vector<2000x64xf32>, vector<64x128xf32>, vector<2000x128xf32> -> vector<2000x128xf32>
    %swap3A = arith.constant 0 : index
    %swap3A_21 = arith.constant 0 : index
    %swap3A_22 = vector.load %arg4[%swap3A, %swap3A_21] : memref<2000x128xf32, #tpu.memory_space<vmem>>, vector<2000x128xf32>
    tpu.vector_store %arg4[%swap3A, %swap3A_21], %dot_general3A_20 {strides = array<i32>} : memref<2000x128xf32, #tpu.memory_space<vmem>>, vector<2000x128xf32>,
    return
  }
  func.func @transform_0(%arg0: i32) -> (i32, i32, i32) {
    %c0_i32 = arith.constant 0 : i32
    %c0_i32_0 = arith.constant 0 : i32
    %c0_i32_1 = arith.constant 0 : i32
    return %c0_i32, %arg0, %c0_i32_0 : i32, i32, i32
  }
  func.func @transform_1(%arg0: i32) -> (i32, i32) {
    %c0_i32 = arith.constant 0 : i32
    %c0_i32_0 = arith.constant 0 : i32
    return %arg0, %c0_i32 : i32, i32
  }
  func.func @transform_2(%arg0: i32) -> (i32, i32) {
    %c0_i32 = arith.constant 0 : i32
    %c0_i32_0 = arith.constant 0 : i32
    %c0_i32_1 = arith.constant 0 : i32
    return %c0_i32, %c0_i32_0 : i32, i32
  }
  func.func @transform_3(%arg0: i32) -> (i32, i32) {
    %c0_i32 = arith.constant 0 : i32
    %c0_i32_0 = arith.constant 0 : i32
    return %arg0, %c0_i32 : i32, i32
  }
}

</mosaic_0001>

<sc_bundles>
// kernel: kernel.10.cloned.1.call-start
scs
__scs_entry_jumppad:
0x0: {  	(pc) =	sbr.rel $0x88, $3  }
0x1: {  	(tag) =	ssettag $0x0;
	lr =	simm.s32 $0x1  }
0x2: {  	[smem:$0x3F9B] =	sst lr;
	_ =	strace $0xD0000000  }
0x3: {  	_ = 	snop  }
0x4: {  	_ = 	snop  }
0x5: {  	_ = 	snop  }
0x6: {  	_ = 	snop  }
0x7: {  	_ = 	snop  }
__scs_overlays_trampoline_lowered:
0x8: {  	[smem:$0x3FAA] =	sst s0  }
0x9: {  	[smem:$0x3FAB] =	sst s1  }
0xa: {  	[smem:$0x3FAC] =	sst s2  }
0xb: {  	[smem:$0x3FAD] =	sst s3  }
0xc: {  	[smem:$0x3FAE] =	sst s4  }
0xd: {  	[smem:$0x3FAF] =	sst s5  }
0xe: {  	[smem:$0x3FB0] =	sst s6  }
0xf: {  	[smem:$0x3FB1] =	sst s7  }
0x10: {  	[smem:$0x3FB2] =	sst s8  }
0x11: {  	[smem:$0x3FB3] =	sst s9;
	s0 =	simm.s32 @!p0 $0x0  }
0x12: {  	s1 =	sld [smem:$0x3F99];
	s0 =	simm.s32 @p0 $0x1  }
0x13: {  	[smem:$0x3FB4] =	sst s0;
	s0 =	simm.s32 @!p1 $0x0  }
0x14: {  	s2 =	sld [smem:$0x3F98];
	s0 =	simm.s32 @p1 $0x1  }
0x15: {  	[smem:$0x3FB5] =	sst s0;
	s0 =	simm.s32 @!p2 $0x0  }
0x16: {  	s3 =	sld [smem:$0x3FDB];
	s0 =	simm.s32 @p2 $0x1  }
0x17: {  	s4 =	simm.s32 $0x1BF5;
	[smem:$0x3FB7] =	sst s0  }
0x18: {  	s0 =	sld [smem:$0x3F9A];
	_ =	swait.ge [sflag:s4], $0x0  }
0x19: {  	s7 =	sld [smem:$0x3F9B]  }
0x1a: {  	s8 =	sadd.s32 $0xFFFFE003, lr  }
0x1b: {  	s9 =	sadd.s32 $0xFFFFFEF7, lr;
	s5 =	simm.s32 $0xFFFFFFFF;
	p2 =	slt.u32 s8, $0xFFFFF086  }
0x1c: {  	p1 =	slt.u32 s9, $0xF7A;
	s5 =	simm.s32 @!p2 $0x0  }
0x1d: {  	s5 =	simm.s32 @p1 $0x1;
	p0 =	seq.s32 s7, s2  }
0x1e: {  	s7 =	smul.u32 @!p0 $0xF7A, s2;
	p2 =	seq.s32 @!p0 s5, $0x0  }
0x1f: {  	s9 =	smul.u32 $0xF7A, s1;
	s8 =	simm.s32 @!p0 $0x1BF5;
	p2 =	por !p2, p0  }
0x20: {  	[sflag:s8] =	ssyncset.s32 @!p0 $0xFFFFF086;
	s6 =	sadd.s32 @!p0 s3, s7;
	s7 =	simm.s32 @!p0 $0x108  }
0x21: {  	s3 =	sadd.s32 s3, s9;
	s6 =	sadd.s32 @!p0 $0x88, s6;
	s7 =	simm.s32 @p2 $0x1082  }
0x22: {  	[simem:s7], [sflag:s8] =	dma.local @!p0 [hbm:s6], $0xF7A  }
0x23: {  	s9 =	sor.u32 $0xD0000000, s2;
	s6 =	simm.s32 $0x108;
	_ =	swait.ge @!p0 [sflag:s8], $0x0  }
0x24: {  	s3 =	sadd.s32 $0x88, s3;
	s6 =	simm.s32 @!p1 $0x1082;
	[sflag:s4] =	ssyncset.s32 $0xFFFFF086  }
0x25: {  	[simem:s6], [sflag:s4] =	dma.local [hbm:s3], $0xF7A  }
0x26: {  	[smem:$0x3F9B] =	sst s1;
	(tag) =	ssettag s2;
	_ =	strace s9  }
0x27: {  	s1 =	sld [smem:$0x3FAB]  }
0x28: {  	s2 =	sld [smem:$0x3FAC]  }
0x29: {  	s4 =	sld [smem:$0x3FAE]  }
0x2a: {  	p0 =	seq.s32 s5, $0x0;
	s5 =	sld [smem:$0x3FAF]  }
0x2b: {  	s6 =	sld [smem:$0x3FB0]  }
0x2c: {  	s7 =	sld [smem:$0x3FB1]  }
0x2d: {  	s3 =	simm.s32 $0x108;
	s8 =	sld [smem:$0x3FB2]  }
0x2e: {  	s3 =	simm.s32 @!p0 $0x1082;
	s9 =	sld [smem:$0x3FB3]  }
0x2f: {  	lr =	sadd.s32 s0, s3;
	s0 =	sld [smem:$0x3FAA]  }
0x30: {  	s3 =	sld [smem:$0x3FAD]  }
0x31: {  	[smem:$0x3FB6] =	sst s10  }
0x32: {  	s10 =	sld [smem:$0x3FB4];
	_ =	sdelay $0x3  }
0x33: {  	p0 =	seq.s32 s10, $0x1;
	s10 =	sld [smem:$0x3FB6];
	_ =	sdelay $0x3  }
0x34: {  	[smem:$0x3FB6] =	sst s10  }
0x35: {  	s10 =	sld [smem:$0x3FB5];
	_ =	sdelay $0x3  }
0x36: {  	p1 =	seq.s32 s10, $0x1;
	s10 =	sld [smem:$0x3FB6];
	_ =	sdelay $0x3  }
0x37: {  	[smem:$0x3FB6] =	sst s10  }
0x38: {  	s10 =	sld [smem:$0x3FB7]  }
0x39: {  	_ = 	snop;
	(pc) =	sbr.ind lr, $3  }
0x3a: {  	_ = 	snop  }
0x3b: {  	_ = 	snop  }
0x3c: {  	p2 =	seq.s32 s10, $0x1;
	s10 =	sld [smem:$0x3FB6]  }
0x3d: {  	_ =	shalt  }
0x3e: {  	_ =	shalt  }
0x3f: {  	_ =	shalt  }
0x40: {  	_ =	shalt  }
0x41: {  	_ =	shalt  }
0x42: {  	_ =	shalt  }
0x43: {  	_ =	shalt  }
0x44: {  	_ =	shalt  }
0x45: {  	_ =	shalt  }
0x46: {  	_ =	shalt  }
0x47: {  	_ =	shalt  }
0x48: {  	_ =	shalt  }
0x49: {  	_ =	shalt  }
0x4a: {  	_ =	shalt  }
0x4b: {  	_ =	shalt  }
0x4c: {  	_ =	shalt  }
0x4d: {  	_ =	shalt  }
0x4e: {  	_ =	shalt  }
0x4f: {  	_ =	shalt  }
0x50: {  	_ =	shalt  }
0x51: {  	_ =	shalt  }
0x52: {  	_ =	shalt  }
0x53: {  	_ =	shalt  }
0x54: {  	_ =	shalt  }
0x55: {  	_ =	shalt  }
0x56: {  	_ =	shalt  }
0x57: {  	_ =	shalt  }
0x58: {  	_ =	shalt  }
0x59: {  	_ =	shalt  }
0x5a: {  	_ =	shalt  }
0x5b: {  	_ =	shalt  }
0x5c: {  	_ =	shalt  }
0x5d: {  	_ =	shalt  }
0x5e: {  	_ =	shalt  }
0x5f: {  	_ =	shalt  }
0x60: {  	_ =	shalt  }
0x61: {  	_ =	shalt  }
0x62: {  	_ =	shalt  }
0x63: {  	_ =	shalt  }
0x64: {  	_ =	shalt  }
0x65: {  	_ =	shalt  }
0x66: {  	_ =	shalt  }
0x67: {  	_ =	shalt  }
0x68: {  	_ =	shalt  }
0x69: {  	_ =	shalt  }
0x6a: {  	_ =	shalt  }
0x6b: {  	_ =	shalt  }
0x6c: {  	_ =	shalt  }
0x6d: {  	_ =	shalt  }
0x6e: {  	_ =	shalt  }
0x6f: {  	_ =	shalt  }
0x70: {  	_ =	shalt  }
0x71: {  	_ =	shalt  }
0x72: {  	_ =	shalt  }
0x73: {  	_ =	shalt  }
0x74: {  	_ =	shalt  }
0x75: {  	_ =	shalt  }
0x76: {  	_ =	shalt  }
0x77: {  	_ =	shalt  }
0x78: {  	_ =	shalt  }
0x79: {  	_ =	shalt  }
0x7a: {  	_ =	shalt  }
0x7b: {  	_ =	shalt  }
0x7c: {  	_ =	shalt  }
0x7d: {  	_ =	shalt  }
0x7e: {  	_ =	shalt  }
0x7f: {  	_ =	shalt  }
0x80: {  	_ =	shalt  }
0x81: {  	_ =	shalt  }
0x82: {  	_ =	shalt  }
0x83: {  	_ =	shalt  }
0x84: {  	_ =	shalt  }
0x85: {  	_ =	shalt  }
0x86: {  	_ =	shalt  }
0x87: {  	_ =	shalt  }
.Lfunc_end0:
.L_simem_size_0:
called_computation.1_lowered:
.L_overlay_start_0:
0x88: {  	s2 =	sld [smem:$0x3FD9]  }
0x89: {  	s3 =	sld [smem:$0x3FFE];
	_ =	sdelay $0x1  }
0x8a: {  	s1 =	srdreg.scid  }
0x8b: {  	s0 =	sand.u32 $0x1, s1  }
0x8c: {  	s14 =	sshll.u32 s0, $0xA;
	s2 =	sadd.s32 s3, s2  }
0x8d: {  	s2 =	sadd.s32 s2, s14  }
0x8e: {  	[smem:$0x3FC2] =	sst s2  }
0x8f: {  	_ = 	snop  }
0x90: {  	s2 =	sld [smem:$0x3FD0];
	_ =	sdelay $0x2  }
0x91: {  	s15 =	simm.s32 $0xA;
	s4 =	simm.s32 $0x10  }
0x92: {  	[smem:s4], [sflag:s15] =	dma.local [hbm:s2], $0x1  }
0x93: {  	_ =	swait.eq [sflag:s15], $0x1  }
0x94: {  	[sflag:s15] =	ssyncset.done $0x0  }
0x95: {  	[sflag:s15] =	ssyncadd.s32 $0xFFFFFFFF  }
0x96: {  	s16 =	sld [smem:$0x11];
	(tm) =	ssettm $0x1  }
0x97: {  	s17 =	sld [smem:$0x3FFB];
	_ =	sdelay $0x3  }
0x98: {  	_ =	strace s17  }
0x99: {  	s3 =	sld [smem:$0x3FFC];
	_ =	sdelay $0x3  }
0x9a: {  	_ =	strace s3  }
0x9b: {  	s3 =	sld [smem:$0x3FFD];
	_ =	sdelay $0x3  }
0x9c: {  	_ =	strace s3  }
0x9d: {  	_ =	strace $0x8FFFFFFF  }
0x9e: {  	s18 =	sld [smem:$0x3FDB];
	_ =	sdelay $0x1  }
0x9f: {  	s19 =	simm.s32 $_scs_section_size  }
0xa0: {  	s5 =	simm.s32 $_size__tile_overlayer_lowered;
	s6 =	simm.s32 $_tile_overlayer_lowered  }
0xa1: {  	s22 =	simm.s32 $0x1BFF;
	s21 =	sshll.u32 s6, $0x1;
	s3 =	sadd.s32 s19, s18  }
0xa2: {  	s7 =	simm.s32 $0x0;
	s20 =	sshll.u32 s5, $0x1;
	s5 =	sadd.s32 s21, s3  }
0xa3: {  	[timem:s7], [sflag:s22] =	dma.local [hbm:s5], s20  }
0xa4: {  	_ =	swait.ge [sflag:s22], s20  }
0xa5: {  	s4 =	ssub.s32 $0x0, s20;
	[sflag:s22] =	ssyncset.done $0x0  }
0xa6: {  	[sflag:s22] =	ssyncadd.s32 s4;
	_ =	sdelay $0x1  }
0xa7: {  	s23 =	simm.s32 $0x1B8B  }
0xa8: {  	_ =	swait.ge [sflag:s23], $0x1  }
0xa9: {  	[sflag:s23] =	ssyncset.done $0x0  }
0xaa: {  	s25 =	simm.s32 $0x1B8E;
	s24 =	sld [smem:$0x3FFE];
	[sflag:s23] =	ssyncadd.s32 $0xFFFFFFFF  }
0xab: {  	s26 =	simm.s32 $execute0_lowered;
	[smem:$0x3FD2] =	sst s25  }
0xac: {  	s5 =	sshll.u32 s26, $0x1;
	_ =	strace $0x80000049;
	[dreg:$0x1] =	wrdreg $0xFFFFFFFF  }
0xad: {  	s28 =	simm.s32 $_size_execute0_lowered;
	s3 =	sadd.s32 s3, s5;
	[dreg:$0x0] =	wrdreg $0x0  }
0xae: {  	s5 =	sshll.u32 s28, $0x1;
	[dreg:$0x2] =	wrdreg s3  }
0xaf: {  	[dreg:$0x3] =	wrdreg s5  }
0xb0: {  	[dreg:$0x4] =	wrdreg $0xC0  }
0xb1: {  	_ =	task [dreg:s7], $0x5FFFF  }
0xb2: {  	[dreg:$0x1] =	wrdreg $0xFFFFFFFF  }
0xb3: {  	[dreg:$0x0] =	wrdreg $0x60  }
0xb4: {  	[dreg:$0x2] =	wrdreg s24  }
0xb5: {  	[dreg:$0x3] =	wrdreg s16  }
0xb6: {  	[dreg:$0x4] =	wrdreg $0x41800  }
0xb7: {  	[dreg:$0x5] =	wrdreg $0x9  }
0xb8: {  	_ =	task.clear_ibuf [dreg:s7], $0x6FFFF;
	_ =	strace $0x90000049  }
0xb9: {  	s29 =	simm.s32 $0x9;
	_ =	strace $0x8000004B  }
0xba: {  	_ =	swait.ge [sflag:s29], $0x1  }
0xbb: {  	[sflag:s29] =	ssyncadd.s32 $0xFFFFFFFF  }
0xbc: {  	_ =	strace $0x9000004B  }
0xbd: {  	_ =	sfence  }
0xbe: {  	s30 =	sld [smem:$0x0];
	_ =	sdelay $0x2  }
0xbf: {  	s31 =	sshll.u32 s1, $0xD;
	s1 =	sshrl.u32 s1, $0x2  }
0xc0: {  	s3 =	sand.u32 $0x4000, s31;
	s1 =	sadd.s32 s1, s30  }
0xc1: {  	s0 =	sor.u32 s3, s0;
	s1 =	sshll.u32 s1, $0x11  }
0xc2: {  	s0 =	sor.u32 s1, s0  }
0xc3: {  	s0 =	sadd.s32 $0x8F2B, s0  }
0xc4: {  	[sflag:s0] =	ssyncadd.remote.s32 $0x1  }
0xc5: {  	_ =	sfence.sel $0xFFFF  }
0xc6: {  	[dreg:$0x0] =	wrdreg $0xFFFFFFFF;
	(pc) =	sbr.abs _section_cstart, $3  }
0xc7: {  	[dreg:$0x1] =	wrdreg $0xFFFFFFFF  }
0xc8: {  	_ =	task.clear_ibuf [dreg:s7], $0x2FFFF;
	_ =	strace $0x9FFFFFFF  }
0xc9: {  	(tm) =	ssettm $0x7FFFFFFF  }
tec
execute0_lowered:
.L_overlay_start_1:
0x0: {  	(tag) =	ssettag $0x1  }
0x1: {  	s7 =	rddreg [dreg:$0x0]  }
0x2: {  	s2 =	rddreg [dreg:$0x1]  }
0x3: {  	s3 =	rddreg [dreg:$0x2]  }
0x4: {  	s0 =	srdreg.scid;
	s1 =	rddreg [dreg:$0x3];
	s4 =	simm.s32 $0x0  }
0x5: {  	s15 =	simm.s32 $0x180;
	s16 =	simm.s32 $0x2;
	s8 =	sand.u32 $0x1, s0  }
0x6: {  	s17 =	simm.s32 $0x80;
	s0 =	stileid.u32;
	s5 =	smul.u32 $0x13C000, s8  }
0x7: {  	s18 =	simm.s32 $0x100;
	[smem:$0x7FF] =	sst s4;
	s6 =	smul.u32 $0x13C00, s0  }
0x8: {  	s19 =	simm.s32 $0x1;
	_ =	strace $0x8000004A;
	s10 =	smul.u32 $0x4F000, s0  }
0x9: {  	s28 =	ssub.s32 $0x2, s8;
	s29 =	sshll.u32 s8, $0x4;
	s20 =	sshll.u32 s0, $0x6  }
0xa: {  	s31 =	sshrl.u32 s28, $0x1;
	s11 =	sor.u32 s0, s29;
	s20 =	sor.u32 $0x1C02, s20  }
0xb: {  	s5 =	sadd.s32 s6, s5;
	s6 =	sadd.s32 $0x64000, s7;
	s30 =	sshrl.u32 s10, $0x2  }
0xc: {  	s14 =	ssub.s32 s28, s31;
	s8 =	smul.u32 $0x2800, s11;
	s9 =	sshrl.u32 s5, $0x3  }
0xd: {  	s5 =	sadd.s32 $0x1000, s7;
	s13 =	sadd.s32 s9, s7;
	s7 =	sadd.s32 s30, s3  }
0xe: {  	s14 =	smax.u32 s14, $0x1;
	s9 =	sadd.s32 $0x4000, s7;
	s10 =	sadd.s32 $0x8000, s7  }
0xf: {  	v0 =	vimm.f32 $0.0e+00;
	s11 =	sadd.s32 $0xC000, s7;
	s12 =	sadd.s32 $0x10000, s7;
	s13 =	sadd.s32 $0x15000, s13  }
.LBB2_1:
0x10: {  	s21 =	simm.s32 $0x0;
	s22 =	simm.s32 $0x200  }
.LBB2_2:
0x11: {  	p0 =	sne.s32 s22, $0xFE00;
	[tilespmem:s21+$0x1F0] =	vst v0  }
0x12: {  	[tilespmem:s21+$0x180] =	vst v0  }
0x13: {  	[tilespmem:s21+$0x190] =	vst v0  }
.Ltmp0:
0x14: {  	[tilespmem:s21+$0x1A0] =	vst v0;
	(pc) =	sbr.rel @p0 .LBB2_2-.Ltmp0, $4  }
0x15: {  	[tilespmem:s21+$0x1B0] =	vst v0  }
0x16: {  	[tilespmem:s21+$0x1C0] =	vst v0  }
0x17: {  	[tilespmem:s21+$0x1D0] =	vst v0  }
0x18: {  	[tilespmem:s21+$0x1E0] =	vst v0;
	s21 =	sshra.s32 s22, $0x2;
	s22 =	sadd.s32 $0x200, s22  }
0x19: {  	[tilespmem:s21+$0x1F0] =	vst v0  }
0x1a: {  	[tilespmem:s21+$0x180] =	vst v0  }
0x1b: {  	[tilespmem:s21+$0x190] =	vst v0  }
0x1c: {  	[tilespmem:s21+$0x1A0] =	vst v0  }
0x1d: {  	[tilespmem:s21+$0x1B0] =	vst v0  }
0x1e: {  	[tilespmem:s21+$0x1C0] =	vst v0  }
0x1f: {  	[tilespmem:s21+$0x1D0] =	vst v0  }
0x20: {  	[tilespmem:s21+$0x1E0] =	vst v0  }
0x21: {  	[spmem:s7] =	stream.linear.scatter [tilespmem:s15], [sflag:$0x2], $0x4000, $0x38;
	[tilespmem:$0x17D80] =	vst v63  }
0x22: {  	_ =	swait.ge [sflag:s16], $0x4000  }
0x23: {  	[sflag:s16] =	ssyncset.done $0x0  }
0x24: {  	[sflag:s16] =	ssyncadd.s32 $0xFFFFC000  }
0x25: {  	[spmem:s9] =	stream.linear.scatter [tilespmem:s15], [sflag:$0x2], $0x4000, $0x38;
	[tilespmem:$0x17D80] =	vst v63  }
0x26: {  	_ =	swait.ge [sflag:s16], $0x4000  }
0x27: {  	[sflag:s16] =	ssyncset.done $0x0  }
0x28: {  	[sflag:s16] =	ssyncadd.s32 $0xFFFFC000  }
0x29: {  	[spmem:s10] =	stream.linear.scatter [tilespmem:s15], [sflag:$0x2], $0x4000, $0x38;
	[tilespmem:$0x17D80] =	vst v63  }
0x2a: {  	_ =	swait.ge [sflag:s16], $0x4000  }
0x2b: {  	[sflag:s16] =	ssyncset.done $0x0  }
0x2c: {  	[sflag:s16] =	ssyncadd.s32 $0xFFFFC000  }
0x2d: {  	[spmem:s11] =	stream.linear.scatter [tilespmem:s15], [sflag:$0x2], $0x4000, $0x38;
	[tilespmem:$0x17D80] =	vst v63  }
0x2e: {  	_ =	swait.ge [sflag:s16], $0x4000  }
0x2f: {  	[sflag:s16] =	ssyncset.done $0x0  }
0x30: {  	[sflag:s16] =	ssyncadd.s32 $0xFFFFC000  }
0x31: {  	[spmem:s12] =	stream.linear.scatter [tilespmem:s15], [sflag:$0x2], $0x3C00, $0x38;
	[tilespmem:$0x17D80] =	vst v63  }
0x32: {  	_ =	swait.ge [sflag:s16], $0x3C00  }
0x33: {  	[sflag:s16] =	ssyncset.done $0x0  }
0x34: {  	[sflag:s16] =	ssyncadd.s32 $0xFFFFC400  }
0x35: {  	s21 =	simm.s32 $0x0;
	s22 =	simm.s32 $0x0;
	[bflag:$0x0] =	sbarrier.arrive $0xFFFF  }
.LBB2_4:
0x36: {  	s23 =	sshll.u32 s22, $0x7  }
0x37: {  	s23 =	sadd.s32 s8, s23  }
0x38: {  	s23 =	sshrl.u32 s23, $0x3  }
0x39: {  	s24 =	sadd.s32 s5, s23  }
0x3a: {  	[tilespmem:s21], [sflag:$0x2] =	stream.linear.gather [hbm4b:s24+s21], $0x80, $0x38;
	[tilespmem:$0x17D80] =	vst v63  }
0x3b: {  	_ =	swait.ge [sflag:s16], $0x80  }
0x3c: {  	[sflag:s16] =	ssyncset.done $0x0  }
0x3d: {  	[sflag:s16] =	ssyncadd.s32 $0xFFFFFF80  }
0x3e: {  	[tilespmem:s15], [sflag:$0x1] =	stream.indirect.gather [hbm4b:s2+s17], $0x80, s21, s17, $0xb8;
	[tilespmem:$0x17D80] =	vst v63  }
0x3f: {  	s24 =	sadd.s32 $0xA000, s24  }
0x40: {  	[tilespmem:s17], [sflag:$0x2] =	stream.linear.gather [hbm4b:s24+s21], $0x80, $0x38;
	[tilespmem:$0x17D80] =	vst v63  }
0x41: {  	_ =	swait.ge [sflag:s16], $0x80  }
0x42: {  	[sflag:s16] =	ssyncset.done $0x0  }
0x43: {  	s23 =	sadd.s32 s6, s23;
	[sflag:s16] =	ssyncadd.s32 $0xFFFFFF80  }
0x44: {  	v1 =	vmov s21;
	[tilespmem:s18], [sflag:$0x2] =	stream.linear.gather [hbm4b:s23+s21], $0x80, $0x38;
	[tilespmem:$0x17D80] =	vst v63  }
0x45: {  	v1 =	vand.u32 $0xFFFFFFF8, v1;
	_ =	swait.ge [sflag:s16], $0x80  }
0x46: {  	v1 =	vbroadcast v1, $0x0;
	[sflag:s16] =	ssyncset.done $0x0  }
0x47: {  	[sflag:s16] =	ssyncadd.s32 $0xFFFFFF80  }
0x48: {  	_ =	swait.ge [sflag:s19], $0x4000  }
0x49: {  	[sflag:s19] =	ssyncset.done $0x0  }
0x4a: {  	s23 =	simm.s32 $0x380;
	[sflag:s19] =	ssyncadd.s32 $0xFFFFC000  }
0x4b: {  	v2 =	vld [tilespmem:s23+$0xFFFFFE10]  }
0x4c: {  	v1 =	vld.idx.msk [tilespmem:v1+s18+$0x0], $0xffff  }
0x4d: {  	v3 =	vld [tilespmem:s23+$0xFFFFFE00]  }
0x4e: {  	s26 =	simm.s32 $0x1;
	v4 =	vld [tilespmem:s23+$0xFFFFFE20]  }
0x4f: {  	v6 =	vmov s26;
	v5 =	vld [tilespmem:s23+$0xFFFFFE30]  }
0x50: {  	v6 =	vand.u32 $0xFFFFFFF9, v6  }
0x51: {  	v6 =	vbroadcast v6, $0x0;
	v2 =	vmul.f32 v2, v1  }
0x52: {  	v3 =	vmul.f32 v3, v1  }
0x53: {  	v4 =	vmul.f32 v4, v1;
	[tilespmem:s23+$0xFFFFFE10] =	vst v2  }
0x54: {  	v1 =	vmul.f32 v5, v1;
	[tilespmem:s23+$0xFFFFFE00] =	vst v3  }
0x55: {  	[tilespmem:s23+$0xFFFFFE20] =	vst v4  }
0x56: {  	v2 =	vld [tilespmem:s23+$0xFFFFFE90];
	[tilespmem:s23+$0xFFFFFE30] =	vst v1  }
0x57: {  	v1 =	vld.idx.msk [tilespmem:v6+s18+$0x0], $0xffff  }
0x58: {  	v3 =	vld [tilespmem:s23+$0xFFFFFEA0]  }
0x59: {  	s28 =	simm.s32 $0x2;
	v4 =	vld [tilespmem:s23+$0xFFFFFE80]  }
0x5a: {  	v5 =	vld [tilespmem:s23+$0xFFFFFEB0];
	v6 =	vmov s28  }
0x5b: {  	v6 =	vand.u32 $0xFFFFFFFA, v6  }
0x5c: {  	v6 =	vbroadcast v6, $0x0;
	v2 =	vmul.f32 v2, v1  }
0x5d: {  	v3 =	vmul.f32 v3, v1  }
0x5e: {  	v4 =	vmul.f32 v4, v1;
	[tilespmem:s23+$0xFFFFFE90] =	vst v2  }
0x5f: {  	v1 =	vmul.f32 v5, v1;
	[tilespmem:s23+$0xFFFFFEA0] =	vst v3  }
0x60: {  	[tilespmem:s23+$0xFFFFFE80] =	vst v4  }
0x61: {  	v2 =	vld [tilespmem:s23+$0xFFFFFF10];
	[tilespmem:s23+$0xFFFFFEB0] =	vst v1  }
0x62: {  	v1 =	vld.idx.msk [tilespmem:v6+s18+$0x0], $0xffff  }
0x63: {  	v3 =	vld [tilespmem:s23+$0xFFFFFF20]  }
0x64: {  	s29 =	simm.s32 $0x3;
	v4 =	vld [tilespmem:s23+$0xFFFFFF00]  }
0x65: {  	v5 =	vld [tilespmem:s23+$0xFFFFFF30];
	v6 =	vmov s29  }
0x66: {  	v6 =	vand.u32 $0xFFFFFFFB, v6  }
0x67: {  	v6 =	vbroadcast v6, $0x0;
	v2 =	vmul.f32 v2, v1  }
0x68: {  	v3 =	vmul.f32 v3, v1  }
0x69: {  	v4 =	vmul.f32 v4, v1;
	[tilespmem:s23+$0xFFFFFF10] =	vst v2  }
0x6a: {  	v1 =	vmul.f32 v5, v1;
	[tilespmem:s23+$0xFFFFFF20] =	vst v3  }
0x6b: {  	[tilespmem:s23+$0xFFFFFF00] =	vst v4  }
0x6c: {  	[tilespmem:s23+$0xFFFFFF30] =	vst v1;
	v2 =	vld [tilespmem:s23+$0xFFFFFFA0]  }
0x6d: {  	v1 =	vld.idx.msk [tilespmem:v6+s18+$0x0], $0xffff  }
0x6e: {  	v3 =	vld [tilespmem:s23+$0xFFFFFF80]  }
0x6f: {  	s30 =	simm.s32 $0x4;
	v4 =	vld [tilespmem:s23+$0xFFFFFF90]  }
0x70: {  	v5 =	vld [tilespmem:s23+$0xFFFFFFB0];
	v6 =	vmov s30  }
0x71: {  	v6 =	vand.u32 $0xFFFFFFFC, v6  }
0x72: {  	v6 =	vbroadcast v6, $0x0;
	v2 =	vmul.f32 v2, v1  }
0x73: {  	v3 =	vmul.f32 v3, v1  }
0x74: {  	v4 =	vmul.f32 v4, v1;
	[tilespmem:s23+$0xFFFFFFA0] =	vst v2  }
0x75: {  	v1 =	vmul.f32 v5, v1;
	[tilespmem:s23+$0xFFFFFF80] =	vst v3  }
0x76: {  	v5 =	vld [tilespmem:s23+$0x0];
	[tilespmem:s23+$0xFFFFFF90] =	vst v4  }
0x77: {  	v2 =	vld [tilespmem:s23+$0x30];
	[tilespmem:s23+$0xFFFFFFB0] =	vst v1  }
0x78: {  	v1 =	vld.idx.msk [tilespmem:v6+s18+$0x0], $0xffff  }
0x79: {  	v3 =	vld [tilespmem:s23+$0x20]  }
0x7a: {  	s31 =	simm.s32 $0x5;
	v4 =	vld [tilespmem:s23+$0x10]  }
0x7b: {  	v6 =	vmov s31  }
0x7c: {  	v6 =	vand.u32 $0xFFFFFFFD, v6  }
0x7d: {  	v6 =	vbroadcast v6, $0x0;
	v2 =	vmul.f32 v2, v1  }
0x7e: {  	v3 =	vmul.f32 v3, v1  }
0x7f: {  	v4 =	vmul.f32 v4, v1;
	v5 =	vmul.f32 v5, v1;
	v1 =	vld [tilespmem:s23+$0xB0];
	[tilespmem:s23+$0x30] =	vst v2  }
0x80: {  	v2 =	vld [tilespmem:s23+$0x80];
	[tilespmem:s23+$0x20] =	vst v3  }
0x81: {  	[tilespmem:s23+$0x10] =	vst v4;
	v4 =	vld [tilespmem:s23+$0x90]  }
0x82: {  	[tilespmem:s23+$0x0] =	vst v5;
	v5 =	vld [tilespmem:s23+$0xA0]  }
0x83: {  	s25 =	simm.s32 $0x0;
	s26 =	simm.s32 $0x8;
	s24 =	simm.s32 $0x380;
	v3 =	vld.idx.msk [tilespmem:v6+s18+$0x0], $0xffff  }
.LBB2_5:
0x84: {  	p0 =	slt.u32 s26, $0x78  }
0x85: {  	s23 =	sadd.s32 $0x400, s23;
	s28 =	smov.u32 s26;
	s26 =	sadd.s32 $0x8, s26  }
0x86: {  	s29 =	sadd.s32 $0x6, s25  }
0x87: {  	v6 =	vmov s29  }
0x88: {  	v6 =	vand.u32 $0xFFFFFFFE, v6  }
0x89: {  	v2 =	vmul.f32 v2, v3;
	v6 =	vbroadcast v6, $0x0  }
0x8a: {  	v4 =	vmul.f32 v4, v3;
	v1 =	vmul.f32 v1, v3  }
0x8b: {  	[tilespmem:s24+$0x80] =	vst v2;
	v2 =	vmul.f32 v5, v3  }
0x8c: {  	[tilespmem:s24+$0xB0] =	vst v1  }
0x8d: {  	[tilespmem:s24+$0x90] =	vst v4;
	v3 =	vld [tilespmem:s24+$0x100]  }
0x8e: {  	[tilespmem:s24+$0xA0] =	vst v2;
	v4 =	vld [tilespmem:s24+$0x110]  }
0x8f: {  	v5 =	vld.idx.msk [tilespmem:v6+s18+$0x0], $0xffff  }
0x90: {  	v6 =	vld [tilespmem:s24+$0x120]  }
0x91: {  	v7 =	vld [tilespmem:s24+$0x130]  }
0x92: {  	v2 =	vld [tilespmem:s23+$0x80]  }
0x93: {  	v1 =	vld [tilespmem:s23+$0xB0];
	_ =	sdelay $0x1  }
0x94: {  	v4 =	vmul.f32 v4, v5;
	v6 =	vmul.f32 v6, v5  }
0x95: {  	v7 =	vmul.f32 v7, v5  }
0x96: {  	[tilespmem:s24+$0x120] =	vst v6  }
0x97: {  	[tilespmem:s24+$0x130] =	vst v7;
	_ =	sdelay $0x1  }
0x98: {  	s29 =	sadd.s32 $0x7, s25;
	s25 =	smov.u32 s28;
	v6 =	vld [tilespmem:s24+$0x180]  }
0x99: {  	v3 =	vmul.f32 v3, v5;
	v5 =	vmov s29;
	v7 =	vld [tilespmem:s24+$0x1B0]  }
0x9a: {  	v8 =	vmov s25  }
0x9b: {  	v8 =	vand.u32 $0xFFFFFFF8, v8;
	[tilespmem:s24+$0x100] =	vst v3;
	v3 =	vld [tilespmem:s24+$0x190]  }
0x9c: {  	v8 =	vbroadcast v8, $0x0;
	v9 =	vld [tilespmem:s24+$0x1A0]  }
0x9d: {  	[tilespmem:s24+$0x110] =	vst v4  }
0x9e: {  	v4 =	vld.idx.msk [tilespmem:v5+s18+$0x0], $0xffff;
	_ =	sdelay $0x1  }
0x9f: {  	v5 =	vld [tilespmem:s23+$0xFFFFFE20]  }
0xa0: {  	v10 =	vld [tilespmem:s23+$0xFFFFFE30];
	_ =	sdelay $0x2  }
0xa1: {  	v6 =	vmul.f32 v6, v4;
	v3 =	vmul.f32 v3, v4;
	v11 =	vld [tilespmem:s23+$0xFFFFFE10]  }
0xa2: {  	s28 =	sadd.s32 $0x1, s25;
	v9 =	vmul.f32 v9, v4;
	v4 =	vmul.f32 v7, v4  }
0xa3: {  	v7 =	vmov s28;
	[tilespmem:s24+$0x180] =	vst v6  }
0xa4: {  	v6 =	vand.u32 $0xFFFFFFF9, v7;
	[tilespmem:s24+$0x190] =	vst v3  }
0xa5: {  	v3 =	vbroadcast v6, $0x0;
	[tilespmem:s24+$0x1A0] =	vst v9  }
0xa6: {  	[tilespmem:s24+$0x1B0] =	vst v4;
	s24 =	smov.u32 s23  }
0xa7: {  	v4 =	vld.idx.msk [tilespmem:v8+s18+$0x0], $0xffff;
	_ =	sdelay $0x1  }
0xa8: {  	v6 =	vld [tilespmem:s23+$0xFFFFFE00];
	_ =	sdelay $0x2  }
0xa9: {  	v7 =	vld [tilespmem:s23+$0xFFFFFEB0]  }
0xaa: {  	v8 =	vmul.f32 v11, v4;
	v9 =	vmul.f32 v10, v4;
	v10 =	vld [tilespmem:s23+$0xFFFFFE90]  }
0xab: {  	v6 =	vmul.f32 v6, v4;
	v4 =	vmul.f32 v5, v4  }
0xac: {  	[tilespmem:s23+$0xFFFFFE10] =	vst v8;
	v5 =	vld [tilespmem:s23+$0xFFFFFE80]  }
0xad: {  	[tilespmem:s23+$0xFFFFFE00] =	vst v6;
	v6 =	vld [tilespmem:s23+$0xFFFFFEA0]  }
0xae: {  	s28 =	sadd.s32 $0x2, s25;
	[tilespmem:s23+$0xFFFFFE20] =	vst v4  }
0xaf: {  	v4 =	vmov s28;
	[tilespmem:s23+$0xFFFFFE30] =	vst v9  }
0xb0: {  	v4 =	vand.u32 $0xFFFFFFFA, v4;
	v3 =	vld.idx.msk [tilespmem:v3+s18+$0x0], $0xffff  }
0xb1: {  	v4 =	vbroadcast v4, $0x0;
	_ =	sdelay $0x3  }
0xb2: {  	v8 =	vld [tilespmem:s23+$0xFFFFFF30]  }
0xb3: {  	v9 =	vmul.f32 v10, v3;
	v7 =	vmul.f32 v7, v3;
	v10 =	vld [tilespmem:s23+$0xFFFFFF10]  }
0xb4: {  	v5 =	vmul.f32 v5, v3;
	v3 =	vmul.f32 v6, v3  }
0xb5: {  	[tilespmem:s23+$0xFFFFFE90] =	vst v9;
	v6 =	vld [tilespmem:s23+$0xFFFFFF00]  }
0xb6: {  	[tilespmem:s23+$0xFFFFFEA0] =	vst v3;
	v3 =	vld [tilespmem:s23+$0xFFFFFF20]  }
0xb7: {  	s28 =	sadd.s32 $0x3, s25;
	[tilespmem:s23+$0xFFFFFE80] =	vst v5  }
0xb8: {  	v5 =	vmov s28;
	[tilespmem:s23+$0xFFFFFEB0] =	vst v7  }
0xb9: {  	v5 =	vand.u32 $0xFFFFFFFB, v5;
	v4 =	vld.idx.msk [tilespmem:v4+s18+$0x0], $0xffff;
	_ =	sdelay $0x1  }
0xba: {  	v5 =	vbroadcast v5, $0x0;
	_ =	sdelay $0x3  }
0xbb: {  	v7 =	vmul.f32 v10, v4;
	v3 =	vmul.f32 v3, v4  }
0xbc: {  	v6 =	vmul.f32 v6, v4;
	v4 =	vmul.f32 v8, v4  }
0xbd: {  	[tilespmem:s23+$0xFFFFFF10] =	vst v7;
	v7 =	vld [tilespmem:s23+$0xFFFFFFB0]  }
0xbe: {  	[tilespmem:s23+$0xFFFFFF20] =	vst v3;
	v3 =	vld [tilespmem:s23+$0xFFFFFF90]  }
0xbf: {  	[tilespmem:s23+$0xFFFFFF00] =	vst v6  }
0xc0: {  	[tilespmem:s23+$0xFFFFFF30] =	vst v4  }
0xc1: {  	v4 =	vld.idx.msk [tilespmem:v5+s18+$0x0], $0xffff  }
0xc2: {  	v5 =	vld [tilespmem:s23+$0xFFFFFFA0]  }
0xc3: {  	v6 =	vld [tilespmem:s23+$0xFFFFFF80]  }
0xc4: {  	s28 =	sadd.s32 $0x4, s25  }
0xc5: {  	v8 =	vmov s28  }
0xc6: {  	v8 =	vand.u32 $0xFFFFFFFC, v8  }
0xc7: {  	v8 =	vbroadcast v8, $0x0;
	v5 =	vmul.f32 v5, v4  }
0xc8: {  	v3 =	vmul.f32 v3, v4;
	v6 =	vmul.f32 v6, v4  }
0xc9: {  	v4 =	vmul.f32 v7, v4;
	[tilespmem:s23+$0xFFFFFFA0] =	vst v5  }
0xca: {  	[tilespmem:s23+$0xFFFFFF80] =	vst v6  }
0xcb: {  	[tilespmem:s23+$0xFFFFFF90] =	vst v3;
	v3 =	vld [tilespmem:s23+$0x30]  }
0xcc: {  	[tilespmem:s23+$0xFFFFFFB0] =	vst v4;
	v4 =	vld [tilespmem:s23+$0x10]  }
0xcd: {  	v5 =	vld.idx.msk [tilespmem:v8+s18+$0x0], $0xffff  }
0xce: {  	v6 =	vld [tilespmem:s23+$0x0]  }
0xcf: {  	v7 =	vld [tilespmem:s23+$0x20]  }
0xd0: {  	s28 =	sadd.s32 $0x5, s25  }
0xd1: {  	v8 =	vmov s28  }
0xd2: {  	v8 =	vand.u32 $0xFFFFFFFD, v8  }
0xd3: {  	v3 =	vmul.f32 v3, v5;
	v6 =	vmul.f32 v6, v5  }
0xd4: {  	v8 =	vbroadcast v8, $0x0;
	v7 =	vmul.f32 v7, v5  }
0xd5: {  	v4 =	vmul.f32 v4, v5;
	[tilespmem:s23+$0x30] =	vst v3  }
0xd6: {  	[tilespmem:s23+$0x20] =	vst v7  }
.Ltmp1:
0xd7: {  	[tilespmem:s23+$0x10] =	vst v4;
	(pc) =	sbr.rel @p0 .LBB2_5-.Ltmp1, $4  }
0xd8: {  	[tilespmem:s23+$0x0] =	vst v6  }
0xd9: {  	v4 =	vld [tilespmem:s23+$0x90]  }
0xda: {  	v3 =	vld.idx.msk [tilespmem:v8+s18+$0x0], $0xffff  }
0xdb: {  	v5 =	vld [tilespmem:s23+$0xA0]  }
0xdc: {  	s23 =	sadd.s32 $0x6, s25  }
0xdd: {  	v6 =	vmov s23  }
0xde: {  	v6 =	vand.u32 $0xFFFFFFFE, v6  }
0xdf: {  	v2 =	vmul.f32 v2, v3;
	v6 =	vbroadcast v6, $0x0  }
0xe0: {  	v1 =	vmul.f32 v1, v3  }
0xe1: {  	v4 =	vmul.f32 v4, v3;
	[tilespmem:s24+$0x80] =	vst v2  }
0xe2: {  	v2 =	vmul.f32 v5, v3;
	[tilespmem:s24+$0xB0] =	vst v1  }
0xe3: {  	[tilespmem:s24+$0x90] =	vst v4  }
0xe4: {  	[tilespmem:s24+$0xA0] =	vst v2;
	v2 =	vld [tilespmem:s24+$0x120]  }
0xe5: {  	v1 =	vld.idx.msk [tilespmem:v6+s18+$0x0], $0xffff  }
0xe6: {  	v3 =	vld [tilespmem:s24+$0x130]  }
0xe7: {  	v59 =	vld [tilespmem:s24+$0x100]  }
0xe8: {  	v60 =	vld [tilespmem:s24+$0x110];
	_ =	sdelay $0x1  }
0xe9: {  	s31 =	sadd.s32 $0x7, s25;
	v2 =	vmul.f32 v2, v1  }
0xea: {  	v61 =	vmov s31;
	v3 =	vmul.f32 v3, v1  }
0xeb: {  	[tilespmem:s24+$0x120] =	vst v2;
	v2 =	vmul.f32 v59, v1  }
0xec: {  	v1 =	vmul.f32 v60, v1;
	[tilespmem:s24+$0x130] =	vst v3  }
0xed: {  	[tilespmem:s24+$0x100] =	vst v2  }
0xee: {  	v2 =	vld [tilespmem:s24+$0x180];
	[tilespmem:s24+$0x110] =	vst v1  }
0xef: {  	v1 =	vld.idx.msk [tilespmem:v61+s18+$0x0], $0xffff  }
0xf0: {  	v3 =	vld [tilespmem:s24+$0x190]  }
0xf1: {  	v62 =	vld [tilespmem:s24+$0x1A0]  }
0xf2: {  	v63 =	vld [tilespmem:s24+$0x1B0];
	_ =	sdelay $0x1  }
0xf3: {  	v2 =	vmul.f32 v2, v1  }
0xf4: {  	v3 =	vmul.f32 v3, v1  }
0xf5: {  	v4 =	vmul.f32 v62, v1;
	[tilespmem:s24+$0x180] =	vst v2  }
0xf6: {  	s22 =	sadd.s32 $0x1, s22;
	v1 =	vmul.f32 v63, v1;
	[tilespmem:s24+$0x190] =	vst v3  }
0xf7: {  	p0 =	sne.s32 s22, $0x50;
	[tilespmem:s24+$0x1A0] =	vst v4  }
.Ltmp2:
0xf8: {  	[tilespmem:s24+$0x1B0] =	vst v1;
	(pc) =	sbr.rel @p0 .LBB2_4-.Ltmp2, $4  }
0xf9: {  	[spmem:s3] =	stream.indirect.scatter.add.f32 [tilespmem:s15], [sflag:$0x2], $0x80, s17, s17, $0xb8;
	[tilespmem:$0x17D80] =	vst v63  }
0xfa: {  	_ =	swait.ge [sflag:s16], $0x4000  }
0xfb: {  	[sflag:s16] =	ssyncset.done $0x0  }
0xfc: {  	[sflag:s16] =	ssyncadd.s32 $0xFFFFC000  }
0xfd: {  	s4 =	sadd.s32 $0x1, s4  }
0xfe: {  	p0 =	sne.s32 s4, s14  }
.Ltmp3:
0xff: {  	[bflag:$0x0] =	sbarrier.arrive $0xFFFF;
	s21 =	sshrl.u32 s7, $0x3;
	(pc) =	sbr.rel @p0 .LBB2_1-.Ltmp3, $4  }
0x100: {  	[hbm:s13], [sflag:s20] =	dma.local [spmem:s21], $0x2780  }
0x101: {  	_ =	swait.ge [sflag:s16], $0x2780  }
0x102: {  	[sflag:s16] =	ssyncset.done $0x0  }
0x103: {  	[sflag:s16] =	ssyncadd.s32 $0xFFFFD880  }
0x104: {  	_ =	sfence.sel $0x180000  }
0x105: {  	[bflag:$0x0] =	sbarrier.arrive $0xFFFF  }
0x106: {  	p0 =	sne.s32 s0, $0x0;
	_ =	strace $0x9000004A  }
0x107: {  	s0 =	sadd.s32 @!p0 $0x100000, s1;
	[bflag:$0x2] =	sbarrier.arrive $0xFFFF  }
0x108: {  	[sflag:s0] =	ssyncadd.tile.s32 @!p0 $0x1;
	_ =	shalt  }
.Lfunc_end2:
_tile_overlayer_lowered:
.L_overlay_start_2:
0x109: {  	(tag) =	ssettag $0x2  }
0x10a: {  	s0 =	rddreg [dreg:$0x0];
	s2 =	stileid.u32  }
0x10b: {  	s1 =	rddreg [dreg:$0x1];
	p0 =	sne.s32 s2, $0x0  }
0x10c: {  	s3 =	rddreg [dreg:$0x2];
	[bflag:$0x3] =	sbarrier.arrive $0xFFFF;
	s2 =	simm.s32 @!p0 $0x1C02  }
0x10d: {  	[timem:s3], [sflag:s2] =	dma.local @!p0 [hbm:s0], s1  }
0x10e: {  	s0 =	simm.s32 @!p0 $0x2  }
0x10f: {  	_ =	swait.ge @!p0 [sflag:s0], s1  }
0x110: {  	s1 =	ssub.s32 @!p0 $0x0, s1;
	[sflag:s0] =	ssyncset.done @!p0 $0x0  }
0x111: {  	[sflag:s0] =	ssyncadd.s32 @!p0 s1  }
0x112: {  	[bflag:$0x3] =	sbarrier.arrive $0xFFFF  }
0x113: {  	_ =	shalt  }

// kernel: kernel.7.cloned.1.call-start
scs
__scs_entry_jumppad:
0x0: {  	(pc) =	sbr.rel $0x88, $3  }
0x1: {  	(tag) =	ssettag $0x0;
	lr =	simm.s32 $0x1  }
0x2: {  	[smem:$0x3F9B] =	sst lr;
	_ =	strace $0xD0000000  }
0x3: {  	_ = 	snop  }
0x4: {  	_ = 	snop  }
0x5: {  	_ = 	snop  }
0x6: {  	_ = 	snop  }
0x7: {  	_ = 	snop  }
__scs_overlays_trampoline_lowered:
0x8: {  	[smem:$0x3FAA] =	sst s0  }
0x9: {  	[smem:$0x3FAB] =	sst s1  }
0xa: {  	[smem:$0x3FAC] =	sst s2  }
0xb: {  	[smem:$0x3FAD] =	sst s3  }
0xc: {  	[smem:$0x3FAE] =	sst s4  }
0xd: {  	[smem:$0x3FAF] =	sst s5  }
0xe: {  	[smem:$0x3FB0] =	sst s6  }
0xf: {  	[smem:$0x3FB1] =	sst s7  }
0x10: {  	[smem:$0x3FB2] =	sst s8  }
0x11: {  	[smem:$0x3FB3] =	sst s9;
	s0 =	simm.s32 @!p0 $0x0  }
0x12: {  	s1 =	sld [smem:$0x3F99];
	s0 =	simm.s32 @p0 $0x1  }
0x13: {  	[smem:$0x3FB4] =	sst s0;
	s0 =	simm.s32 @!p1 $0x0  }
0x14: {  	s2 =	sld [smem:$0x3F98];
	s0 =	simm.s32 @p1 $0x1  }
0x15: {  	[smem:$0x3FB5] =	sst s0;
	s0 =	simm.s32 @!p2 $0x0  }
0x16: {  	s3 =	sld [smem:$0x3FDB];
	s0 =	simm.s32 @p2 $0x1  }
0x17: {  	s4 =	simm.s32 $0x1BF5;
	[smem:$0x3FB7] =	sst s0  }
0x18: {  	s0 =	sld [smem:$0x3F9A];
	_ =	swait.ge [sflag:s4], $0x0  }
0x19: {  	s7 =	sld [smem:$0x3F9B]  }
0x1a: {  	s8 =	sadd.s32 $0xFFFFE003, lr  }
0x1b: {  	s9 =	sadd.s32 $0xFFFFFEF7, lr;
	s5 =	simm.s32 $0xFFFFFFFF;
	p2 =	slt.u32 s8, $0xFFFFF086  }
0x1c: {  	p1 =	slt.u32 s9, $0xF7A;
	s5 =	simm.s32 @!p2 $0x0  }
0x1d: {  	s5 =	simm.s32 @p1 $0x1;
	p0 =	seq.s32 s7, s2  }
0x1e: {  	s7 =	smul.u32 @!p0 $0xF7A, s2;
	p2 =	seq.s32 @!p0 s5, $0x0  }
0x1f: {  	s9 =	smul.u32 $0xF7A, s1;
	s8 =	simm.s32 @!p0 $0x1BF5;
	p2 =	por !p2, p0  }
0x20: {  	[sflag:s8] =	ssyncset.s32 @!p0 $0xFFFFF086;
	s6 =	sadd.s32 @!p0 s3, s7;
	s7 =	simm.s32 @!p0 $0x108  }
0x21: {  	s3 =	sadd.s32 s3, s9;
	s6 =	sadd.s32 @!p0 $0x88, s6;
	s7 =	simm.s32 @p2 $0x1082  }
0x22: {  	[simem:s7], [sflag:s8] =	dma.local @!p0 [hbm:s6], $0xF7A  }
0x23: {  	s9 =	sor.u32 $0xD0000000, s2;
	s6 =	simm.s32 $0x108;
	_ =	swait.ge @!p0 [sflag:s8], $0x0  }
0x24: {  	s3 =	sadd.s32 $0x88, s3;
	s6 =	simm.s32 @!p1 $0x1082;
	[sflag:s4] =	ssyncset.s32 $0xFFFFF086  }
0x25: {  	[simem:s6], [sflag:s4] =	dma.local [hbm:s3], $0xF7A  }
0x26: {  	[smem:$0x3F9B] =	sst s1;
	(tag) =	ssettag s2;
	_ =	strace s9  }
0x27: {  	s1 =	sld [smem:$0x3FAB]  }
0x28: {  	s2 =	sld [smem:$0x3FAC]  }
0x29: {  	s4 =	sld [smem:$0x3FAE]  }
0x2a: {  	p0 =	seq.s32 s5, $0x0;
	s5 =	sld [smem:$0x3FAF]  }
0x2b: {  	s6 =	sld [smem:$0x3FB0]  }
0x2c: {  	s7 =	sld [smem:$0x3FB1]  }
0x2d: {  	s3 =	simm.s32 $0x108;
	s8 =	sld [smem:$0x3FB2]  }
0x2e: {  	s3 =	simm.s32 @!p0 $0x1082;
	s9 =	sld [smem:$0x3FB3]  }
0x2f: {  	lr =	sadd.s32 s0, s3;
	s0 =	sld [smem:$0x3FAA]  }
0x30: {  	s3 =	sld [smem:$0x3FAD]  }
0x31: {  	[smem:$0x3FB6] =	sst s10  }
0x32: {  	s10 =	sld [smem:$0x3FB4];
	_ =	sdelay $0x3  }
0x33: {  	p0 =	seq.s32 s10, $0x1;
	s10 =	sld [smem:$0x3FB6];
	_ =	sdelay $0x3  }
0x34: {  	[smem:$0x3FB6] =	sst s10  }
0x35: {  	s10 =	sld [smem:$0x3FB5];
	_ =	sdelay $0x3  }
0x36: {  	p1 =	seq.s32 s10, $0x1;
	s10 =	sld [smem:$0x3FB6];
	_ =	sdelay $0x3  }
0x37: {  	[smem:$0x3FB6] =	sst s10  }
0x38: {  	s10 =	sld [smem:$0x3FB7]  }
0x39: {  	_ = 	snop;
	(pc) =	sbr.ind lr, $3  }
0x3a: {  	_ = 	snop  }
0x3b: {  	_ = 	snop  }
0x3c: {  	p2 =	seq.s32 s10, $0x1;
	s10 =	sld [smem:$0x3FB6]  }
0x3d: {  	_ =	shalt  }
0x3e: {  	_ =	shalt  }
0x3f: {  	_ =	shalt  }
0x40: {  	_ =	shalt  }
0x41: {  	_ =	shalt  }
0x42: {  	_ =	shalt  }
0x43: {  	_ =	shalt  }
0x44: {  	_ =	shalt  }
0x45: {  	_ =	shalt  }
0x46: {  	_ =	shalt  }
0x47: {  	_ =	shalt  }
0x48: {  	_ =	shalt  }
0x49: {  	_ =	shalt  }
0x4a: {  	_ =	shalt  }
0x4b: {  	_ =	shalt  }
0x4c: {  	_ =	shalt  }
0x4d: {  	_ =	shalt  }
0x4e: {  	_ =	shalt  }
0x4f: {  	_ =	shalt  }
0x50: {  	_ =	shalt  }
0x51: {  	_ =	shalt  }
0x52: {  	_ =	shalt  }
0x53: {  	_ =	shalt  }
0x54: {  	_ =	shalt  }
0x55: {  	_ =	shalt  }
0x56: {  	_ =	shalt  }
0x57: {  	_ =	shalt  }
0x58: {  	_ =	shalt  }
0x59: {  	_ =	shalt  }
0x5a: {  	_ =	shalt  }
0x5b: {  	_ =	shalt  }
0x5c: {  	_ =	shalt  }
0x5d: {  	_ =	shalt  }
0x5e: {  	_ =	shalt  }
0x5f: {  	_ =	shalt  }
0x60: {  	_ =	shalt  }
0x61: {  	_ =	shalt  }
0x62: {  	_ =	shalt  }
0x63: {  	_ =	shalt  }
0x64: {  	_ =	shalt  }
0x65: {  	_ =	shalt  }
0x66: {  	_ =	shalt  }
0x67: {  	_ =	shalt  }
0x68: {  	_ =	shalt  }
0x69: {  	_ =	shalt  }
0x6a: {  	_ =	shalt  }
0x6b: {  	_ =	shalt  }
0x6c: {  	_ =	shalt  }
0x6d: {  	_ =	shalt  }
0x6e: {  	_ =	shalt  }
0x6f: {  	_ =	shalt  }
0x70: {  	_ =	shalt  }
0x71: {  	_ =	shalt  }
0x72: {  	_ =	shalt  }
0x73: {  	_ =	shalt  }
0x74: {  	_ =	shalt  }
0x75: {  	_ =	shalt  }
0x76: {  	_ =	shalt  }
0x77: {  	_ =	shalt  }
0x78: {  	_ =	shalt  }
0x79: {  	_ =	shalt  }
0x7a: {  	_ =	shalt  }
0x7b: {  	_ =	shalt  }
0x7c: {  	_ =	shalt  }
0x7d: {  	_ =	shalt  }
0x7e: {  	_ =	shalt  }
0x7f: {  	_ =	shalt  }
0x80: {  	_ =	shalt  }
0x81: {  	_ =	shalt  }
0x82: {  	_ =	shalt  }
0x83: {  	_ =	shalt  }
0x84: {  	_ =	shalt  }
0x85: {  	_ =	shalt  }
0x86: {  	_ =	shalt  }
0x87: {  	_ =	shalt  }
.Lfunc_end0:
.L_simem_size_0:
called_computation_lowered:
.L_overlay_start_0:
0x88: {  	s2 =	sld [smem:$0x3FD9]  }
0x89: {  	s3 =	sld [smem:$0x3FFE];
	_ =	sdelay $0x1  }
0x8a: {  	s1 =	srdreg.scid  }
0x8b: {  	s0 =	sand.u32 $0x1, s1  }
0x8c: {  	s14 =	sshll.u32 s0, $0xA;
	s2 =	sadd.s32 s3, s2  }
0x8d: {  	s2 =	sadd.s32 s2, s14  }
0x8e: {  	[smem:$0x3FC2] =	sst s2  }
0x8f: {  	_ = 	snop  }
0x90: {  	s2 =	sld [smem:$0x3FD0];
	_ =	sdelay $0x2  }
0x91: {  	s15 =	simm.s32 $0xA;
	s4 =	simm.s32 $0x10  }
0x92: {  	[smem:s4], [sflag:s15] =	dma.local [hbm:s2], $0x1  }
0x93: {  	_ =	swait.eq [sflag:s15], $0x1  }
0x94: {  	[sflag:s15] =	ssyncset.done $0x0  }
0x95: {  	s16 =	sld [smem:$0x10];
	[sflag:s15] =	ssyncadd.s32 $0xFFFFFFFF  }
0x96: {  	s17 =	sld [smem:$0x11];
	(tm) =	ssettm $0x1  }
0x97: {  	s18 =	sld [smem:$0x3FFB];
	_ =	sdelay $0x3  }
0x98: {  	_ =	strace s18  }
0x99: {  	s4 =	sld [smem:$0x3FFC];
	_ =	sdelay $0x3  }
0x9a: {  	_ =	strace s4  }
0x9b: {  	s4 =	sld [smem:$0x3FFD];
	_ =	sdelay $0x3  }
0x9c: {  	_ =	strace s4  }
0x9d: {  	_ =	strace $0x8FFFFFFF  }
0x9e: {  	s19 =	sld [smem:$0x3FDB];
	_ =	sdelay $0x1  }
0x9f: {  	s5 =	simm.s32 $_scs_section_size  }
0xa0: {  	s6 =	simm.s32 $_size__tile_overlayer_lowered;
	s7 =	simm.s32 $_tile_overlayer_lowered  }
0xa1: {  	s22 =	simm.s32 $0x1BFF;
	s21 =	sshll.u32 s7, $0x1;
	s4 =	sadd.s32 s5, s19  }
0xa2: {  	s8 =	simm.s32 $0x0;
	s20 =	sshll.u32 s6, $0x1;
	s6 =	sadd.s32 s21, s4  }
0xa3: {  	[timem:s8], [sflag:s22] =	dma.local [hbm:s6], s20  }
0xa4: {  	_ =	swait.ge [sflag:s22], s20  }
0xa5: {  	s5 =	ssub.s32 $0x0, s20;
	[sflag:s22] =	ssyncset.done $0x0  }
0xa6: {  	[sflag:s22] =	ssyncadd.s32 s5;
	_ =	sdelay $0x1  }
0xa7: {  	s23 =	simm.s32 $0x1B8B  }
0xa8: {  	_ =	swait.ge [sflag:s23], $0x1  }
0xa9: {  	[sflag:s23] =	ssyncset.done $0x0  }
0xaa: {  	s25 =	simm.s32 $0x1B8E;
	s24 =	sld [smem:$0x3FFE];
	[sflag:s23] =	ssyncadd.s32 $0xFFFFFFFF  }
0xab: {  	s26 =	simm.s32 $execute0_lowered;
	[smem:$0x3FD2] =	sst s25  }
0xac: {  	s6 =	sshll.u32 s26, $0x1;
	_ =	strace $0x80000046;
	[dreg:$0x1] =	wrdreg $0xFFFFFFFF  }
0xad: {  	s28 =	simm.s32 $_size_execute0_lowered;
	s4 =	sadd.s32 s4, s6;
	[dreg:$0x0] =	wrdreg $0x0  }
0xae: {  	s6 =	sshll.u32 s28, $0x1;
	[dreg:$0x2] =	wrdreg s4  }
0xaf: {  	[dreg:$0x3] =	wrdreg s6  }
0xb0: {  	[dreg:$0x4] =	wrdreg $0xC0  }
0xb1: {  	_ =	task [dreg:s8], $0x5FFFF  }
0xb2: {  	[dreg:$0x1] =	wrdreg $0xFFFFFFFF  }
0xb3: {  	[dreg:$0x0] =	wrdreg $0x60  }
0xb4: {  	[dreg:$0x2] =	wrdreg s24  }
0xb5: {  	[dreg:$0x3] =	wrdreg s16  }
0xb6: {  	[dreg:$0x4] =	wrdreg s17  }
0xb7: {  	[dreg:$0x5] =	wrdreg $0x90800  }
0xb8: {  	[dreg:$0x6] =	wrdreg $0x9  }
0xb9: {  	_ =	task.clear_ibuf [dreg:s8], $0x7FFFF;
	_ =	strace $0x90000046  }
0xba: {  	s29 =	simm.s32 $0x9;
	_ =	strace $0x80000048  }
0xbb: {  	_ =	swait.ge [sflag:s29], $0x1  }
0xbc: {  	[sflag:s29] =	ssyncadd.s32 $0xFFFFFFFF  }
0xbd: {  	_ =	strace $0x90000048  }
0xbe: {  	_ =	sfence  }
0xbf: {  	s30 =	sld [smem:$0x0];
	_ =	sdelay $0x2  }
0xc0: {  	s31 =	sshll.u32 s1, $0xD;
	s1 =	sshrl.u32 s1, $0x2  }
0xc1: {  	s3 =	sand.u32 $0x4000, s31;
	s1 =	sadd.s32 s1, s30  }
0xc2: {  	s0 =	sor.u32 s3, s0;
	s1 =	sshll.u32 s1, $0x11  }
0xc3: {  	s0 =	sor.u32 s1, s0  }
0xc4: {  	s0 =	sadd.s32 $0x8F2B, s0  }
0xc5: {  	[sflag:s0] =	ssyncadd.remote.s32 $0x1  }
0xc6: {  	_ =	sfence.sel $0xFFFF  }
0xc7: {  	[dreg:$0x0] =	wrdreg $0xFFFFFFFF;
	(pc) =	sbr.abs _section_cstart, $3  }
0xc8: {  	[dreg:$0x1] =	wrdreg $0xFFFFFFFF  }
0xc9: {  	_ =	task.clear_ibuf [dreg:s8], $0x2FFFF;
	_ =	strace $0x9FFFFFFF  }
0xca: {  	(tm) =	ssettm $0x7FFFFFFF  }
0xcb: {  	_ =	shalt  }
tec
execute0_lowered:
.L_overlay_start_1:
0x0: {  	(tag) =	ssettag $0x1  }
0x1: {  	s0 =	rddreg [dreg:$0x0]  }
0x2: {  	s2 =	rddreg [dreg:$0x2]  }
0x3: {  	s3 =	rddreg [dreg:$0x3];
	s4 =	srdreg.scid;
	s5 =	simm.s32 $0x0  }
0x4: {  	s1 =	stileid.u32;
	s17 =	simm.s32 $0x5080;
	s18 =	simm.s32 $0x2  }
0x5: {  	s19 =	simm.s32 $0x2780;
	s20 =	simm.s32 $0x4F00;
	s21 =	simm.s32 $0x4F80  }
0x6: {  	s22 =	simm.s32 $0x80;
	s23 =	simm.s32 $0x5000;
	s24 =	simm.s32 $0x1  }
0x7: {  	s25 =	simm.s32 $0x0;
	s9 =	sand.u32 $0x1, s4;
	s10 =	smul.u32 $0x13C00, s1  }
0x8: {  	[smem:$0x7FF] =	sst s5;
	s6 =	sadd.s32 $0x1000, s0;
	s11 =	smul.u32 $0x4F000, s1  }
0x9: {  	s7 =	sadd.s32 $0xA00, s0;
	s8 =	smul.u32 $0x13C000, s9;
	s31 =	ssub.s32 $0x2, s9  }
0xa: {  	_ =	strace $0x80000047;
	s9 =	sshll.u32 s9, $0x4;
	s12 =	sshrl.u32 s31, $0x1  }
0xb: {  	s9 =	sor.u32 s1, s9;
	s11 =	sshrl.u32 s11, $0x2;
	s10 =	sadd.s32 s10, s8  }
0xc: {  	s8 =	sadd.s32 $0x64000, s0;
	s16 =	ssub.s32 s31, s12;
	s10 =	sshrl.u32 s10, $0x3  }
0xd: {  	s9 =	smul.u32 $0x2800, s9;
	s0 =	sadd.s32 s10, s0;
	s10 =	sadd.s32 s11, s3  }
0xe: {  	s16 =	smax.u32 s16, $0x1;
	s11 =	sadd.s32 $0x4000, s10;
	s12 =	sadd.s32 $0x8000, s10  }
0xf: {  	v0 =	vimm.f32 $0.0e+00;
	s13 =	sadd.s32 $0xC000, s10;
	s14 =	sadd.s32 $0x10000, s10;
	s15 =	sadd.s32 $0x15000, s0  }
.LBB2_1:
0x10: {  	s0 =	simm.s32 $0x0;
	s26 =	simm.s32 $0x200  }
.LBB2_2:
0x11: {  	p0 =	sne.s32 s26, $0xFE00;
	[tilespmem:s0+$0x50F0] =	vst v0  }
0x12: {  	[tilespmem:s0+$0x5080] =	vst v0  }
0x13: {  	[tilespmem:s0+$0x5090] =	vst v0  }
.Ltmp0:
0x14: {  	[tilespmem:s0+$0x50A0] =	vst v0;
	(pc) =	sbr.rel @p0 .LBB2_2-.Ltmp0, $4  }
0x15: {  	[tilespmem:s0+$0x50B0] =	vst v0  }
0x16: {  	[tilespmem:s0+$0x50C0] =	vst v0  }
0x17: {  	[tilespmem:s0+$0x50D0] =	vst v0  }
0x18: {  	[tilespmem:s0+$0x50E0] =	vst v0;
	s0 =	sshra.s32 s26, $0x2;
	s26 =	sadd.s32 $0x200, s26  }
0x19: {  	[tilespmem:s0+$0x50F0] =	vst v0  }
0x1a: {  	[tilespmem:s0+$0x5080] =	vst v0  }
0x1b: {  	[tilespmem:s0+$0x5090] =	vst v0  }
0x1c: {  	[tilespmem:s0+$0x50A0] =	vst v0  }
0x1d: {  	[tilespmem:s0+$0x50B0] =	vst v0  }
0x1e: {  	[tilespmem:s0+$0x50C0] =	vst v0  }
0x1f: {  	[tilespmem:s0+$0x50D0] =	vst v0  }
0x20: {  	[tilespmem:s0+$0x50E0] =	vst v0  }
0x21: {  	[spmem:s10] =	stream.linear.scatter [tilespmem:s17], [sflag:$0x2], $0x4000, $0x38;
	[tilespmem:$0x1CC80] =	vst v63  }
0x22: {  	_ =	swait.ge [sflag:s18], $0x4000  }
0x23: {  	[sflag:s18] =	ssyncset.done $0x0  }
0x24: {  	[sflag:s18] =	ssyncadd.s32 $0xFFFFC000  }
0x25: {  	[spmem:s11] =	stream.linear.scatter [tilespmem:s17], [sflag:$0x2], $0x4000, $0x38;
	[tilespmem:$0x1CC80] =	vst v63  }
0x26: {  	_ =	swait.ge [sflag:s18], $0x4000  }
0x27: {  	[sflag:s18] =	ssyncset.done $0x0  }
0x28: {  	[sflag:s18] =	ssyncadd.s32 $0xFFFFC000  }
0x29: {  	[spmem:s12] =	stream.linear.scatter [tilespmem:s17], [sflag:$0x2], $0x4000, $0x38;
	[tilespmem:$0x1CC80] =	vst v63  }
0x2a: {  	_ =	swait.ge [sflag:s18], $0x4000  }
0x2b: {  	[sflag:s18] =	ssyncset.done $0x0  }
0x2c: {  	[sflag:s18] =	ssyncadd.s32 $0xFFFFC000  }
0x2d: {  	[spmem:s13] =	stream.linear.scatter [tilespmem:s17], [sflag:$0x2], $0x4000, $0x38;
	[tilespmem:$0x1CC80] =	vst v63  }
0x2e: {  	_ =	swait.ge [sflag:s18], $0x4000  }
0x2f: {  	[sflag:s18] =	ssyncset.done $0x0  }
0x30: {  	[sflag:s18] =	ssyncadd.s32 $0xFFFFC000  }
0x31: {  	[spmem:s14] =	stream.linear.scatter [tilespmem:s17], [sflag:$0x2], $0x3C00, $0x38;
	[tilespmem:$0x1CC80] =	vst v63  }
0x32: {  	_ =	swait.ge [sflag:s18], $0x3C00  }
0x33: {  	[sflag:s18] =	ssyncset.done $0x0  }
0x34: {  	s26 =	simm.s32 $0x0;
	[sflag:s18] =	ssyncadd.s32 $0xFFFFC400  }
0x35: {  	[tilespmem:s26], [sflag:$0x2] =	stream.linear.gather [hbm4b:s7+s26], $0x2780, $0x38;
	[tilespmem:$0x1CC80] =	vst v63  }
0x36: {  	_ =	swait.ge [sflag:s18], $0x2780  }
0x37: {  	[sflag:s18] =	ssyncset.done $0x0  }
0x38: {  	[sflag:s18] =	ssyncadd.s32 $0xFFFFD880  }
0x39: {  	s31 =	rddreg [dreg:$0x1]  }
0x3a: {  	[tilespmem:s19], [sflag:$0x2] =	stream.linear.gather [hbm4b:s31+s26], $0x2780, $0x38;
	[tilespmem:$0x1CC80] =	vst v63  }
0x3b: {  	_ =	swait.ge [sflag:s18], $0x2780  }
0x3c: {  	[sflag:s18] =	ssyncset.done $0x0  }
0x3d: {  	[sflag:s18] =	ssyncadd.s32 $0xFFFFD880  }
0x3e: {  	s28 =	simm.s32 $0x0;
	[bflag:$0x0] =	sbarrier.arrive $0xFFFF  }
.LBB2_4:
0x3f: {  	s0 =	sshll.u32 s28, $0x7  }
0x40: {  	s29 =	sadd.s32 s9, s0  }
0x41: {  	s0 =	sshrl.u32 s29, $0x3  }
0x42: {  	s30 =	sadd.s32 s6, s0  }
0x43: {  	[tilespmem:s20], [sflag:$0x2] =	stream.linear.gather [hbm4b:s30+s26], $0x80, $0x38;
	[tilespmem:$0x1CC80] =	vst v63  }
0x44: {  	_ =	swait.ge [sflag:s18], $0x80  }
0x45: {  	[sflag:s18] =	ssyncset.done $0x0  }
0x46: {  	s30 =	sadd.s32 $0xA000, s30;
	[sflag:s18] =	ssyncadd.s32 $0xFFFFFF80  }
0x47: {  	[tilespmem:s21], [sflag:$0x2] =	stream.linear.gather [hbm4b:s30+s26], $0x80, $0x38;
	[tilespmem:$0x1CC80] =	vst v63  }
0x48: {  	_ =	swait.ge [sflag:s18], $0x80  }
0x49: {  	[sflag:s18] =	ssyncset.done $0x0  }
0x4a: {  	p0 =	por $0x1, $0x1;
	s30 =	simm.s32 $0x0;
	[sflag:s18] =	ssyncadd.s32 $0xFFFFFF80  }
0x4b: {  	[tilespmem:s17], [sflag:$0x1] =	stream.indirect.gather [hbm4b:s2+s22], $0x80, s20, s22, $0xb8;
	[tilespmem:$0x1CC80] =	vst v63  }
.LBB2_5:
0x4c: {  	v1 =	vld [tilespmem:s30+$0x4F00]  }
0x4d: {  	v2 =	vld [tilespmem:s30+$0x4F80];
	_ =	sdelay $0x6  }
0x4e: {  	v1 =	vld.idx.msk [tilespmem:v1+s5+$0x0], $0xffff  }
0x4f: {  	v2 =	vld.idx.msk [tilespmem:v2+s19+$0x0], $0xffff;
	_ =	sdelay $0x4  }
0x50: {  	v1 =	vadd.f32 v2, v1;
	_ =	sdelay $0x1  }
0x51: {  	v1 =	vsub.f32 $0.0e+00, v1;
	_ =	sdelay $0x1  }
0x52: {  	v1 =	vmul.f32 $1.442695020e+00, v1;
	_ =	sdelay $0x1  }
0x53: {  	(erf) = vpow2.f32 v1;
	_ =	sdelay $0x8  }
0x54: {  	v1 =	vpop (erf)  }
0x55: {  	v1 =	vadd.f32 $1.000000000e+00, v1;
	_ =	sdelay $0x1  }
0x56: {  	(erf) = vrcp.f32 v1;
	_ =	sdelay $0x8  }
0x57: {  	v1 =	vpop (erf)  }
0x58: {  	v1 =	vmul.f32 $1.442695020e+00, v1;
	_ =	sdelay $0x1  }
0x59: {  	(erf) = vpow2.f32 v1;
	_ =	sdelay $0x7  }
0x5a: {  	s31 =	sor.u32 s29, s30  }
0x5b: {  	p1 =	slt.u32 s31, $0x4E200;
	v1 =	vpop (erf)  }
0x5c: {  	v2 =	vld [tilespmem:s30+$0x4F90];
	v1 =	vpsel !p1, $0x0, v1  }
0x5d: {  	[tilespmem:s30+$0x5000] =	vst v1;
	v1 =	vld [tilespmem:s30+$0x4F10];
	_ =	sdelay $0x6  }
0x5e: {  	v2 =	vld.idx.msk [tilespmem:v2+s19+$0x0], $0xffff  }
0x5f: {  	v1 =	vld.idx.msk [tilespmem:v1+s5+$0x0], $0xffff;
	_ =	sdelay $0x4  }
0x60: {  	v1 =	vadd.f32 v2, v1;
	_ =	sdelay $0x1  }
0x61: {  	v1 =	vsub.f32 $0.0e+00, v1;
	_ =	sdelay $0x1  }
0x62: {  	v1 =	vmul.f32 $1.442695020e+00, v1;
	_ =	sdelay $0x1  }
0x63: {  	(erf) = vpow2.f32 v1;
	_ =	sdelay $0x8  }
0x64: {  	v1 =	vpop (erf)  }
0x65: {  	v1 =	vadd.f32 $1.000000000e+00, v1;
	_ =	sdelay $0x1  }
0x66: {  	(erf) = vrcp.f32 v1;
	_ =	sdelay $0x8  }
0x67: {  	v1 =	vpop (erf)  }
0x68: {  	v1 =	vmul.f32 $1.442695020e+00, v1;
	_ =	sdelay $0x1  }
0x69: {  	(erf) = vpow2.f32 v1;
	_ =	sdelay $0x7  }
0x6a: {  	s1 =	sor.u32 $0x10, s31  }
0x6b: {  	p4 =	slt.u32 s1, $0x4E200;
	v1 =	vpop (erf)  }
0x6c: {  	v2 =	vld [tilespmem:s30+$0x4FA0];
	v1 =	vpsel !p4, $0x0, v1  }
0x6d: {  	[tilespmem:s30+$0x5010] =	vst v1;
	v1 =	vld [tilespmem:s30+$0x4F20];
	_ =	sdelay $0x6  }
0x6e: {  	v2 =	vld.idx.msk [tilespmem:v2+s19+$0x0], $0xffff  }
0x6f: {  	v1 =	vld.idx.msk [tilespmem:v1+s5+$0x0], $0xffff;
	_ =	sdelay $0x4  }
0x70: {  	v1 =	vadd.f32 v2, v1;
	_ =	sdelay $0x1  }
0x71: {  	v1 =	vsub.f32 $0.0e+00, v1;
	_ =	sdelay $0x1  }
0x72: {  	v1 =	vmul.f32 $1.442695020e+00, v1;
	_ =	sdelay $0x1  }
0x73: {  	(erf) = vpow2.f32 v1;
	_ =	sdelay $0x8  }
0x74: {  	v1 =	vpop (erf)  }
0x75: {  	v1 =	vadd.f32 $1.000000000e+00, v1;
	_ =	sdelay $0x1  }
0x76: {  	(erf) = vrcp.f32 v1;
	_ =	sdelay $0x8  }
0x77: {  	v1 =	vpop (erf)  }
0x78: {  	v1 =	vmul.f32 $1.442695020e+00, v1;
	_ =	sdelay $0x1  }
0x79: {  	(erf) = vpow2.f32 v1;
	_ =	sdelay $0x7  }
0x7a: {  	s4 =	sor.u32 $0x20, s31  }
0x7b: {  	p5 =	slt.u32 s4, $0x4E200;
	v1 =	vpop (erf)  }
0x7c: {  	v2 =	vld [tilespmem:s30+$0x4FB0];
	v1 =	vpsel !p5, $0x0, v1  }
0x7d: {  	[tilespmem:s30+$0x5020] =	vst v1;
	v1 =	vld [tilespmem:s30+$0x4F30];
	_ =	sdelay $0x6  }
0x7e: {  	v2 =	vld.idx.msk [tilespmem:v2+s19+$0x0], $0xffff  }
0x7f: {  	v1 =	vld.idx.msk [tilespmem:v1+s5+$0x0], $0xffff;
	_ =	sdelay $0x4  }
0x80: {  	v1 =	vadd.f32 v2, v1;
	_ =	sdelay $0x1  }
0x81: {  	v1 =	vsub.f32 $0.0e+00, v1;
	_ =	sdelay $0x1  }
0x82: {  	v1 =	vmul.f32 $1.442695020e+00, v1;
	_ =	sdelay $0x1  }
0x83: {  	(erf) = vpow2.f32 v1;
	_ =	sdelay $0x8  }
0x84: {  	v1 =	vpop (erf)  }
0x85: {  	v1 =	vadd.f32 $1.000000000e+00, v1;
	_ =	sdelay $0x1  }
0x86: {  	(erf) = vrcp.f32 v1;
	_ =	sdelay $0x8  }
0x87: {  	v1 =	vpop (erf)  }
0x88: {  	v1 =	vmul.f32 $1.442695020e+00, v1;
	_ =	sdelay $0x1  }
0x89: {  	(erf) = vpow2.f32 v1;
	_ =	sdelay $0x5  }
0x8a: {  	p1 =	por p0, p0  }
.Ltmp1:
0x8b: {  	_ = 	snop;
	(pc) =	sbr.rel @p1 .LBB2_5-.Ltmp1, $4  }
0x8c: {  	s31 =	sor.u32 $0x30, s31  }
0x8d: {  	p6 =	slt.u32 s31, $0x4E200;
	v1 =	vpop (erf)  }
0x8e: {  	v1 =	vpsel !p6, $0x0, v1  }
0x8f: {  	p0 =	por $0x0, $0x0;
	[tilespmem:s30+$0x5030] =	vst v1;
	s30 =	simm.s32 $0x40  }
0x90: {  	s30 =	simm.s32 $0x0;
	s0 =	sadd.s32 s8, s0  }
0x91: {  	v1 =	vmov s30;
	[hbm4b:s0+s30] =	stream.linear.scatter [tilespmem:s23], [sflag:$0x2], $0x80, $0x38;
	[tilespmem:$0x1CC80] =	vst v63  }
0x92: {  	v1 =	vand.u32 $0xFFFFFFF8, v1;
	_ =	swait.ge [sflag:s18], $0x80  }
0x93: {  	v1 =	vbroadcast v1, $0x0;
	[sflag:s18] =	ssyncset.done $0x0  }
0x94: {  	[sflag:s18] =	ssyncadd.s32 $0xFFFFFF80  }
0x95: {  	_ =	swait.ge [sflag:s24], $0x4000  }
0x96: {  	[sflag:s24] =	ssyncset.done $0x0  }
0x97: {  	s29 =	simm.s32 $0x5280;
	[sflag:s24] =	ssyncadd.s32 $0xFFFFC000  }
0x98: {  	v2 =	vld [tilespmem:s29+$0xFFFFFE00]  }
0x99: {  	v1 =	vld.idx.msk [tilespmem:v1+s23+$0x0], $0xffff  }
0x9a: {  	v3 =	vld [tilespmem:s29+$0xFFFFFE30]  }
0x9b: {  	s1 =	simm.s32 $0x1;
	v4 =	vld [tilespmem:s29+$0xFFFFFE10]  }
0x9c: {  	v6 =	vmov s1;
	v5 =	vld [tilespmem:s29+$0xFFFFFE20]  }
0x9d: {  	v6 =	vand.u32 $0xFFFFFFF9, v6  }
0x9e: {  	v6 =	vbroadcast v6, $0x0;
	v2 =	vmul.f32 v2, v1  }
0x9f: {  	v3 =	vmul.f32 v3, v1;
	[tilespmem:s29+$0xFFFFFE40] =	vst v1  }
0xa0: {  	[tilespmem:s29+$0xFFFFFE00] =	vst v2;
	v2 =	vmul.f32 v4, v1  }
0xa1: {  	v1 =	vmul.f32 v5, v1;
	[tilespmem:s29+$0xFFFFFE30] =	vst v3  }
0xa2: {  	[tilespmem:s29+$0xFFFFFE10] =	vst v2  }
0xa3: {  	[tilespmem:s29+$0xFFFFFE20] =	vst v1;
	v2 =	vld [tilespmem:s29+$0xFFFFFE80]  }
0xa4: {  	v1 =	vld.idx.msk [tilespmem:v6+s23+$0x0], $0xffff  }
0xa5: {  	v3 =	vld [tilespmem:s29+$0xFFFFFEA0]  }
0xa6: {  	s4 =	simm.s32 $0x2;
	v4 =	vld [tilespmem:s29+$0xFFFFFEB0]  }
0xa7: {  	v5 =	vld [tilespmem:s29+$0xFFFFFE90];
	v6 =	vmov s4  }
0xa8: {  	v6 =	vand.u32 $0xFFFFFFFA, v6  }
0xa9: {  	v6 =	vbroadcast v6, $0x0;
	v2 =	vmul.f32 v2, v1  }
0xaa: {  	[tilespmem:s29+$0xFFFFFEC0] =	vst v1;
	v3 =	vmul.f32 v3, v1  }
0xab: {  	v4 =	vmul.f32 v4, v1;
	[tilespmem:s29+$0xFFFFFE80] =	vst v2  }
0xac: {  	v1 =	vmul.f32 v5, v1;
	[tilespmem:s29+$0xFFFFFEA0] =	vst v3  }
0xad: {  	[tilespmem:s29+$0xFFFFFEB0] =	vst v4  }
0xae: {  	[tilespmem:s29+$0xFFFFFE90] =	vst v1;
	v2 =	vld [tilespmem:s29+$0xFFFFFF00]  }
0xaf: {  	v1 =	vld.idx.msk [tilespmem:v6+s23+$0x0], $0xffff  }
0xb0: {  	v3 =	vld [tilespmem:s29+$0xFFFFFF20]  }
0xb1: {  	s1 =	simm.s32 $0x3;
	v4 =	vld [tilespmem:s29+$0xFFFFFF10]  }
0xb2: {  	v5 =	vld [tilespmem:s29+$0xFFFFFF30];
	v6 =	vmov s1  }
0xb3: {  	v6 =	vand.u32 $0xFFFFFFFB, v6  }
0xb4: {  	v6 =	vbroadcast v6, $0x0;
	v2 =	vmul.f32 v2, v1  }
0xb5: {  	[tilespmem:s29+$0xFFFFFF40] =	vst v1;
	v3 =	vmul.f32 v3, v1  }
0xb6: {  	[tilespmem:s29+$0xFFFFFF00] =	vst v2;
	v2 =	vmul.f32 v4, v1  }
0xb7: {  	v1 =	vmul.f32 v5, v1;
	[tilespmem:s29+$0xFFFFFF20] =	vst v3  }
0xb8: {  	[tilespmem:s29+$0xFFFFFF10] =	vst v2  }
0xb9: {  	[tilespmem:s29+$0xFFFFFF30] =	vst v1;
	v2 =	vld [tilespmem:s29+$0xFFFFFF80]  }
0xba: {  	v1 =	vld.idx.msk [tilespmem:v6+s23+$0x0], $0xffff  }
0xbb: {  	v3 =	vld [tilespmem:s29+$0xFFFFFFB0]  }
0xbc: {  	s4 =	simm.s32 $0x4;
	v4 =	vld [tilespmem:s29+$0xFFFFFF90]  }
0xbd: {  	v5 =	vld [tilespmem:s29+$0xFFFFFFA0];
	v6 =	vmov s4  }
0xbe: {  	v6 =	vand.u32 $0xFFFFFFFC, v6  }
0xbf: {  	v6 =	vbroadcast v6, $0x0;
	v2 =	vmul.f32 v2, v1  }
0xc0: {  	v3 =	vmul.f32 v3, v1;
	[tilespmem:s29+$0xFFFFFFC0] =	vst v1  }
0xc1: {  	[tilespmem:s29+$0xFFFFFF80] =	vst v2;
	v2 =	vmul.f32 v4, v1  }
0xc2: {  	v1 =	vmul.f32 v5, v1;
	[tilespmem:s29+$0xFFFFFFB0] =	vst v3  }
0xc3: {  	[tilespmem:s29+$0xFFFFFF90] =	vst v2  }
0xc4: {  	[tilespmem:s29+$0xFFFFFFA0] =	vst v1;
	v2 =	vld [tilespmem:s29+$0x0]  }
0xc5: {  	v1 =	vld.idx.msk [tilespmem:v6+s23+$0x0], $0xffff  }
0xc6: {  	v3 =	vld [tilespmem:s29+$0x10]  }
0xc7: {  	s1 =	simm.s32 $0x5;
	v4 =	vld [tilespmem:s29+$0x30]  }
0xc8: {  	v5 =	vld [tilespmem:s29+$0x20];
	v6 =	vmov s1  }
0xc9: {  	v6 =	vand.u32 $0xFFFFFFFD, v6  }
0xca: {  	v6 =	vbroadcast v6, $0x0;
	v2 =	vmul.f32 v2, v1  }
0xcb: {  	v3 =	vmul.f32 v3, v1;
	[tilespmem:s29+$0x40] =	vst v1  }
0xcc: {  	[tilespmem:s29+$0x0] =	vst v2;
	v2 =	vmul.f32 v4, v1  }
0xcd: {  	v1 =	vmul.f32 v5, v1;
	[tilespmem:s29+$0x10] =	vst v3  }
0xce: {  	v3 =	vld [tilespmem:s29+$0xB0];
	[tilespmem:s29+$0x30] =	vst v2  }
0xcf: {  	[tilespmem:s29+$0x20] =	vst v1;
	v1 =	vld [tilespmem:s29+$0x80]  }
0xd0: {  	v5 =	vld.idx.msk [tilespmem:v6+s23+$0x0], $0xffff  }
0xd1: {  	v2 =	vld [tilespmem:s29+$0xA0]  }
0xd2: {  	v6 =	vld [tilespmem:s29+$0x90]  }
0xd3: {  	s4 =	simm.s32 $0x6  }
0xd4: {  	v4 =	vmov s4  }
0xd5: {  	v4 =	vand.u32 $0xFFFFFFFE, v4;
	v7 =	vmul.f32 v1, v5  }
0xd6: {  	[tilespmem:s29+$0xC0] =	vst v5;
	v1 =	vbroadcast v4, $0x0;
	v2 =	vmul.f32 v2, v5  }
0xd7: {  	s31 =	simm.s32 $0x8;
	s0 =	simm.s32 $0x5280;
	v4 =	vmul.f32 v3, v5;
	v3 =	vmul.f32 v6, v5;
	[tilespmem:s29+$0x80] =	vst v7  }
.LBB2_7:
0xd8: {  	p0 =	slt.u32 s31, $0x78  }
0xd9: {  	[tilespmem:s29+$0xB0] =	vst v4;
	s0 =	sadd.s32 $0x400, s0;
	s1 =	smov.u32 s31;
	s31 =	sadd.s32 $0x8, s31  }
0xda: {  	[tilespmem:s29+$0x90] =	vst v3;
	v3 =	vld [tilespmem:s29+$0x130]  }
0xdb: {  	[tilespmem:s29+$0xA0] =	vst v2;
	v2 =	vld [tilespmem:s29+$0x100]  }
0xdc: {  	v1 =	vld.idx.msk [tilespmem:v1+s23+$0x0], $0xffff  }
0xdd: {  	v4 =	vld [tilespmem:s29+$0x110]  }
0xde: {  	v5 =	vld [tilespmem:s29+$0x120];
	_ =	sdelay $0x3  }
0xdf: {  	s4 =	sadd.s32 $0x7, s30;
	s30 =	smov.u32 s1;
	v2 =	vmul.f32 v2, v1;
	v4 =	vmul.f32 v4, v1;
	[tilespmem:s29+$0x140] =	vst v1  }
0xe0: {  	v5 =	vmul.f32 v5, v1;
	v1 =	vmul.f32 v3, v1;
	v3 =	vmov s4  }
0xe1: {  	[tilespmem:s29+$0x100] =	vst v2  }
0xe2: {  	[tilespmem:s29+$0x120] =	vst v5  }
0xe3: {  	[tilespmem:s29+$0x130] =	vst v1  }
0xe4: {  	[tilespmem:s29+$0x110] =	vst v4;
	v1 =	vld [tilespmem:s29+$0x180]  }
0xe5: {  	v2 =	vld.idx.msk [tilespmem:v3+s23+$0x0], $0xffff  }
0xe6: {  	v3 =	vld [tilespmem:s29+$0x190]  }
0xe7: {  	v4 =	vld [tilespmem:s29+$0x1A0]  }
0xe8: {  	v5 =	vld [tilespmem:s29+$0x1B0];
	_ =	sdelay $0x1  }
0xe9: {  	v6 =	vmov s30  }
0xea: {  	v6 =	vand.u32 $0xFFFFFFF8, v6;
	v1 =	vmul.f32 v1, v2;
	v3 =	vmul.f32 v3, v2;
	[tilespmem:s29+$0x1C0] =	vst v2  }
0xeb: {  	v6 =	vbroadcast v6, $0x0;
	v4 =	vmul.f32 v4, v2  }
0xec: {  	[tilespmem:s29+$0x180] =	vst v1;
	v1 =	vmul.f32 v5, v2  }
0xed: {  	[tilespmem:s29+$0x190] =	vst v3  }
0xee: {  	[tilespmem:s29+$0x1B0] =	vst v1  }
0xef: {  	v1 =	vld [tilespmem:s0+$0xFFFFFE20];
	[tilespmem:s29+$0x1A0] =	vst v4;
	s29 =	smov.u32 s0  }
0xf0: {  	v2 =	vld [tilespmem:s0+$0xFFFFFE30]  }
0xf1: {  	v3 =	vld.idx.msk [tilespmem:v6+s23+$0x0], $0xffff  }
0xf2: {  	v4 =	vld [tilespmem:s0+$0xFFFFFE00]  }
0xf3: {  	v5 =	vld [tilespmem:s0+$0xFFFFFE10]  }
0xf4: {  	s1 =	sadd.s32 $0x1, s30  }
0xf5: {  	v6 =	vmov s1  }
0xf6: {  	v6 =	vand.u32 $0xFFFFFFF9, v6  }
0xf7: {  	v6 =	vbroadcast v6, $0x0;
	v4 =	vmul.f32 v4, v3  }
0xf8: {  	v1 =	vmul.f32 v1, v3;
	v2 =	vmul.f32 v2, v3;
	[tilespmem:s0+$0xFFFFFE40] =	vst v3  }
0xf9: {  	v3 =	vmul.f32 v5, v3;
	[tilespmem:s0+$0xFFFFFE00] =	vst v4  }
0xfa: {  	[tilespmem:s0+$0xFFFFFE30] =	vst v2  }
0xfb: {  	[tilespmem:s0+$0xFFFFFE10] =	vst v3;
	v2 =	vld [tilespmem:s0+$0xFFFFFEB0]  }
0xfc: {  	[tilespmem:s0+$0xFFFFFE20] =	vst v1;
	v1 =	vld [tilespmem:s0+$0xFFFFFE90]  }
0xfd: {  	v3 =	vld.idx.msk [tilespmem:v6+s23+$0x0], $0xffff  }
0xfe: {  	v4 =	vld [tilespmem:s0+$0xFFFFFE80]  }
0xff: {  	v5 =	vld [tilespmem:s0+$0xFFFFFEA0]  }
0x100: {  	s1 =	sadd.s32 $0x2, s30  }
0x101: {  	v6 =	vmov s1  }
0x102: {  	v6 =	vand.u32 $0xFFFFFFFA, v6  }
0x103: {  	v6 =	vbroadcast v6, $0x0;
	v4 =	vmul.f32 v4, v3;
	[tilespmem:s0+$0xFFFFFEC0] =	vst v3  }
0x104: {  	v2 =	vmul.f32 v2, v3;
	v5 =	vmul.f32 v5, v3  }
0x105: {  	v1 =	vmul.f32 v1, v3;
	[tilespmem:s0+$0xFFFFFE80] =	vst v4  }
0x106: {  	[tilespmem:s0+$0xFFFFFEA0] =	vst v5  }
0x107: {  	[tilespmem:s0+$0xFFFFFEB0] =	vst v2;
	v2 =	vld [tilespmem:s0+$0xFFFFFF30]  }
0x108: {  	[tilespmem:s0+$0xFFFFFE90] =	vst v1;
	v1 =	vld [tilespmem:s0+$0xFFFFFF10]  }
0x109: {  	v3 =	vld.idx.msk [tilespmem:v6+s23+$0x0], $0xffff  }
0x10a: {  	v4 =	vld [tilespmem:s0+$0xFFFFFF00]  }
0x10b: {  	v5 =	vld [tilespmem:s0+$0xFFFFFF20]  }
0x10c: {  	s1 =	sadd.s32 $0x3, s30  }
0x10d: {  	v6 =	vmov s1  }
0x10e: {  	v6 =	vand.u32 $0xFFFFFFFB, v6  }
0x10f: {  	v6 =	vbroadcast v6, $0x0;
	v4 =	vmul.f32 v4, v3;
	[tilespmem:s0+$0xFFFFFF40] =	vst v3  }
0x110: {  	v2 =	vmul.f32 v2, v3;
	v5 =	vmul.f32 v5, v3  }
0x111: {  	v1 =	vmul.f32 v1, v3;
	[tilespmem:s0+$0xFFFFFF00] =	vst v4  }
0x112: {  	[tilespmem:s0+$0xFFFFFF20] =	vst v5  }
0x113: {  	[tilespmem:s0+$0xFFFFFF10] =	vst v1;
	v1 =	vld [tilespmem:s0+$0xFFFFFFB0]  }
0x114: {  	[tilespmem:s0+$0xFFFFFF30] =	vst v2;
	v2 =	vld [tilespmem:s0+$0xFFFFFF90]  }
0x115: {  	v3 =	vld.idx.msk [tilespmem:v6+s23+$0x0], $0xffff  }
0x116: {  	v4 =	vld [tilespmem:s0+$0xFFFFFF80]  }
0x117: {  	v5 =	vld [tilespmem:s0+$0xFFFFFFA0];
	_ =	sdelay $0x1  }
0x118: {  	s1 =	sadd.s32 $0x4, s30  }
0x119: {  	v6 =	vmov s1  }
0x11a: {  	v6 =	vand.u32 $0xFFFFFFFC, v6;
	v1 =	vmul.f32 v1, v3;
	v4 =	vmul.f32 v4, v3;
	[tilespmem:s0+$0xFFFFFFC0] =	vst v3  }
0x11b: {  	v6 =	vbroadcast v6, $0x0;
	v5 =	vmul.f32 v5, v3  }
0x11c: {  	v2 =	vmul.f32 v2, v3;
	[tilespmem:s0+$0xFFFFFF80] =	vst v4  }
0x11d: {  	[tilespmem:s0+$0xFFFFFFB0] =	vst v1  }
0x11e: {  	[tilespmem:s0+$0xFFFFFF90] =	vst v2  }
0x11f: {  	v1 =	vld [tilespmem:s0+$0x30]  }
0x120: {  	[tilespmem:s0+$0xFFFFFFA0] =	vst v5;
	v2 =	vld [tilespmem:s0+$0x10]  }
0x121: {  	v3 =	vld.idx.msk [tilespmem:v6+s23+$0x0], $0xffff  }
0x122: {  	v4 =	vld [tilespmem:s0+$0x0]  }
0x123: {  	v5 =	vld [tilespmem:s0+$0x20]  }
0x124: {  	s1 =	sadd.s32 $0x5, s30  }
0x125: {  	v6 =	vmov s1  }
0x126: {  	v6 =	vand.u32 $0xFFFFFFFD, v6  }
0x127: {  	v2 =	vmul.f32 v2, v3;
	v4 =	vmul.f32 v4, v3;
	[tilespmem:s0+$0x40] =	vst v3  }
0x128: {  	v6 =	vbroadcast v6, $0x0;
	v5 =	vmul.f32 v5, v3  }
0x129: {  	v1 =	vmul.f32 v1, v3;
	[tilespmem:s0+$0x0] =	vst v4  }
0x12a: {  	[tilespmem:s0+$0x10] =	vst v2  }
0x12b: {  	[tilespmem:s0+$0x30] =	vst v1  }
0x12c: {  	[tilespmem:s0+$0x20] =	vst v5;
	v3 =	vld [tilespmem:s0+$0xB0]  }
0x12d: {  	v1 =	vld [tilespmem:s0+$0x80]  }
0x12e: {  	v5 =	vld.idx.msk [tilespmem:v6+s23+$0x0], $0xffff  }
0x12f: {  	v6 =	vld [tilespmem:s0+$0x90]  }
0x130: {  	v2 =	vld [tilespmem:s0+$0xA0]  }
0x131: {  	s1 =	sadd.s32 $0x6, s30  }
.Ltmp2:
0x132: {  	v4 =	vmov s1;
	(pc) =	sbr.rel @p0 .LBB2_7-.Ltmp2, $4  }
0x133: {  	v4 =	vand.u32 $0xFFFFFFFE, v4  }
0x134: {  	v7 =	vmul.f32 v1, v5;
	v1 =	vbroadcast v4, $0x0;
	[tilespmem:s0+$0xC0] =	vst v5  }
0x135: {  	v4 =	vmul.f32 v3, v5;
	v2 =	vmul.f32 v2, v5  }
0x136: {  	v3 =	vmul.f32 v6, v5;
	[tilespmem:s0+$0x80] =	vst v7  }
0x137: {  	_ = 	snop  }
0x138: {  	[tilespmem:s29+$0xB0] =	vst v4  }
0x139: {  	[tilespmem:s29+$0xA0] =	vst v2  }
0x13a: {  	v2 =	vld [tilespmem:s29+$0x100];
	[tilespmem:s29+$0x90] =	vst v3  }
0x13b: {  	v1 =	vld.idx.msk [tilespmem:v1+s23+$0x0], $0xffff;
	_ =	sdelay $0x1  }
0x13c: {  	v3 =	vld [tilespmem:s29+$0x120]  }
0x13d: {  	v61 =	vld [tilespmem:s29+$0x130]  }
0x13e: {  	v5 =	vld [tilespmem:s29+$0x110]  }
0x13f: {  	v2 =	vmul.f32 v2, v1  }
0x140: {  	s0 =	sadd.s32 $0x7, s30  }
0x141: {  	v3 =	vmul.f32 v3, v1;
	[tilespmem:s29+$0x100] =	vst v2;
	v2 =	vmov s0  }
0x142: {  	[tilespmem:s29+$0x140] =	vst v1;
	v4 =	vmul.f32 v61, v1  }
0x143: {  	v1 =	vmul.f32 v5, v1;
	[tilespmem:s29+$0x120] =	vst v3  }
0x144: {  	[tilespmem:s29+$0x130] =	vst v4  }
0x145: {  	[tilespmem:s29+$0x110] =	vst v1;
	v1 =	vld [tilespmem:s29+$0x180]  }
0x146: {  	v2 =	vld.idx.msk [tilespmem:v2+s23+$0x0], $0xffff  }
0x147: {  	v3 =	vld [tilespmem:s29+$0x190]  }
0x148: {  	v62 =	vld [tilespmem:s29+$0x1B0]  }
0x149: {  	v63 =	vld [tilespmem:s29+$0x1A0];
	_ =	sdelay $0x1  }
0x14a: {  	v1 =	vmul.f32 v1, v2  }
0x14b: {  	v3 =	vmul.f32 v3, v2;
	[tilespmem:s29+$0x1C0] =	vst v2  }
0x14c: {  	[tilespmem:s29+$0x180] =	vst v1;
	v1 =	vmul.f32 v62, v2  }
0x14d: {  	s28 =	sadd.s32 $0x1, s28;
	v2 =	vmul.f32 v63, v2;
	[tilespmem:s29+$0x190] =	vst v3  }
0x14e: {  	p0 =	sne.s32 s28, $0x50;
	[tilespmem:s29+$0x1B0] =	vst v1  }
.Ltmp3:
0x14f: {  	[tilespmem:s29+$0x1A0] =	vst v2;
	(pc) =	sbr.rel @p0 .LBB2_4-.Ltmp3, $4  }
0x150: {  	[spmem:s3] =	stream.indirect.scatter.add.f32 [tilespmem:s17], [sflag:$0x2], $0x80, s21, s22, $0xb8;
	[tilespmem:$0x1CC80] =	vst v63  }
0x151: {  	_ =	swait.ge [sflag:s18], $0x4000  }
0x152: {  	[sflag:s18] =	ssyncset.done $0x0  }
0x153: {  	[sflag:s18] =	ssyncadd.s32 $0xFFFFC000  }
0x154: {  	s0 =	stileid.u32;
	s25 =	sadd.s32 $0x1, s25  }
0x155: {  	[bflag:$0x0] =	sbarrier.arrive $0xFFFF;
	s0 =	sshll.u32 s0, $0x6;
	p0 =	sne.s32 s25, s16  }
.Ltmp4:
0x156: {  	s1 =	sshrl.u32 s10, $0x3;
	s0 =	sor.u32 $0x1C02, s0;
	(pc) =	sbr.rel @p0 .LBB2_1-.Ltmp4, $4  }
0x157: {  	[hbm:s15], [sflag:s0] =	dma.local [spmem:s1], $0x2780  }
0x158: {  	_ =	swait.ge [sflag:s18], $0x2780  }
0x159: {  	[sflag:s18] =	ssyncset.done $0x0  }
0x15a: {  	[sflag:s18] =	ssyncadd.s32 $0xFFFFD880  }
0x15b: {  	_ =	sfence.sel $0x180000  }
0x15c: {  	[bflag:$0x0] =	sbarrier.arrive $0xFFFF  }
0x15d: {  	_ =	strace $0x90000047  }
0x15e: {  	s0 =	stileid.u32;
	[bflag:$0x2] =	sbarrier.arrive $0xFFFF  }
0x15f: {  	p0 =	sne.s32 s0, $0x0;
	s0 =	rddreg [dreg:$0x4]  }
0x160: {  	s0 =	sadd.s32 @!p0 $0x100000, s0  }
0x161: {  	[sflag:s0] =	ssyncadd.tile.s32 @!p0 $0x1;
	_ =	shalt  }
.Lfunc_end2:
_tile_overlayer_lowered:
.L_overlay_start_2:
0x162: {  	(tag) =	ssettag $0x2  }
0x163: {  	s0 =	rddreg [dreg:$0x0];
	s2 =	stileid.u32  }
0x164: {  	s1 =	rddreg [dreg:$0x1];
	p0 =	sne.s32 s2, $0x0  }
0x165: {  	s3 =	rddreg [dreg:$0x2];
	[bflag:$0x3] =	sbarrier.arrive $0xFFFF;
	s2 =	simm.s32 @!p0 $0x1C02  }
0x166: {  	[timem:s3], [sflag:s2] =	dma.local @!p0 [hbm:s0], s1  }
0x167: {  	s0 =	simm.s32 @!p0 $0x2  }
0x168: {  	_ =	swait.ge @!p0 [sflag:s0], s1  }
0x169: {  	s1 =	ssub.s32 @!p0 $0x0, s1;
	[sflag:s0] =	ssyncset.done @!p0 $0x0  }
0x16a: {  	[sflag:s0] =	ssyncadd.s32 @!p0 s1  }
0x16b: {  	[bflag:$0x3] =	sbarrier.arrive $0xFFFF  }
0x16c: {  	_ =	shalt  }

</sc_bundles>
